<compile_context>
chip_gen: v7x
topology: tpu7x:2x2x1
jax: 0.10.2.dev20260603
libtpu: 0.0.44.dev20260713+nightly
codegen_flags: <defaults>
</compile_context>

<pallas_src>
import functools

import jax
import jax.numpy as jnp
from jax import lax
from jax.experimental import pallas as pl
from jax.experimental.pallas import tpu as pltpu
from jax.experimental.pallas import tpu_sc as plsc

_VOCAB = 1000000
_EMBED = 32
_NC = 2
_NS = 16
_NW = _NC * _NS
_CH = 128
_K = 5
_NG = 10
_NCH = _K * _NG
_BPW = _CH * _NCH
_B = _NW * _BPW
_NT = _B // _CH

@functools.partial(
    pl.kernel,
    mesh=plsc.VectorSubcoreMesh(core_axis_name="c", subcore_axis_name="s"),
    out_type=jax.ShapeDtypeStruct((_NW * _NG, _K, _CH, _EMBED), jnp.float32),
    scratch_types=[
        pltpu.VMEM((_NCH, _CH), jnp.int32),
        pltpu.VMEM((_K, _CH, _EMBED), jnp.float32),
        pltpu.VMEM((_K, _CH, _EMBED), jnp.float32),
        pltpu.VMEM((_K, _CH, _EMBED), jnp.float32),
        pltpu.SemaphoreType.DMA,
        pltpu.SemaphoreType.DMA,
        pltpu.SemaphoreType.DMA,
        pltpu.SemaphoreType.DMA,
    ],
    compiler_params=pltpu.CompilerParams(use_tc_tiling_on_sc=False),
)
def _emb_gather(
    table_hbm, idx_hbm, out_hbm, idx_v, buf0, buf1, buf2, gsem0, gsem1, gsem2, wsem
):
    wid = lax.axis_index("s") * _NC + lax.axis_index("c")
    pltpu.sync_copy(idx_hbm.at[pl.ds(wid * _NCH, _NCH)], idx_v)

    bufs = (buf0, buf1, buf2)
    gsems = (gsem0, gsem1, gsem2)

    def issue_group(g, buf):
        return [
            pltpu.async_copy(
                table_hbm.at[idx_v.at[g * _K + j]],
                buf.at[j],
                gsems[g % 3],
            )
            for j in range(_K)
        ]

    gdesc = [None] * _NG
    wdesc = [None] * _NG
    gdesc[0] = issue_group(0, bufs[0])
    gdesc[1] = issue_group(1, bufs[1])
    for g in range(_NG):
        cur = bufs[g % 3]
        for d in gdesc[g]:
            d.wait()
        wdesc[g] = pltpu.async_copy(cur, out_hbm.at[wid * _NG + g], wsem)
        if g + 2 < _NG:
            if g >= 1:
                wdesc[g - 1].wait()
            gdesc[g + 2] = issue_group(g + 2, bufs[(g + 2) % 3])
    wdesc[_NG - 2].wait()
    wdesc[_NG - 1].wait()


def kernel(inputs, embeddings):
    idx2 = inputs.reshape(_NT, _CH).astype(jnp.int32)
    out = _emb_gather(embeddings, idx2)
    return out.reshape(inputs.shape + (_EMBED,))

# --- scband reference (transcript-rebuilt; emitter-appended) ---
"""Pipeline reference for scband-word-embedding-20504173871722 (READ-ONLY COPY).

The authoritative reference and input builder live on the scoring server;
editing this copy changes nothing except your own understanding.
"""

import jax, jax.numpy as jnp
import numpy as np

VOCAB = 1000000
EMBED = 32
B = 4096
L = 50

def setup_inputs(seed: int = 0) -> dict:
    key = jax.random.key(seed)
    k1, k2 = jax.random.split(key)
    inputs = jax.random.randint(k1, (B, L), 0, VOCAB, dtype=jnp.int64 if jax.config.jax_enable_x64 else jnp.int32)
    # glorot_uniform for [VOCAB, EMBED]: limit = sqrt(6/(fan_in+fan_out))
    limit = np.sqrt(6.0 / (VOCAB + EMBED))
    embeddings = jax.random.uniform(k2, (VOCAB, EMBED), dtype=jnp.float32, minval=-limit, maxval=limit)
    return {"inputs": inputs, "embeddings": embeddings}

def reference(inputs, embeddings):
    # mode='embedding', use_one_hot=False, use_scale=False
    flat_inputs = jnp.reshape(inputs, (-1,))
    emb = jnp.take(embeddings, flat_inputs, axis=0)
    emb = jnp.reshape(emb, inputs.shape + (EMBED,))
    return emb

if __name__ == "__main__":
    import jax
    _d = setup_inputs()
    print(jax.jit(kernel)(*tuple(_d.values())))

</pallas_src>

<mosaic_0001>
#map = affine_map<(d0, d1) -> (0, 0)>
#map1 = affine_map<(d0, d1) -> (0, 0, 0, 0)>
module attributes {stable_mosaic.version = 14 : i64} {
  func.func @_emb_gather(%arg0: i32, %arg1: i32, %arg2: memref<1000000x32xf32, #tpu.memory_space<hbm>>, %arg3: memref<1600x128xi32, #tpu.memory_space<hbm>>, %arg4: memref<320x5x128x32xf32, #tpu.memory_space<hbm>>, %arg5: memref<50x128xi32, #tpu.memory_space<vmem>>, %arg6: memref<5x128x32xf32, #tpu.memory_space<vmem>>, %arg7: memref<5x128x32xf32, #tpu.memory_space<vmem>>, %arg8: memref<5x128x32xf32, #tpu.memory_space<vmem>>, %arg9: memref<!tpu.dma_semaphore, #tpu.memory_space<semaphore_mem>>, %arg10: memref<!tpu.dma_semaphore, #tpu.memory_space<semaphore_mem>>, %arg11: memref<!tpu.dma_semaphore, #tpu.memory_space<semaphore_mem>>, %arg12: memref<!tpu.dma_semaphore, #tpu.memory_space<semaphore_mem>>) attributes {dimension_semantics = [#tpu.dimension_semantics<core_parallel>, #tpu.dimension_semantics<subcore_parallel>], iteration_bounds = array<i64: 2, 16>, scalar_prefetch = 0 : i64, scratch_operands = 8 : i64, tpu.core_type = #tpu.core_type<sc_vector_subcore>, window_params = [{transform_indices = #map}, {transform_indices = #map}, {transform_indices = #map1}]} {
    %mul3A = arith.constant 2 : i32
    %mul3A_0 = arith.muli %arg1, %mul3A : i32
    %add3A = arith.addi %mul3A_0, %arg0 : i32
    %mul3A_1 = arith.constant 50 : i32
    %mul3A_2 = arith.muli %add3A, %mul3A_1 : i32
    "tpu.region"() ({
      %run_scoped3A = tpu.sem_alloc : memref<!tpu.dma_semaphore, #tpu.memory_space<semaphore_mem>>
      %dma_start3A_1431 = arith.constant 0 : i32
      %dma_start3A_1432 = tpu.memref_slice %arg3[%mul3A_2, %dma_start3A_1431] : memref<1600x128xi32, #tpu.memory_space<hbm>> -> memref<50x128xi32, #tpu.memory_space<hbm>>
      %dma_start3A_1433 = arith.constant 0 : i32
      %dma_start3A_1434 = tpu.memref_slice %arg3[%mul3A_2, %dma_start3A_1433] : memref<1600x128xi32, #tpu.memory_space<hbm>> -> memref<50x128xi32, #tpu.memory_space<hbm>>
      tpu.enqueue_dma source(%dma_start3A_1434 : memref<50x128xi32, #tpu.memory_space<hbm>>) target(%arg5 : memref<50x128xi32, #tpu.memory_space<vmem>>) target_semaphore(%run_scoped3A : memref<!tpu.dma_semaphore, #tpu.memory_space<semaphore_mem>>)
      %dma_wait3A_1435 = arith.constant 0 : i32
      %dma_wait3A_1436 = tpu.memref_slice %arg3[%mul3A_2, %dma_wait3A_1435] : memref<1600x128xi32, #tpu.memory_space<hbm>> -> memref<50x128xi32, #tpu.memory_space<hbm>>
      %dma_wait3A_1437 = arith.constant 0 : i32
      %dma_wait3A_1438 = tpu.memref_slice %arg3[%mul3A_2, %dma_wait3A_1437] : memref<1600x128xi32, #tpu.memory_space<hbm>> -> memref<50x128xi32, #tpu.memory_space<hbm>>
      tpu.wait_dma2 semaphore(%run_scoped3A : memref<!tpu.dma_semaphore, #tpu.memory_space<semaphore_mem>>) src(%dma_wait3A_1438 : memref<50x128xi32, #tpu.memory_space<hbm>>) dst(%arg5 : memref<50x128xi32, #tpu.memory_space<vmem>>)
      tpu.yield
    }) : () -> ()
    %dma_start3A = arith.constant 0 : i32
    %dma_start3A_3 = arith.constant 0 : i32
    %dma_start3A_4 = arith.constant 0 : i32
    %dma_start3A_5 = arith.constant 0 : i32
    %dma_start3A_6 = tpu.memref_slice %arg6[%dma_start3A_3, %dma_start3A_4, %dma_start3A_5] : memref<5x128x32xf32, #tpu.memory_space<vmem>> -> memref<1x128x32xf32, #tpu.memory_space<vmem>>
    %dma_start3A_7 = tpu.memref_squeeze %dma_start3A_6 : memref<1x128x32xf32, #tpu.memory_space<vmem>> -> memref<128x32xf32, #tpu.memory_space<vmem>>
    %dma_start3A_8 = arith.constant 0 : i32
    %dma_start3A_9 = tpu.memref_slice %arg5[%dma_start3A, %dma_start3A_8] : memref<50x128xi32, #tpu.memory_space<vmem>> -> memref<1x128xi32, #tpu.memory_space<vmem>>
    %dma_start3A_10 = tpu.memref_squeeze %dma_start3A_9 : memref<1x128xi32, #tpu.memory_space<vmem>> -> memref<128xi32, #tpu.memory_space<vmem>>
    %dma_start3A_11 = arith.constant 0 : i32
    %dma_start3A_12 = arith.constant 0 : i32
    %dma_start3A_13 = tpu.memref_slice %arg2[%dma_start3A_11, %dma_start3A_12] : memref<1000000x32xf32, #tpu.memory_space<hbm>> -> memref<1000000x32xf32, #tpu.memory_space<hbm>>
    tpu.enqueue_indirect_dma source(%dma_start3A_13 : memref<1000000x32xf32, #tpu.memory_space<hbm>>) target(%dma_start3A_7 : memref<128x32xf32, #tpu.memory_space<vmem>>) offsets(%dma_start3A_10 : memref<128xi32, #tpu.memory_space<vmem>>) semaphore(%arg9 : memref<!tpu.dma_semaphore, #tpu.memory_space<semaphore_mem>>)
    %dma_start3A_14 = arith.constant 1 : i32
    %dma_start3A_15 = arith.constant 1 : i32
    %dma_start3A_16 = arith.constant 0 : i32
    %dma_start3A_17 = arith.constant 0 : i32
    %dma_start3A_18 = tpu.memref_slice %arg6[%dma_start3A_15, %dma_start3A_16, %dma_start3A_17] : memref<5x128x32xf32, #tpu.memory_space<vmem>> -> memref<1x128x32xf32, #tpu.memory_space<vmem>>
    %dma_start3A_19 = tpu.memref_squeeze %dma_start3A_18 : memref<1x128x32xf32, #tpu.memory_space<vmem>> -> memref<128x32xf32, #tpu.memory_space<vmem>>
    %dma_start3A_20 = arith.constant 0 : i32
    %dma_start3A_21 = tpu.memref_slice %arg5[%dma_start3A_14, %dma_start3A_20] : memref<50x128xi32, #tpu.memory_space<vmem>> -> memref<1x128xi32, #tpu.memory_space<vmem>>
    %dma_start3A_22 = tpu.memref_squeeze %dma_start3A_21 : memref<1x128xi32, #tpu.memory_space<vmem>> -> memref<128xi32, #tpu.memory_space<vmem>>
    %dma_start3A_23 = arith.constant 0 : i32
    %dma_start3A_24 = arith.constant 0 : i32
    %dma_start3A_25 = tpu.memref_slice %arg2[%dma_start3A_23, %dma_start3A_24] : memref<1000000x32xf32, #tpu.memory_space<hbm>> -> memref<1000000x32xf32, #tpu.memory_space<hbm>>
    tpu.enqueue_indirect_dma source(%dma_start3A_25 : memref<1000000x32xf32, #tpu.memory_space<hbm>>) target(%dma_start3A_19 : memref<128x32xf32, #tpu.memory_space<vmem>>) offsets(%dma_start3A_22 : memref<128xi32, #tpu.memory_space<vmem>>) semaphore(%arg9 : memref<!tpu.dma_semaphore, #tpu.memory_space<semaphore_mem>>)
    %dma_start3A_26 = arith.constant 2 : i32
    %dma_start3A_27 = arith.constant 2 : i32
    %dma_start3A_28 = arith.constant 0 : i32
    %dma_start3A_29 = arith.constant 0 : i32
    %dma_start3A_30 = tpu.memref_slice %arg6[%dma_start3A_27, %dma_start3A_28, %dma_start3A_29] : memref<5x128x32xf32, #tpu.memory_space<vmem>> -> memref<1x128x32xf32, #tpu.memory_space<vmem>>
    %dma_start3A_31 = tpu.memref_squeeze %dma_start3A_30 : memref<1x128x32xf32, #tpu.memory_space<vmem>> -> memref<128x32xf32, #tpu.memory_space<vmem>>
    %dma_start3A_32 = arith.constant 0 : i32
    %dma_start3A_33 = tpu.memref_slice %arg5[%dma_start3A_26, %dma_start3A_32] : memref<50x128xi32, #tpu.memory_space<vmem>> -> memref<1x128xi32, #tpu.memory_space<vmem>>
    %dma_start3A_34 = tpu.memref_squeeze %dma_start3A_33 : memref<1x128xi32, #tpu.memory_space<vmem>> -> memref<128xi32, #tpu.memory_space<vmem>>
    %dma_start3A_35 = arith.constant 0 : i32
    %dma_start3A_36 = arith.constant 0 : i32
    %dma_start3A_37 = tpu.memref_slice %arg2[%dma_start3A_35, %dma_start3A_36] : memref<1000000x32xf32, #tpu.memory_space<hbm>> -> memref<1000000x32xf32, #tpu.memory_space<hbm>>
    tpu.enqueue_indirect_dma source(%dma_start3A_37 : memref<1000000x32xf32, #tpu.memory_space<hbm>>) target(%dma_start3A_31 : memref<128x32xf32, #tpu.memory_space<vmem>>) offsets(%dma_start3A_34 : memref<128xi32, #tpu.memory_space<vmem>>) semaphore(%arg9 : memref<!tpu.dma_semaphore, #tpu.memory_space<semaphore_mem>>)
    %dma_start3A_38 = arith.constant 3 : i32
    %dma_start3A_39 = arith.constant 3 : i32
    %dma_start3A_40 = arith.constant 0 : i32
    %dma_start3A_41 = arith.constant 0 : i32
    %dma_start3A_42 = tpu.memref_slice %arg6[%dma_start3A_39, %dma_start3A_40, %dma_start3A_41] : memref<5x128x32xf32, #tpu.memory_space<vmem>> -> memref<1x128x32xf32, #tpu.memory_space<vmem>>
    %dma_start3A_43 = tpu.memref_squeeze %dma_start3A_42 : memref<1x128x32xf32, #tpu.memory_space<vmem>> -> memref<128x32xf32, #tpu.memory_space<vmem>>
    %dma_start3A_44 = arith.constant 0 : i32
    %dma_start3A_45 = tpu.memref_slice %arg5[%dma_start3A_38, %dma_start3A_44] : memref<50x128xi32, #tpu.memory_space<vmem>> -> memref<1x128xi32, #tpu.memory_space<vmem>>
    %dma_start3A_46 = tpu.memref_squeeze %dma_start3A_45 : memref<1x128xi32, #tpu.memory_space<vmem>> -> memref<128xi32, #tpu.memory_space<vmem>>
    %dma_start3A_47 = arith.constant 0 : i32
    %dma_start3A_48 = arith.constant 0 : i32
    %dma_start3A_49 = tpu.memref_slice %arg2[%dma_start3A_47, %dma_start3A_48] : memref<1000000x32xf32, #tpu.memory_space<hbm>> -> memref<1000000x32xf32, #tpu.memory_space<hbm>>
    tpu.enqueue_indirect_dma source(%dma_start3A_49 : memref<1000000x32xf32, #tpu.memory_space<hbm>>) target(%dma_start3A_43 : memref<128x32xf32, #tpu.memory_space<vmem>>) offsets(%dma_start3A_46 : memref<128xi32, #tpu.memory_space<vmem>>) semaphore(%arg9 : memref<!tpu.dma_semaphore, #tpu.memory_space<semaphore_mem>>)
    %dma_start3A_50 = arith.constant 4 : i32
    %dma_start3A_51 = arith.constant 4 : i32
    %dma_start3A_52 = arith.constant 0 : i32
    %dma_start3A_53 = arith.constant 0 : i32
    %dma_start3A_54 = tpu.memref_slice %arg6[%dma_start3A_51, %dma_start3A_52, %dma_start3A_53] : memref<5x128x32xf32, #tpu.memory_space<vmem>> -> memref<1x128x32xf32, #tpu.memory_space<vmem>>
    %dma_start3A_55 = tpu.memref_squeeze %dma_start3A_54 : memref<1x128x32xf32, #tpu.memory_space<vmem>> -> memref<128x32xf32, #tpu.memory_space<vmem>>
    %dma_start3A_56 = arith.constant 0 : i32
    %dma_start3A_57 = tpu.memref_slice %arg5[%dma_start3A_50, %dma_start3A_56] : memref<50x128xi32, #tpu.memory_space<vmem>> -> memref<1x128xi32, #tpu.memory_space<vmem>>
    %dma_start3A_58 = tpu.memref_squeeze %dma_start3A_57 : memref<1x128xi32, #tpu.memory_space<vmem>> -> memref<128xi32, #tpu.memory_space<vmem>>
    %dma_start3A_59 = arith.constant 0 : i32
    %dma_start3A_60 = arith.constant 0 : i32
    %dma_start3A_61 = tpu.memref_slice %arg2[%dma_start3A_59, %dma_start3A_60] : memref<1000000x32xf32, #tpu.memory_space<hbm>> -> memref<1000000x32xf32, #tpu.memory_space<hbm>>
    tpu.enqueue_indirect_dma source(%dma_start3A_61 : memref<1000000x32xf32, #tpu.memory_space<hbm>>) target(%dma_start3A_55 : memref<128x32xf32, #tpu.memory_space<vmem>>) offsets(%dma_start3A_58 : memref<128xi32, #tpu.memory_space<vmem>>) semaphore(%arg9 : memref<!tpu.dma_semaphore, #tpu.memory_space<semaphore_mem>>)
    %dma_start3A_62 = arith.constant 5 : i32
    %dma_start3A_63 = arith.constant 0 : i32
    %dma_start3A_64 = arith.constant 0 : i32
    %dma_start3A_65 = arith.constant 0 : i32
    %dma_start3A_66 = tpu.memref_slice %arg7[%dma_start3A_63, %dma_start3A_64, %dma_start3A_65] : memref<5x128x32xf32, #tpu.memory_space<vmem>> -> memref<1x128x32xf32, #tpu.memory_space<vmem>>
    %dma_start3A_67 = tpu.memref_squeeze %dma_start3A_66 : memref<1x128x32xf32, #tpu.memory_space<vmem>> -> memref<128x32xf32, #tpu.memory_space<vmem>>
    %dma_start3A_68 = arith.constant 0 : i32
    %dma_start3A_69 = tpu.memref_slice %arg5[%dma_start3A_62, %dma_start3A_68] : memref<50x128xi32, #tpu.memory_space<vmem>> -> memref<1x128xi32, #tpu.memory_space<vmem>>
    %dma_start3A_70 = tpu.memref_squeeze %dma_start3A_69 : memref<1x128xi32, #tpu.memory_space<vmem>> -> memref<128xi32, #tpu.memory_space<vmem>>
    %dma_start3A_71 = arith.constant 0 : i32
    %dma_start3A_72 = arith.constant 0 : i32
    %dma_start3A_73 = tpu.memref_slice %arg2[%dma_start3A_71, %dma_start3A_72] : memref<1000000x32xf32, #tpu.memory_space<hbm>> -> memref<1000000x32xf32, #tpu.memory_space<hbm>>
    tpu.enqueue_indirect_dma source(%dma_start3A_73 : memref<1000000x32xf32, #tpu.memory_space<hbm>>) target(%dma_start3A_67 : memref<128x32xf32, #tpu.memory_space<vmem>>) offsets(%dma_start3A_70 : memref<128xi32, #tpu.memory_space<vmem>>) semaphore(%arg10 : memref<!tpu.dma_semaphore, #tpu.memory_space<semaphore_mem>>)
    %dma_start3A_74 = arith.constant 6 : i32
    %dma_start3A_75 = arith.constant 1 : i32
    %dma_start3A_76 = arith.constant 0 : i32
    %dma_start3A_77 = arith.constant 0 : i32
    %dma_start3A_78 = tpu.memref_slice %arg7[%dma_start3A_75, %dma_start3A_76, %dma_start3A_77] : memref<5x128x32xf32, #tpu.memory_space<vmem>> -> memref<1x128x32xf32, #tpu.memory_space<vmem>>
    %dma_start3A_79 = tpu.memref_squeeze %dma_start3A_78 : memref<1x128x32xf32, #tpu.memory_space<vmem>> -> memref<128x32xf32, #tpu.memory_space<vmem>>
    %dma_start3A_80 = arith.constant 0 : i32
    %dma_start3A_81 = tpu.memref_slice %arg5[%dma_start3A_74, %dma_start3A_80] : memref<50x128xi32, #tpu.memory_space<vmem>> -> memref<1x128xi32, #tpu.memory_space<vmem>>
    %dma_start3A_82 = tpu.memref_squeeze %dma_start3A_81 : memref<1x128xi32, #tpu.memory_space<vmem>> -> memref<128xi32, #tpu.memory_space<vmem>>
    %dma_start3A_83 = arith.constant 0 : i32
    %dma_start3A_84 = arith.constant 0 : i32
    %dma_start3A_85 = tpu.memref_slice %arg2[%dma_start3A_83, %dma_start3A_84] : memref<1000000x32xf32, #tpu.memory_space<hbm>> -> memref<1000000x32xf32, #tpu.memory_space<hbm>>
    tpu.enqueue_indirect_dma source(%dma_start3A_85 : memref<1000000x32xf32, #tpu.memory_space<hbm>>) target(%dma_start3A_79 : memref<128x32xf32, #tpu.memory_space<vmem>>) offsets(%dma_start3A_82 : memref<128xi32, #tpu.memory_space<vmem>>) semaphore(%arg10 : memref<!tpu.dma_semaphore, #tpu.memory_space<semaphore_mem>>)
    %dma_start3A_86 = arith.constant 7 : i32
    %dma_start3A_87 = arith.constant 2 : i32
    %dma_start3A_88 = arith.constant 0 : i32
    %dma_start3A_89 = arith.constant 0 : i32
    %dma_start3A_90 = tpu.memref_slice %arg7[%dma_start3A_87, %dma_start3A_88, %dma_start3A_89] : memref<5x128x32xf32, #tpu.memory_space<vmem>> -> memref<1x128x32xf32, #tpu.memory_space<vmem>>
    %dma_start3A_91 = tpu.memref_squeeze %dma_start3A_90 : memref<1x128x32xf32, #tpu.memory_space<vmem>> -> memref<128x32xf32, #tpu.memory_space<vmem>>
    %dma_start3A_92 = arith.constant 0 : i32
    %dma_start3A_93 = tpu.memref_slice %arg5[%dma_start3A_86, %dma_start3A_92] : memref<50x128xi32, #tpu.memory_space<vmem>> -> memref<1x128xi32, #tpu.memory_space<vmem>>
    %dma_start3A_94 = tpu.memref_squeeze %dma_start3A_93 : memref<1x128xi32, #tpu.memory_space<vmem>> -> memref<128xi32, #tpu.memory_space<vmem>>
    %dma_start3A_95 = arith.constant 0 : i32
    %dma_start3A_96 = arith.constant 0 : i32
    %dma_start3A_97 = tpu.memref_slice %arg2[%dma_start3A_95, %dma_start3A_96] : memref<1000000x32xf32, #tpu.memory_space<hbm>> -> memref<1000000x32xf32, #tpu.memory_space<hbm>>
    tpu.enqueue_indirect_dma source(%dma_start3A_97 : memref<1000000x32xf32, #tpu.memory_space<hbm>>) target(%dma_start3A_91 : memref<128x32xf32, #tpu.memory_space<vmem>>) offsets(%dma_start3A_94 : memref<128xi32, #tpu.memory_space<vmem>>) semaphore(%arg10 : memref<!tpu.dma_semaphore, #tpu.memory_space<semaphore_mem>>)
    %dma_start3A_98 = arith.constant 8 : i32
    %dma_start3A_99 = arith.constant 3 : i32
    %dma_start3A_100 = arith.constant 0 : i32
    %dma_start3A_101 = arith.constant 0 : i32
    %dma_start3A_102 = tpu.memref_slice %arg7[%dma_start3A_99, %dma_start3A_100, %dma_start3A_101] : memref<5x128x32xf32, #tpu.memory_space<vmem>> -> memref<1x128x32xf32, #tpu.memory_space<vmem>>
    %dma_start3A_103 = tpu.memref_squeeze %dma_start3A_102 : memref<1x128x32xf32, #tpu.memory_space<vmem>> -> memref<128x32xf32, #tpu.memory_space<vmem>>
    %dma_start3A_104 = arith.constant 0 : i32
    %dma_start3A_105 = tpu.memref_slice %arg5[%dma_start3A_98, %dma_start3A_104] : memref<50x128xi32, #tpu.memory_space<vmem>> -> memref<1x128xi32, #tpu.memory_space<vmem>>
    %dma_start3A_106 = tpu.memref_squeeze %dma_start3A_105 : memref<1x128xi32, #tpu.memory_space<vmem>> -> memref<128xi32, #tpu.memory_space<vmem>>
    %dma_start3A_107 = arith.constant 0 : i32
    %dma_start3A_108 = arith.constant 0 : i32
    %dma_start3A_109 = tpu.memref_slice %arg2[%dma_start3A_107, %dma_start3A_108] : memref<1000000x32xf32, #tpu.memory_space<hbm>> -> memref<1000000x32xf32, #tpu.memory_space<hbm>>
    tpu.enqueue_indirect_dma source(%dma_start3A_109 : memref<1000000x32xf32, #tpu.memory_space<hbm>>) target(%dma_start3A_103 : memref<128x32xf32, #tpu.memory_space<vmem>>) offsets(%dma_start3A_106 : memref<128xi32, #tpu.memory_space<vmem>>) semaphore(%arg10 : memref<!tpu.dma_semaphore, #tpu.memory_space<semaphore_mem>>)
    %dma_start3A_110 = arith.constant 9 : i32
    %dma_start3A_111 = arith.constant 4 : i32
    %dma_start3A_112 = arith.constant 0 : i32
    %dma_start3A_113 = arith.constant 0 : i32
    %dma_start3A_114 = tpu.memref_slice %arg7[%dma_start3A_111, %dma_start3A_112, %dma_start3A_113] : memref<5x128x32xf32, #tpu.memory_space<vmem>> -> memref<1x128x32xf32, #tpu.memory_space<vmem>>
    %dma_start3A_115 = tpu.memref_squeeze %dma_start3A_114 : memref<1x128x32xf32, #tpu.memory_space<vmem>> -> memref<128x32xf32, #tpu.memory_space<vmem>>
    %dma_start3A_116 = arith.constant 0 : i32
    %dma_start3A_117 = tpu.memref_slice %arg5[%dma_start3A_110, %dma_start3A_116] : memref<50x128xi32, #tpu.memory_space<vmem>> -> memref<1x128xi32, #tpu.memory_space<vmem>>
    %dma_start3A_118 = tpu.memref_squeeze %dma_start3A_117 : memref<1x128xi32, #tpu.memory_space<vmem>> -> memref<128xi32, #tpu.memory_space<vmem>>
    %dma_start3A_119 = arith.constant 0 : i32
    %dma_start3A_120 = arith.constant 0 : i32
    %dma_start3A_121 = tpu.memref_slice %arg2[%dma_start3A_119, %dma_start3A_120] : memref<1000000x32xf32, #tpu.memory_space<hbm>> -> memref<1000000x32xf32, #tpu.memory_space<hbm>>
    tpu.enqueue_indirect_dma source(%dma_start3A_121 : memref<1000000x32xf32, #tpu.memory_space<hbm>>) target(%dma_start3A_115 : memref<128x32xf32, #tpu.memory_space<vmem>>) offsets(%dma_start3A_118 : memref<128xi32, #tpu.memory_space<vmem>>) semaphore(%arg10 : memref<!tpu.dma_semaphore, #tpu.memory_space<semaphore_mem>>)
    %dma_wait3A = arith.constant 0 : i32
    %dma_wait3A_122 = arith.constant 0 : i32
    %dma_wait3A_123 = arith.constant 0 : i32
    %dma_wait3A_124 = arith.constant 0 : i32
    %dma_wait3A_125 = tpu.memref_slice %arg6[%dma_wait3A_122, %dma_wait3A_123, %dma_wait3A_124] : memref<5x128x32xf32, #tpu.memory_space<vmem>> -> memref<1x128x32xf32, #tpu.memory_space<vmem>>
    %dma_wait3A_126 = tpu.memref_squeeze %dma_wait3A_125 : memref<1x128x32xf32, #tpu.memory_space<vmem>> -> memref<128x32xf32, #tpu.memory_space<vmem>>
    %dma_wait3A_127 = arith.constant 0 : i32
    %dma_wait3A_128 = tpu.memref_slice %arg5[%dma_wait3A, %dma_wait3A_127] : memref<50x128xi32, #tpu.memory_space<vmem>> -> memref<1x128xi32, #tpu.memory_space<vmem>>
    %dma_wait3A_129 = tpu.memref_squeeze %dma_wait3A_128 : memref<1x128xi32, #tpu.memory_space<vmem>> -> memref<128xi32, #tpu.memory_space<vmem>>
    %dma_wait3A_130 = arith.constant 0 : i32
    %dma_wait3A_131 = arith.constant 0 : i32
    %dma_wait3A_132 = tpu.memref_slice %arg2[%dma_wait3A_130, %dma_wait3A_131] : memref<1000000x32xf32, #tpu.memory_space<hbm>> -> memref<1000000x32xf32, #tpu.memory_space<hbm>>
    tpu.wait_indirect_dma semaphore(%arg9 : memref<!tpu.dma_semaphore, #tpu.memory_space<semaphore_mem>>) src(%dma_wait3A_132 : memref<1000000x32xf32, #tpu.memory_space<hbm>>) dst(%dma_wait3A_126 : memref<128x32xf32, #tpu.memory_space<vmem>>)
    %dma_wait3A_133 = arith.constant 1 : i32
    %dma_wait3A_134 = arith.constant 1 : i32
    %dma_wait3A_135 = arith.constant 0 : i32
    %dma_wait3A_136 = arith.constant 0 : i32
    %dma_wait3A_137 = tpu.memref_slice %arg6[%dma_wait3A_134, %dma_wait3A_135, %dma_wait3A_136] : memref<5x128x32xf32, #tpu.memory_space<vmem>> -> memref<1x128x32xf32, #tpu.memory_space<vmem>>
    %dma_wait3A_138 = tpu.memref_squeeze %dma_wait3A_137 : memref<1x128x32xf32, #tpu.memory_space<vmem>> -> memref<128x32xf32, #tpu.memory_space<vmem>>
    %dma_wait3A_139 = arith.constant 0 : i32
    %dma_wait3A_140 = tpu.memref_slice %arg5[%dma_wait3A_133, %dma_wait3A_139] : memref<50x128xi32, #tpu.memory_space<vmem>> -> memref<1x128xi32, #tpu.memory_space<vmem>>
    %dma_wait3A_141 = tpu.memref_squeeze %dma_wait3A_140 : memref<1x128xi32, #tpu.memory_space<vmem>> -> memref<128xi32, #tpu.memory_space<vmem>>
    %dma_wait3A_142 = arith.constant 0 : i32
    %dma_wait3A_143 = arith.constant 0 : i32
    %dma_wait3A_144 = tpu.memref_slice %arg2[%dma_wait3A_142, %dma_wait3A_143] : memref<1000000x32xf32, #tpu.memory_space<hbm>> -> memref<1000000x32xf32, #tpu.memory_space<hbm>>
    tpu.wait_indirect_dma semaphore(%arg9 : memref<!tpu.dma_semaphore, #tpu.memory_space<semaphore_mem>>) src(%dma_wait3A_144 : memref<1000000x32xf32, #tpu.memory_space<hbm>>) dst(%dma_wait3A_138 : memref<128x32xf32, #tpu.memory_space<vmem>>)
    %dma_wait3A_145 = arith.constant 2 : i32
    %dma_wait3A_146 = arith.constant 2 : i32
    %dma_wait3A_147 = arith.constant 0 : i32
    %dma_wait3A_148 = arith.constant 0 : i32
    %dma_wait3A_149 = tpu.memref_slice %arg6[%dma_wait3A_146, %dma_wait3A_147, %dma_wait3A_148] : memref<5x128x32xf32, #tpu.memory_space<vmem>> -> memref<1x128x32xf32, #tpu.memory_space<vmem>>
    %dma_wait3A_150 = tpu.memref_squeeze %dma_wait3A_149 : memref<1x128x32xf32, #tpu.memory_space<vmem>> -> memref<128x32xf32, #tpu.memory_space<vmem>>
    %dma_wait3A_151 = arith.constant 0 : i32
    %dma_wait3A_152 = tpu.memref_slice %arg5[%dma_wait3A_145, %dma_wait3A_151] : memref<50x128xi32, #tpu.memory_space<vmem>> -> memref<1x128xi32, #tpu.memory_space<vmem>>
    %dma_wait3A_153 = tpu.memref_squeeze %dma_wait3A_152 : memref<1x128xi32, #tpu.memory_space<vmem>> -> memref<128xi32, #tpu.memory_space<vmem>>
    %dma_wait3A_154 = arith.constant 0 : i32
    %dma_wait3A_155 = arith.constant 0 : i32
    %dma_wait3A_156 = tpu.memref_slice %arg2[%dma_wait3A_154, %dma_wait3A_155] : memref<1000000x32xf32, #tpu.memory_space<hbm>> -> memref<1000000x32xf32, #tpu.memory_space<hbm>>
    tpu.wait_indirect_dma semaphore(%arg9 : memref<!tpu.dma_semaphore, #tpu.memory_space<semaphore_mem>>) src(%dma_wait3A_156 : memref<1000000x32xf32, #tpu.memory_space<hbm>>) dst(%dma_wait3A_150 : memref<128x32xf32, #tpu.memory_space<vmem>>)
    %dma_wait3A_157 = arith.constant 3 : i32
    %dma_wait3A_158 = arith.constant 3 : i32
    %dma_wait3A_159 = arith.constant 0 : i32
    %dma_wait3A_160 = arith.constant 0 : i32
    %dma_wait3A_161 = tpu.memref_slice %arg6[%dma_wait3A_158, %dma_wait3A_159, %dma_wait3A_160] : memref<5x128x32xf32, #tpu.memory_space<vmem>> -> memref<1x128x32xf32, #tpu.memory_space<vmem>>
    %dma_wait3A_162 = tpu.memref_squeeze %dma_wait3A_161 : memref<1x128x32xf32, #tpu.memory_space<vmem>> -> memref<128x32xf32, #tpu.memory_space<vmem>>
    %dma_wait3A_163 = arith.constant 0 : i32
    %dma_wait3A_164 = tpu.memref_slice %arg5[%dma_wait3A_157, %dma_wait3A_163] : memref<50x128xi32, #tpu.memory_space<vmem>> -> memref<1x128xi32, #tpu.memory_space<vmem>>
    %dma_wait3A_165 = tpu.memref_squeeze %dma_wait3A_164 : memref<1x128xi32, #tpu.memory_space<vmem>> -> memref<128xi32, #tpu.memory_space<vmem>>
    %dma_wait3A_166 = arith.constant 0 : i32
    %dma_wait3A_167 = arith.constant 0 : i32
    %dma_wait3A_168 = tpu.memref_slice %arg2[%dma_wait3A_166, %dma_wait3A_167] : memref<1000000x32xf32, #tpu.memory_space<hbm>> -> memref<1000000x32xf32, #tpu.memory_space<hbm>>
    tpu.wait_indirect_dma semaphore(%arg9 : memref<!tpu.dma_semaphore, #tpu.memory_space<semaphore_mem>>) src(%dma_wait3A_168 : memref<1000000x32xf32, #tpu.memory_space<hbm>>) dst(%dma_wait3A_162 : memref<128x32xf32, #tpu.memory_space<vmem>>)
    %dma_wait3A_169 = arith.constant 4 : i32
    %dma_wait3A_170 = arith.constant 4 : i32
    %dma_wait3A_171 = arith.constant 0 : i32
    %dma_wait3A_172 = arith.constant 0 : i32
    %dma_wait3A_173 = tpu.memref_slice %arg6[%dma_wait3A_170, %dma_wait3A_171, %dma_wait3A_172] : memref<5x128x32xf32, #tpu.memory_space<vmem>> -> memref<1x128x32xf32, #tpu.memory_space<vmem>>
    %dma_wait3A_174 = tpu.memref_squeeze %dma_wait3A_173 : memref<1x128x32xf32, #tpu.memory_space<vmem>> -> memref<128x32xf32, #tpu.memory_space<vmem>>
    %dma_wait3A_175 = arith.constant 0 : i32
    %dma_wait3A_176 = tpu.memref_slice %arg5[%dma_wait3A_169, %dma_wait3A_175] : memref<50x128xi32, #tpu.memory_space<vmem>> -> memref<1x128xi32, #tpu.memory_space<vmem>>
    %dma_wait3A_177 = tpu.memref_squeeze %dma_wait3A_176 : memref<1x128xi32, #tpu.memory_space<vmem>> -> memref<128xi32, #tpu.memory_space<vmem>>
    %dma_wait3A_178 = arith.constant 0 : i32
    %dma_wait3A_179 = arith.constant 0 : i32
    %dma_wait3A_180 = tpu.memref_slice %arg2[%dma_wait3A_178, %dma_wait3A_179] : memref<1000000x32xf32, #tpu.memory_space<hbm>> -> memref<1000000x32xf32, #tpu.memory_space<hbm>>
    tpu.wait_indirect_dma semaphore(%arg9 : memref<!tpu.dma_semaphore, #tpu.memory_space<semaphore_mem>>) src(%dma_wait3A_180 : memref<1000000x32xf32, #tpu.memory_space<hbm>>) dst(%dma_wait3A_174 : memref<128x32xf32, #tpu.memory_space<vmem>>)
    %mul3A_181 = arith.constant 10 : i32
    %mul3A_182 = arith.muli %add3A, %mul3A_181 : i32
    %add3A_183 = arith.constant 0 : i32
    %add3A_184 = arith.addi %mul3A_182, %add3A_183 : i32
    %dma_start3A_185 = arith.constant 0 : i32
    %dma_start3A_186 = arith.constant 0 : i32
    %dma_start3A_187 = arith.constant 0 : i32
    %dma_start3A_188 = tpu.memref_slice %arg4[%add3A_184, %dma_start3A_185, %dma_start3A_186, %dma_start3A_187] : memref<320x5x128x32xf32, #tpu.memory_space<hbm>> -> memref<1x5x128x32xf32, #tpu.memory_space<hbm>>
    %dma_start3A_189 = tpu.memref_squeeze %dma_start3A_188 : memref<1x5x128x32xf32, #tpu.memory_space<hbm>> -> memref<5x128x32xf32, #tpu.memory_space<hbm>>
    %dma_start3A_190 = arith.constant 0 : i32
    %dma_start3A_191 = arith.constant 0 : i32
    %dma_start3A_192 = arith.constant 0 : i32
    %dma_start3A_193 = tpu.memref_slice %arg4[%add3A_184, %dma_start3A_190, %dma_start3A_191, %dma_start3A_192] : memref<320x5x128x32xf32, #tpu.memory_space<hbm>> -> memref<1x5x128x32xf32, #tpu.memory_space<hbm>>
    %dma_start3A_194 = tpu.memref_squeeze %dma_start3A_193 : memref<1x5x128x32xf32, #tpu.memory_space<hbm>> -> memref<5x128x32xf32, #tpu.memory_space<hbm>>
    tpu.enqueue_dma source(%arg6 : memref<5x128x32xf32, #tpu.memory_space<vmem>>) target(%dma_start3A_194 : memref<5x128x32xf32, #tpu.memory_space<hbm>>) target_semaphore(%arg12 : memref<!tpu.dma_semaphore, #tpu.memory_space<semaphore_mem>>)
    %dma_start3A_195 = arith.constant 10 : i32
    %dma_start3A_196 = arith.constant 0 : i32
    %dma_start3A_197 = arith.constant 0 : i32
    %dma_start3A_198 = arith.constant 0 : i32
    %dma_start3A_199 = tpu.memref_slice %arg8[%dma_start3A_196, %dma_start3A_197, %dma_start3A_198] : memref<5x128x32xf32, #tpu.memory_space<vmem>> -> memref<1x128x32xf32, #tpu.memory_space<vmem>>
    %dma_start3A_200 = tpu.memref_squeeze %dma_start3A_199 : memref<1x128x32xf32, #tpu.memory_space<vmem>> -> memref<128x32xf32, #tpu.memory_space<vmem>>
    %dma_start3A_201 = arith.constant 0 : i32
    %dma_start3A_202 = tpu.memref_slice %arg5[%dma_start3A_195, %dma_start3A_201] : memref<50x128xi32, #tpu.memory_space<vmem>> -> memref<1x128xi32, #tpu.memory_space<vmem>>
    %dma_start3A_203 = tpu.memref_squeeze %dma_start3A_202 : memref<1x128xi32, #tpu.memory_space<vmem>> -> memref<128xi32, #tpu.memory_space<vmem>>
    %dma_start3A_204 = arith.constant 0 : i32
    %dma_start3A_205 = arith.constant 0 : i32
    %dma_start3A_206 = tpu.memref_slice %arg2[%dma_start3A_204, %dma_start3A_205] : memref<1000000x32xf32, #tpu.memory_space<hbm>> -> memref<1000000x32xf32, #tpu.memory_space<hbm>>
    tpu.enqueue_indirect_dma source(%dma_start3A_206 : memref<1000000x32xf32, #tpu.memory_space<hbm>>) target(%dma_start3A_200 : memref<128x32xf32, #tpu.memory_space<vmem>>) offsets(%dma_start3A_203 : memref<128xi32, #tpu.memory_space<vmem>>) semaphore(%arg11 : memref<!tpu.dma_semaphore, #tpu.memory_space<semaphore_mem>>)
    %dma_start3A_207 = arith.constant 11 : i32
    %dma_start3A_208 = arith.constant 1 : i32
    %dma_start3A_209 = arith.constant 0 : i32
    %dma_start3A_210 = arith.constant 0 : i32
    %dma_start3A_211 = tpu.memref_slice %arg8[%dma_start3A_208, %dma_start3A_209, %dma_start3A_210] : memref<5x128x32xf32, #tpu.memory_space<vmem>> -> memref<1x128x32xf32, #tpu.memory_space<vmem>>
    %dma_start3A_212 = tpu.memref_squeeze %dma_start3A_211 : memref<1x128x32xf32, #tpu.memory_space<vmem>> -> memref<128x32xf32, #tpu.memory_space<vmem>>
    %dma_start3A_213 = arith.constant 0 : i32
    %dma_start3A_214 = tpu.memref_slice %arg5[%dma_start3A_207, %dma_start3A_213] : memref<50x128xi32, #tpu.memory_space<vmem>> -> memref<1x128xi32, #tpu.memory_space<vmem>>
    %dma_start3A_215 = tpu.memref_squeeze %dma_start3A_214 : memref<1x128xi32, #tpu.memory_space<vmem>> -> memref<128xi32, #tpu.memory_space<vmem>>
    %dma_start3A_216 = arith.constant 0 : i32
    %dma_start3A_217 = arith.constant 0 : i32
    %dma_start3A_218 = tpu.memref_slice %arg2[%dma_start3A_216, %dma_start3A_217] : memref<1000000x32xf32, #tpu.memory_space<hbm>> -> memref<1000000x32xf32, #tpu.memory_space<hbm>>
    tpu.enqueue_indirect_dma source(%dma_start3A_218 : memref<1000000x32xf32, #tpu.memory_space<hbm>>) target(%dma_start3A_212 : memref<128x32xf32, #tpu.memory_space<vmem>>) offsets(%dma_start3A_215 : memref<128xi32, #tpu.memory_space<vmem>>) semaphore(%arg11 : memref<!tpu.dma_semaphore, #tpu.memory_space<semaphore_mem>>)
    %dma_start3A_219 = arith.constant 12 : i32
    %dma_start3A_220 = arith.constant 2 : i32
    %dma_start3A_221 = arith.constant 0 : i32
    %dma_start3A_222 = arith.constant 0 : i32
    %dma_start3A_223 = tpu.memref_slice %arg8[%dma_start3A_220, %dma_start3A_221, %dma_start3A_222] : memref<5x128x32xf32, #tpu.memory_space<vmem>> -> memref<1x128x32xf32, #tpu.memory_space<vmem>>
    %dma_start3A_224 = tpu.memref_squeeze %dma_start3A_223 : memref<1x128x32xf32, #tpu.memory_space<vmem>> -> memref<128x32xf32, #tpu.memory_space<vmem>>
    %dma_start3A_225 = arith.constant 0 : i32
    %dma_start3A_226 = tpu.memref_slice %arg5[%dma_start3A_219, %dma_start3A_225] : memref<50x128xi32, #tpu.memory_space<vmem>> -> memref<1x128xi32, #tpu.memory_space<vmem>>
    %dma_start3A_227 = tpu.memref_squeeze %dma_start3A_226 : memref<1x128xi32, #tpu.memory_space<vmem>> -> memref<128xi32, #tpu.memory_space<vmem>>
    %dma_start3A_228 = arith.constant 0 : i32
    %dma_start3A_229 = arith.constant 0 : i32
    %dma_start3A_230 = tpu.memref_slice %arg2[%dma_start3A_228, %dma_start3A_229] : memref<1000000x32xf32, #tpu.memory_space<hbm>> -> memref<1000000x32xf32, #tpu.memory_space<hbm>>
    tpu.enqueue_indirect_dma source(%dma_start3A_230 : memref<1000000x32xf32, #tpu.memory_space<hbm>>) target(%dma_start3A_224 : memref<128x32xf32, #tpu.memory_space<vmem>>) offsets(%dma_start3A_227 : memref<128xi32, #tpu.memory_space<vmem>>) semaphore(%arg11 : memref<!tpu.dma_semaphore, #tpu.memory_space<semaphore_mem>>)
    %dma_start3A_231 = arith.constant 13 : i32
    %dma_start3A_232 = arith.constant 3 : i32
    %dma_start3A_233 = arith.constant 0 : i32
    %dma_start3A_234 = arith.constant 0 : i32
    %dma_start3A_235 = tpu.memref_slice %arg8[%dma_start3A_232, %dma_start3A_233, %dma_start3A_234] : memref<5x128x32xf32, #tpu.memory_space<vmem>> -> memref<1x128x32xf32, #tpu.memory_space<vmem>>
    %dma_start3A_236 = tpu.memref_squeeze %dma_start3A_235 : memref<1x128x32xf32, #tpu.memory_space<vmem>> -> memref<128x32xf32, #tpu.memory_space<vmem>>
    %dma_start3A_237 = arith.constant 0 : i32
    %dma_start3A_238 = tpu.memref_slice %arg5[%dma_start3A_231, %dma_start3A_237] : memref<50x128xi32, #tpu.memory_space<vmem>> -> memref<1x128xi32, #tpu.memory_space<vmem>>
    %dma_start3A_239 = tpu.memref_squeeze %dma_start3A_238 : memref<1x128xi32, #tpu.memory_space<vmem>> -> memref<128xi32, #tpu.memory_space<vmem>>
    %dma_start3A_240 = arith.constant 0 : i32
    %dma_start3A_241 = arith.constant 0 : i32
    %dma_start3A_242 = tpu.memref_slice %arg2[%dma_start3A_240, %dma_start3A_241] : memref<1000000x32xf32, #tpu.memory_space<hbm>> -> memref<1000000x32xf32, #tpu.memory_space<hbm>>
    tpu.enqueue_indirect_dma source(%dma_start3A_242 : memref<1000000x32xf32, #tpu.memory_space<hbm>>) target(%dma_start3A_236 : memref<128x32xf32, #tpu.memory_space<vmem>>) offsets(%dma_start3A_239 : memref<128xi32, #tpu.memory_space<vmem>>) semaphore(%arg11 : memref<!tpu.dma_semaphore, #tpu.memory_space<semaphore_mem>>)
    %dma_start3A_243 = arith.constant 14 : i32
    %dma_start3A_244 = arith.constant 4 : i32
    %dma_start3A_245 = arith.constant 0 : i32
    %dma_start3A_246 = arith.constant 0 : i32
    %dma_start3A_247 = tpu.memref_slice %arg8[%dma_start3A_244, %dma_start3A_245, %dma_start3A_246] : memref<5x128x32xf32, #tpu.memory_space<vmem>> -> memref<1x128x32xf32, #tpu.memory_space<vmem>>
    %dma_start3A_248 = tpu.memref_squeeze %dma_start3A_247 : memref<1x128x32xf32, #tpu.memory_space<vmem>> -> memref<128x32xf32, #tpu.memory_space<vmem>>
    %dma_start3A_249 = arith.constant 0 : i32
    %dma_start3A_250 = tpu.memref_slice %arg5[%dma_start3A_243, %dma_start3A_249] : memref<50x128xi32, #tpu.memory_space<vmem>> -> memref<1x128xi32, #tpu.memory_space<vmem>>
    %dma_start3A_251 = tpu.memref_squeeze %dma_start3A_250 : memref<1x128xi32, #tpu.memory_space<vmem>> -> memref<128xi32, #tpu.memory_space<vmem>>
    %dma_start3A_252 = arith.constant 0 : i32
    %dma_start3A_253 = arith.constant 0 : i32
    %dma_start3A_254 = tpu.memref_slice %arg2[%dma_start3A_252, %dma_start3A_253] : memref<1000000x32xf32, #tpu.memory_space<hbm>> -> memref<1000000x32xf32, #tpu.memory_space<hbm>>
    tpu.enqueue_indirect_dma source(%dma_start3A_254 : memref<1000000x32xf32, #tpu.memory_space<hbm>>) target(%dma_start3A_248 : memref<128x32xf32, #tpu.memory_space<vmem>>) offsets(%dma_start3A_251 : memref<128xi32, #tpu.memory_space<vmem>>) semaphore(%arg11 : memref<!tpu.dma_semaphore, #tpu.memory_space<semaphore_mem>>)
    %dma_wait3A_255 = arith.constant 5 : i32
    %dma_wait3A_256 = arith.constant 0 : i32
    %dma_wait3A_257 = arith.constant 0 : i32
    %dma_wait3A_258 = arith.constant 0 : i32
    %dma_wait3A_259 = tpu.memref_slice %arg7[%dma_wait3A_256, %dma_wait3A_257, %dma_wait3A_258] : memref<5x128x32xf32, #tpu.memory_space<vmem>> -> memref<1x128x32xf32, #tpu.memory_space<vmem>>
    %dma_wait3A_260 = tpu.memref_squeeze %dma_wait3A_259 : memref<1x128x32xf32, #tpu.memory_space<vmem>> -> memref<128x32xf32, #tpu.memory_space<vmem>>
    %dma_wait3A_261 = arith.constant 0 : i32
    %dma_wait3A_262 = tpu.memref_slice %arg5[%dma_wait3A_255, %dma_wait3A_261] : memref<50x128xi32, #tpu.memory_space<vmem>> -> memref<1x128xi32, #tpu.memory_space<vmem>>
    %dma_wait3A_263 = tpu.memref_squeeze %dma_wait3A_262 : memref<1x128xi32, #tpu.memory_space<vmem>> -> memref<128xi32, #tpu.memory_space<vmem>>
    %dma_wait3A_264 = arith.constant 0 : i32
    %dma_wait3A_265 = arith.constant 0 : i32
    %dma_wait3A_266 = tpu.memref_slice %arg2[%dma_wait3A_264, %dma_wait3A_265] : memref<1000000x32xf32, #tpu.memory_space<hbm>> -> memref<1000000x32xf32, #tpu.memory_space<hbm>>
    tpu.wait_indirect_dma semaphore(%arg10 : memref<!tpu.dma_semaphore, #tpu.memory_space<semaphore_mem>>) src(%dma_wait3A_266 : memref<1000000x32xf32, #tpu.memory_space<hbm>>) dst(%dma_wait3A_260 : memref<128x32xf32, #tpu.memory_space<vmem>>)
    %dma_wait3A_267 = arith.constant 6 : i32
    %dma_wait3A_268 = arith.constant 1 : i32
    %dma_wait3A_269 = arith.constant 0 : i32
    %dma_wait3A_270 = arith.constant 0 : i32
    %dma_wait3A_271 = tpu.memref_slice %arg7[%dma_wait3A_268, %dma_wait3A_269, %dma_wait3A_270] : memref<5x128x32xf32, #tpu.memory_space<vmem>> -> memref<1x128x32xf32, #tpu.memory_space<vmem>>
    %dma_wait3A_272 = tpu.memref_squeeze %dma_wait3A_271 : memref<1x128x32xf32, #tpu.memory_space<vmem>> -> memref<128x32xf32, #tpu.memory_space<vmem>>
    %dma_wait3A_273 = arith.constant 0 : i32
    %dma_wait3A_274 = tpu.memref_slice %arg5[%dma_wait3A_267, %dma_wait3A_273] : memref<50x128xi32, #tpu.memory_space<vmem>> -> memref<1x128xi32, #tpu.memory_space<vmem>>
    %dma_wait3A_275 = tpu.memref_squeeze %dma_wait3A_274 : memref<1x128xi32, #tpu.memory_space<vmem>> -> memref<128xi32, #tpu.memory_space<vmem>>
    %dma_wait3A_276 = arith.constant 0 : i32
    %dma_wait3A_277 = arith.constant 0 : i32
    %dma_wait3A_278 = tpu.memref_slice %arg2[%dma_wait3A_276, %dma_wait3A_277] : memref<1000000x32xf32, #tpu.memory_space<hbm>> -> memref<1000000x32xf32, #tpu.memory_space<hbm>>
    tpu.wait_indirect_dma semaphore(%arg10 : memref<!tpu.dma_semaphore, #tpu.memory_space<semaphore_mem>>) src(%dma_wait3A_278 : memref<1000000x32xf32, #tpu.memory_space<hbm>>) dst(%dma_wait3A_272 : memref<128x32xf32, #tpu.memory_space<vmem>>)
    %dma_wait3A_279 = arith.constant 7 : i32
    %dma_wait3A_280 = arith.constant 2 : i32
    %dma_wait3A_281 = arith.constant 0 : i32
    %dma_wait3A_282 = arith.constant 0 : i32
    %dma_wait3A_283 = tpu.memref_slice %arg7[%dma_wait3A_280, %dma_wait3A_281, %dma_wait3A_282] : memref<5x128x32xf32, #tpu.memory_space<vmem>> -> memref<1x128x32xf32, #tpu.memory_space<vmem>>
    %dma_wait3A_284 = tpu.memref_squeeze %dma_wait3A_283 : memref<1x128x32xf32, #tpu.memory_space<vmem>> -> memref<128x32xf32, #tpu.memory_space<vmem>>
    %dma_wait3A_285 = arith.constant 0 : i32
    %dma_wait3A_286 = tpu.memref_slice %arg5[%dma_wait3A_279, %dma_wait3A_285] : memref<50x128xi32, #tpu.memory_space<vmem>> -> memref<1x128xi32, #tpu.memory_space<vmem>>
    %dma_wait3A_287 = tpu.memref_squeeze %dma_wait3A_286 : memref<1x128xi32, #tpu.memory_space<vmem>> -> memref<128xi32, #tpu.memory_space<vmem>>
    %dma_wait3A_288 = arith.constant 0 : i32
    %dma_wait3A_289 = arith.constant 0 : i32
    %dma_wait3A_290 = tpu.memref_slice %arg2[%dma_wait3A_288, %dma_wait3A_289] : memref<1000000x32xf32, #tpu.memory_space<hbm>> -> memref<1000000x32xf32, #tpu.memory_space<hbm>>
    tpu.wait_indirect_dma semaphore(%arg10 : memref<!tpu.dma_semaphore, #tpu.memory_space<semaphore_mem>>) src(%dma_wait3A_290 : memref<1000000x32xf32, #tpu.memory_space<hbm>>) dst(%dma_wait3A_284 : memref<128x32xf32, #tpu.memory_space<vmem>>)
    %dma_wait3A_291 = arith.constant 8 : i32
    %dma_wait3A_292 = arith.constant 3 : i32
    %dma_wait3A_293 = arith.constant 0 : i32
    %dma_wait3A_294 = arith.constant 0 : i32
    %dma_wait3A_295 = tpu.memref_slice %arg7[%dma_wait3A_292, %dma_wait3A_293, %dma_wait3A_294] : memref<5x128x32xf32, #tpu.memory_space<vmem>> -> memref<1x128x32xf32, #tpu.memory_space<vmem>>
    %dma_wait3A_296 = tpu.memref_squeeze %dma_wait3A_295 : memref<1x128x32xf32, #tpu.memory_space<vmem>> -> memref<128x32xf32, #tpu.memory_space<vmem>>
    %dma_wait3A_297 = arith.constant 0 : i32
    %dma_wait3A_298 = tpu.memref_slice %arg5[%dma_wait3A_291, %dma_wait3A_297] : memref<50x128xi32, #tpu.memory_space<vmem>> -> memref<1x128xi32, #tpu.memory_space<vmem>>
    %dma_wait3A_299 = tpu.memref_squeeze %dma_wait3A_298 : memref<1x128xi32, #tpu.memory_space<vmem>> -> memref<128xi32, #tpu.memory_space<vmem>>
    %dma_wait3A_300 = arith.constant 0 : i32
    %dma_wait3A_301 = arith.constant 0 : i32
    %dma_wait3A_302 = tpu.memref_slice %arg2[%dma_wait3A_300, %dma_wait3A_301] : memref<1000000x32xf32, #tpu.memory_space<hbm>> -> memref<1000000x32xf32, #tpu.memory_space<hbm>>
    tpu.wait_indirect_dma semaphore(%arg10 : memref<!tpu.dma_semaphore, #tpu.memory_space<semaphore_mem>>) src(%dma_wait3A_302 : memref<1000000x32xf32, #tpu.memory_space<hbm>>) dst(%dma_wait3A_296 : memref<128x32xf32, #tpu.memory_space<vmem>>)
    %dma_wait3A_303 = arith.constant 9 : i32
    %dma_wait3A_304 = arith.constant 4 : i32
    %dma_wait3A_305 = arith.constant 0 : i32
    %dma_wait3A_306 = arith.constant 0 : i32
    %dma_wait3A_307 = tpu.memref_slice %arg7[%dma_wait3A_304, %dma_wait3A_305, %dma_wait3A_306] : memref<5x128x32xf32, #tpu.memory_space<vmem>> -> memref<1x128x32xf32, #tpu.memory_space<vmem>>
    %dma_wait3A_308 = tpu.memref_squeeze %dma_wait3A_307 : memref<1x128x32xf32, #tpu.memory_space<vmem>> -> memref<128x32xf32, #tpu.memory_space<vmem>>
    %dma_wait3A_309 = arith.constant 0 : i32
    %dma_wait3A_310 = tpu.memref_slice %arg5[%dma_wait3A_303, %dma_wait3A_309] : memref<50x128xi32, #tpu.memory_space<vmem>> -> memref<1x128xi32, #tpu.memory_space<vmem>>
    %dma_wait3A_311 = tpu.memref_squeeze %dma_wait3A_310 : memref<1x128xi32, #tpu.memory_space<vmem>> -> memref<128xi32, #tpu.memory_space<vmem>>
    %dma_wait3A_312 = arith.constant 0 : i32
    %dma_wait3A_313 = arith.constant 0 : i32
    %dma_wait3A_314 = tpu.memref_slice %arg2[%dma_wait3A_312, %dma_wait3A_313] : memref<1000000x32xf32, #tpu.memory_space<hbm>> -> memref<1000000x32xf32, #tpu.memory_space<hbm>>
    tpu.wait_indirect_dma semaphore(%arg10 : memref<!tpu.dma_semaphore, #tpu.memory_space<semaphore_mem>>) src(%dma_wait3A_314 : memref<1000000x32xf32, #tpu.memory_space<hbm>>) dst(%dma_wait3A_308 : memref<128x32xf32, #tpu.memory_space<vmem>>)
    %mul3A_315 = arith.constant 10 : i32
    %mul3A_316 = arith.muli %add3A, %mul3A_315 : i32
    %add3A_317 = arith.constant 1 : i32
    %add3A_318 = arith.addi %mul3A_316, %add3A_317 : i32
    %dma_start3A_319 = arith.constant 0 : i32
    %dma_start3A_320 = arith.constant 0 : i32
    %dma_start3A_321 = arith.constant 0 : i32
    %dma_start3A_322 = tpu.memref_slice %arg4[%add3A_318, %dma_start3A_319, %dma_start3A_320, %dma_start3A_321] : memref<320x5x128x32xf32, #tpu.memory_space<hbm>> -> memref<1x5x128x32xf32, #tpu.memory_space<hbm>>
    %dma_start3A_323 = tpu.memref_squeeze %dma_start3A_322 : memref<1x5x128x32xf32, #tpu.memory_space<hbm>> -> memref<5x128x32xf32, #tpu.memory_space<hbm>>
    %dma_start3A_324 = arith.constant 0 : i32
    %dma_start3A_325 = arith.constant 0 : i32
    %dma_start3A_326 = arith.constant 0 : i32
    %dma_start3A_327 = tpu.memref_slice %arg4[%add3A_318, %dma_start3A_324, %dma_start3A_325, %dma_start3A_326] : memref<320x5x128x32xf32, #tpu.memory_space<hbm>> -> memref<1x5x128x32xf32, #tpu.memory_space<hbm>>
    %dma_start3A_328 = tpu.memref_squeeze %dma_start3A_327 : memref<1x5x128x32xf32, #tpu.memory_space<hbm>> -> memref<5x128x32xf32, #tpu.memory_space<hbm>>
    tpu.enqueue_dma source(%arg7 : memref<5x128x32xf32, #tpu.memory_space<vmem>>) target(%dma_start3A_328 : memref<5x128x32xf32, #tpu.memory_space<hbm>>) target_semaphore(%arg12 : memref<!tpu.dma_semaphore, #tpu.memory_space<semaphore_mem>>)
    %dma_wait3A_329 = arith.constant 0 : i32
    %dma_wait3A_330 = arith.constant 0 : i32
    %dma_wait3A_331 = arith.constant 0 : i32
    %dma_wait3A_332 = tpu.memref_slice %arg4[%add3A_184, %dma_wait3A_329, %dma_wait3A_330, %dma_wait3A_331] : memref<320x5x128x32xf32, #tpu.memory_space<hbm>> -> memref<1x5x128x32xf32, #tpu.memory_space<hbm>>
    %dma_wait3A_333 = tpu.memref_squeeze %dma_wait3A_332 : memref<1x5x128x32xf32, #tpu.memory_space<hbm>> -> memref<5x128x32xf32, #tpu.memory_space<hbm>>
    %dma_wait3A_334 = arith.constant 0 : i32
    %dma_wait3A_335 = arith.constant 0 : i32
    %dma_wait3A_336 = arith.constant 0 : i32
    %dma_wait3A_337 = tpu.memref_slice %arg4[%add3A_184, %dma_wait3A_334, %dma_wait3A_335, %dma_wait3A_336] : memref<320x5x128x32xf32, #tpu.memory_space<hbm>> -> memref<1x5x128x32xf32, #tpu.memory_space<hbm>>
    %dma_wait3A_338 = tpu.memref_squeeze %dma_wait3A_337 : memref<1x5x128x32xf32, #tpu.memory_space<hbm>> -> memref<5x128x32xf32, #tpu.memory_space<hbm>>
    tpu.wait_dma2 semaphore(%arg12 : memref<!tpu.dma_semaphore, #tpu.memory_space<semaphore_mem>>) src(%arg6 : memref<5x128x32xf32, #tpu.memory_space<vmem>>) dst(%dma_wait3A_338 : memref<5x128x32xf32, #tpu.memory_space<hbm>>)
    %dma_start3A_339 = arith.constant 15 : i32
    %dma_start3A_340 = arith.constant 0 : i32
    %dma_start3A_341 = arith.constant 0 : i32
    %dma_start3A_342 = arith.constant 0 : i32
    %dma_start3A_343 = tpu.memref_slice %arg6[%dma_start3A_340, %dma_start3A_341, %dma_start3A_342] : memref<5x128x32xf32, #tpu.memory_space<vmem>> -> memref<1x128x32xf32, #tpu.memory_space<vmem>>
    %dma_start3A_344 = tpu.memref_squeeze %dma_start3A_343 : memref<1x128x32xf32, #tpu.memory_space<vmem>> -> memref<128x32xf32, #tpu.memory_space<vmem>>
    %dma_start3A_345 = arith.constant 0 : i32
    %dma_start3A_346 = tpu.memref_slice %arg5[%dma_start3A_339, %dma_start3A_345] : memref<50x128xi32, #tpu.memory_space<vmem>> -> memref<1x128xi32, #tpu.memory_space<vmem>>
    %dma_start3A_347 = tpu.memref_squeeze %dma_start3A_346 : memref<1x128xi32, #tpu.memory_space<vmem>> -> memref<128xi32, #tpu.memory_space<vmem>>
    %dma_start3A_348 = arith.constant 0 : i32
    %dma_start3A_349 = arith.constant 0 : i32
    %dma_start3A_350 = tpu.memref_slice %arg2[%dma_start3A_348, %dma_start3A_349] : memref<1000000x32xf32, #tpu.memory_space<hbm>> -> memref<1000000x32xf32, #tpu.memory_space<hbm>>
    tpu.enqueue_indirect_dma source(%dma_start3A_350 : memref<1000000x32xf32, #tpu.memory_space<hbm>>) target(%dma_start3A_344 : memref<128x32xf32, #tpu.memory_space<vmem>>) offsets(%dma_start3A_347 : memref<128xi32, #tpu.memory_space<vmem>>) semaphore(%arg9 : memref<!tpu.dma_semaphore, #tpu.memory_space<semaphore_mem>>)
    %dma_start3A_351 = arith.constant 16 : i32
    %dma_start3A_352 = arith.constant 1 : i32
    %dma_start3A_353 = arith.constant 0 : i32
    %dma_start3A_354 = arith.constant 0 : i32
    %dma_start3A_355 = tpu.memref_slice %arg6[%dma_start3A_352, %dma_start3A_353, %dma_start3A_354] : memref<5x128x32xf32, #tpu.memory_space<vmem>> -> memref<1x128x32xf32, #tpu.memory_space<vmem>>
    %dma_start3A_356 = tpu.memref_squeeze %dma_start3A_355 : memref<1x128x32xf32, #tpu.memory_space<vmem>> -> memref<128x32xf32, #tpu.memory_space<vmem>>
    %dma_start3A_357 = arith.constant 0 : i32
    %dma_start3A_358 = tpu.memref_slice %arg5[%dma_start3A_351, %dma_start3A_357] : memref<50x128xi32, #tpu.memory_space<vmem>> -> memref<1x128xi32, #tpu.memory_space<vmem>>
    %dma_start3A_359 = tpu.memref_squeeze %dma_start3A_358 : memref<1x128xi32, #tpu.memory_space<vmem>> -> memref<128xi32, #tpu.memory_space<vmem>>
    %dma_start3A_360 = arith.constant 0 : i32
    %dma_start3A_361 = arith.constant 0 : i32
    %dma_start3A_362 = tpu.memref_slice %arg2[%dma_start3A_360, %dma_start3A_361] : memref<1000000x32xf32, #tpu.memory_space<hbm>> -> memref<1000000x32xf32, #tpu.memory_space<hbm>>
    tpu.enqueue_indirect_dma source(%dma_start3A_362 : memref<1000000x32xf32, #tpu.memory_space<hbm>>) target(%dma_start3A_356 : memref<128x32xf32, #tpu.memory_space<vmem>>) offsets(%dma_start3A_359 : memref<128xi32, #tpu.memory_space<vmem>>) semaphore(%arg9 : memref<!tpu.dma_semaphore, #tpu.memory_space<semaphore_mem>>)
    %dma_start3A_363 = arith.constant 17 : i32
    %dma_start3A_364 = arith.constant 2 : i32
    %dma_start3A_365 = arith.constant 0 : i32
    %dma_start3A_366 = arith.constant 0 : i32
    %dma_start3A_367 = tpu.memref_slice %arg6[%dma_start3A_364, %dma_start3A_365, %dma_start3A_366] : memref<5x128x32xf32, #tpu.memory_space<vmem>> -> memref<1x128x32xf32, #tpu.memory_space<vmem>>
    %dma_start3A_368 = tpu.memref_squeeze %dma_start3A_367 : memref<1x128x32xf32, #tpu.memory_space<vmem>> -> memref<128x32xf32, #tpu.memory_space<vmem>>
    %dma_start3A_369 = arith.constant 0 : i32
    %dma_start3A_370 = tpu.memref_slice %arg5[%dma_start3A_363, %dma_start3A_369] : memref<50x128xi32, #tpu.memory_space<vmem>> -> memref<1x128xi32, #tpu.memory_space<vmem>>
    %dma_start3A_371 = tpu.memref_squeeze %dma_start3A_370 : memref<1x128xi32, #tpu.memory_space<vmem>> -> memref<128xi32, #tpu.memory_space<vmem>>
    %dma_start3A_372 = arith.constant 0 : i32
    %dma_start3A_373 = arith.constant 0 : i32
    %dma_start3A_374 = tpu.memref_slice %arg2[%dma_start3A_372, %dma_start3A_373] : memref<1000000x32xf32, #tpu.memory_space<hbm>> -> memref<1000000x32xf32, #tpu.memory_space<hbm>>
    tpu.enqueue_indirect_dma source(%dma_start3A_374 : memref<1000000x32xf32, #tpu.memory_space<hbm>>) target(%dma_start3A_368 : memref<128x32xf32, #tpu.memory_space<vmem>>) offsets(%dma_start3A_371 : memref<128xi32, #tpu.memory_space<vmem>>) semaphore(%arg9 : memref<!tpu.dma_semaphore, #tpu.memory_space<semaphore_mem>>)
    %dma_start3A_375 = arith.constant 18 : i32
    %dma_start3A_376 = arith.constant 3 : i32
    %dma_start3A_377 = arith.constant 0 : i32
    %dma_start3A_378 = arith.constant 0 : i32
    %dma_start3A_379 = tpu.memref_slice %arg6[%dma_start3A_376, %dma_start3A_377, %dma_start3A_378] : memref<5x128x32xf32, #tpu.memory_space<vmem>> -> memref<1x128x32xf32, #tpu.memory_space<vmem>>
    %dma_start3A_380 = tpu.memref_squeeze %dma_start3A_379 : memref<1x128x32xf32, #tpu.memory_space<vmem>> -> memref<128x32xf32, #tpu.memory_space<vmem>>
    %dma_start3A_381 = arith.constant 0 : i32
    %dma_start3A_382 = tpu.memref_slice %arg5[%dma_start3A_375, %dma_start3A_381] : memref<50x128xi32, #tpu.memory_space<vmem>> -> memref<1x128xi32, #tpu.memory_space<vmem>>
    %dma_start3A_383 = tpu.memref_squeeze %dma_start3A_382 : memref<1x128xi32, #tpu.memory_space<vmem>> -> memref<128xi32, #tpu.memory_space<vmem>>
    %dma_start3A_384 = arith.constant 0 : i32
    %dma_start3A_385 = arith.constant 0 : i32
    %dma_start3A_386 = tpu.memref_slice %arg2[%dma_start3A_384, %dma_start3A_385] : memref<1000000x32xf32, #tpu.memory_space<hbm>> -> memref<1000000x32xf32, #tpu.memory_space<hbm>>
    tpu.enqueue_indirect_dma source(%dma_start3A_386 : memref<1000000x32xf32, #tpu.memory_space<hbm>>) target(%dma_start3A_380 : memref<128x32xf32, #tpu.memory_space<vmem>>) offsets(%dma_start3A_383 : memref<128xi32, #tpu.memory_space<vmem>>) semaphore(%arg9 : memref<!tpu.dma_semaphore, #tpu.memory_space<semaphore_mem>>)
    %dma_start3A_387 = arith.constant 19 : i32
    %dma_start3A_388 = arith.constant 4 : i32
    %dma_start3A_389 = arith.constant 0 : i32
    %dma_start3A_390 = arith.constant 0 : i32
    %dma_start3A_391 = tpu.memref_slice %arg6[%dma_start3A_388, %dma_start3A_389, %dma_start3A_390] : memref<5x128x32xf32, #tpu.memory_space<vmem>> -> memref<1x128x32xf32, #tpu.memory_space<vmem>>
    %dma_start3A_392 = tpu.memref_squeeze %dma_start3A_391 : memref<1x128x32xf32, #tpu.memory_space<vmem>> -> memref<128x32xf32, #tpu.memory_space<vmem>>
    %dma_start3A_393 = arith.constant 0 : i32
    %dma_start3A_394 = tpu.memref_slice %arg5[%dma_start3A_387, %dma_start3A_393] : memref<50x128xi32, #tpu.memory_space<vmem>> -> memref<1x128xi32, #tpu.memory_space<vmem>>
    %dma_start3A_395 = tpu.memref_squeeze %dma_start3A_394 : memref<1x128xi32, #tpu.memory_space<vmem>> -> memref<128xi32, #tpu.memory_space<vmem>>
    %dma_start3A_396 = arith.constant 0 : i32
    %dma_start3A_397 = arith.constant 0 : i32
    %dma_start3A_398 = tpu.memref_slice %arg2[%dma_start3A_396, %dma_start3A_397] : memref<1000000x32xf32, #tpu.memory_space<hbm>> -> memref<1000000x32xf32, #tpu.memory_space<hbm>>
    tpu.enqueue_indirect_dma source(%dma_start3A_398 : memref<1000000x32xf32, #tpu.memory_space<hbm>>) target(%dma_start3A_392 : memref<128x32xf32, #tpu.memory_space<vmem>>) offsets(%dma_start3A_395 : memref<128xi32, #tpu.memory_space<vmem>>) semaphore(%arg9 : memref<!tpu.dma_semaphore, #tpu.memory_space<semaphore_mem>>)
    %dma_wait3A_399 = arith.constant 10 : i32
    %dma_wait3A_400 = arith.constant 0 : i32
    %dma_wait3A_401 = arith.constant 0 : i32
    %dma_wait3A_402 = arith.constant 0 : i32
    %dma_wait3A_403 = tpu.memref_slice %arg8[%dma_wait3A_400, %dma_wait3A_401, %dma_wait3A_402] : memref<5x128x32xf32, #tpu.memory_space<vmem>> -> memref<1x128x32xf32, #tpu.memory_space<vmem>>
    %dma_wait3A_404 = tpu.memref_squeeze %dma_wait3A_403 : memref<1x128x32xf32, #tpu.memory_space<vmem>> -> memref<128x32xf32, #tpu.memory_space<vmem>>
    %dma_wait3A_405 = arith.constant 0 : i32
    %dma_wait3A_406 = tpu.memref_slice %arg5[%dma_wait3A_399, %dma_wait3A_405] : memref<50x128xi32, #tpu.memory_space<vmem>> -> memref<1x128xi32, #tpu.memory_space<vmem>>
    %dma_wait3A_407 = tpu.memref_squeeze %dma_wait3A_406 : memref<1x128xi32, #tpu.memory_space<vmem>> -> memref<128xi32, #tpu.memory_space<vmem>>
    %dma_wait3A_408 = arith.constant 0 : i32
    %dma_wait3A_409 = arith.constant 0 : i32
    %dma_wait3A_410 = tpu.memref_slice %arg2[%dma_wait3A_408, %dma_wait3A_409] : memref<1000000x32xf32, #tpu.memory_space<hbm>> -> memref<1000000x32xf32, #tpu.memory_space<hbm>>
    tpu.wait_indirect_dma semaphore(%arg11 : memref<!tpu.dma_semaphore, #tpu.memory_space<semaphore_mem>>) src(%dma_wait3A_410 : memref<1000000x32xf32, #tpu.memory_space<hbm>>) dst(%dma_wait3A_404 : memref<128x32xf32, #tpu.memory_space<vmem>>)
    %dma_wait3A_411 = arith.constant 11 : i32
    %dma_wait3A_412 = arith.constant 1 : i32
    %dma_wait3A_413 = arith.constant 0 : i32
    %dma_wait3A_414 = arith.constant 0 : i32
    %dma_wait3A_415 = tpu.memref_slice %arg8[%dma_wait3A_412, %dma_wait3A_413, %dma_wait3A_414] : memref<5x128x32xf32, #tpu.memory_space<vmem>> -> memref<1x128x32xf32, #tpu.memory_space<vmem>>
    %dma_wait3A_416 = tpu.memref_squeeze %dma_wait3A_415 : memref<1x128x32xf32, #tpu.memory_space<vmem>> -> memref<128x32xf32, #tpu.memory_space<vmem>>
    %dma_wait3A_417 = arith.constant 0 : i32
    %dma_wait3A_418 = tpu.memref_slice %arg5[%dma_wait3A_411, %dma_wait3A_417] : memref<50x128xi32, #tpu.memory_space<vmem>> -> memref<1x128xi32, #tpu.memory_space<vmem>>
    %dma_wait3A_419 = tpu.memref_squeeze %dma_wait3A_418 : memref<1x128xi32, #tpu.memory_space<vmem>> -> memref<128xi32, #tpu.memory_space<vmem>>
    %dma_wait3A_420 = arith.constant 0 : i32
    %dma_wait3A_421 = arith.constant 0 : i32
    %dma_wait3A_422 = tpu.memref_slice %arg2[%dma_wait3A_420, %dma_wait3A_421] : memref<1000000x32xf32, #tpu.memory_space<hbm>> -> memref<1000000x32xf32, #tpu.memory_space<hbm>>
    tpu.wait_indirect_dma semaphore(%arg11 : memref<!tpu.dma_semaphore, #tpu.memory_space<semaphore_mem>>) src(%dma_wait3A_422 : memref<1000000x32xf32, #tpu.memory_space<hbm>>) dst(%dma_wait3A_416 : memref<128x32xf32, #tpu.memory_space<vmem>>)
    %dma_wait3A_423 = arith.constant 12 : i32
    %dma_wait3A_424 = arith.constant 2 : i32
    %dma_wait3A_425 = arith.constant 0 : i32
    %dma_wait3A_426 = arith.constant 0 : i32
    %dma_wait3A_427 = tpu.memref_slice %arg8[%dma_wait3A_424, %dma_wait3A_425, %dma_wait3A_426] : memref<5x128x32xf32, #tpu.memory_space<vmem>> -> memref<1x128x32xf32, #tpu.memory_space<vmem>>
    %dma_wait3A_428 = tpu.memref_squeeze %dma_wait3A_427 : memref<1x128x32xf32, #tpu.memory_space<vmem>> -> memref<128x32xf32, #tpu.memory_space<vmem>>
    %dma_wait3A_429 = arith.constant 0 : i32
    %dma_wait3A_430 = tpu.memref_slice %arg5[%dma_wait3A_423, %dma_wait3A_429] : memref<50x128xi32, #tpu.memory_space<vmem>> -> memref<1x128xi32, #tpu.memory_space<vmem>>
    %dma_wait3A_431 = tpu.memref_squeeze %dma_wait3A_430 : memref<1x128xi32, #tpu.memory_space<vmem>> -> memref<128xi32, #tpu.memory_space<vmem>>
    %dma_wait3A_432 = arith.constant 0 : i32
    %dma_wait3A_433 = arith.constant 0 : i32
    %dma_wait3A_434 = tpu.memref_slice %arg2[%dma_wait3A_432, %dma_wait3A_433] : memref<1000000x32xf32, #tpu.memory_space<hbm>> -> memref<1000000x32xf32, #tpu.memory_space<hbm>>
    tpu.wait_indirect_dma semaphore(%arg11 : memref<!tpu.dma_semaphore, #tpu.memory_space<semaphore_mem>>) src(%dma_wait3A_434 : memref<1000000x32xf32, #tpu.memory_space<hbm>>) dst(%dma_wait3A_428 : memref<128x32xf32, #tpu.memory_space<vmem>>)
    %dma_wait3A_435 = arith.constant 13 : i32
    %dma_wait3A_436 = arith.constant 3 : i32
    %dma_wait3A_437 = arith.constant 0 : i32
    %dma_wait3A_438 = arith.constant 0 : i32
    %dma_wait3A_439 = tpu.memref_slice %arg8[%dma_wait3A_436, %dma_wait3A_437, %dma_wait3A_438] : memref<5x128x32xf32, #tpu.memory_space<vmem>> -> memref<1x128x32xf32, #tpu.memory_space<vmem>>
    %dma_wait3A_440 = tpu.memref_squeeze %dma_wait3A_439 : memref<1x128x32xf32, #tpu.memory_space<vmem>> -> memref<128x32xf32, #tpu.memory_space<vmem>>
    %dma_wait3A_441 = arith.constant 0 : i32
    %dma_wait3A_442 = tpu.memref_slice %arg5[%dma_wait3A_435, %dma_wait3A_441] : memref<50x128xi32, #tpu.memory_space<vmem>> -> memref<1x128xi32, #tpu.memory_space<vmem>>
    %dma_wait3A_443 = tpu.memref_squeeze %dma_wait3A_442 : memref<1x128xi32, #tpu.memory_space<vmem>> -> memref<128xi32, #tpu.memory_space<vmem>>
    %dma_wait3A_444 = arith.constant 0 : i32
    %dma_wait3A_445 = arith.constant 0 : i32
    %dma_wait3A_446 = tpu.memref_slice %arg2[%dma_wait3A_444, %dma_wait3A_445] : memref<1000000x32xf32, #tpu.memory_space<hbm>> -> memref<1000000x32xf32, #tpu.memory_space<hbm>>
    tpu.wait_indirect_dma semaphore(%arg11 : memref<!tpu.dma_semaphore, #tpu.memory_space<semaphore_mem>>) src(%dma_wait3A_446 : memref<1000000x32xf32, #tpu.memory_space<hbm>>) dst(%dma_wait3A_440 : memref<128x32xf32, #tpu.memory_space<vmem>>)
    %dma_wait3A_447 = arith.constant 14 : i32
    %dma_wait3A_448 = arith.constant 4 : i32
    %dma_wait3A_449 = arith.constant 0 : i32
    %dma_wait3A_450 = arith.constant 0 : i32
    %dma_wait3A_451 = tpu.memref_slice %arg8[%dma_wait3A_448, %dma_wait3A_449, %dma_wait3A_450] : memref<5x128x32xf32, #tpu.memory_space<vmem>> -> memref<1x128x32xf32, #tpu.memory_space<vmem>>
    %dma_wait3A_452 = tpu.memref_squeeze %dma_wait3A_451 : memref<1x128x32xf32, #tpu.memory_space<vmem>> -> memref<128x32xf32, #tpu.memory_space<vmem>>
    %dma_wait3A_453 = arith.constant 0 : i32
    %dma_wait3A_454 = tpu.memref_slice %arg5[%dma_wait3A_447, %dma_wait3A_453] : memref<50x128xi32, #tpu.memory_space<vmem>> -> memref<1x128xi32, #tpu.memory_space<vmem>>
    %dma_wait3A_455 = tpu.memref_squeeze %dma_wait3A_454 : memref<1x128xi32, #tpu.memory_space<vmem>> -> memref<128xi32, #tpu.memory_space<vmem>>
    %dma_wait3A_456 = arith.constant 0 : i32
    %dma_wait3A_457 = arith.constant 0 : i32
    %dma_wait3A_458 = tpu.memref_slice %arg2[%dma_wait3A_456, %dma_wait3A_457] : memref<1000000x32xf32, #tpu.memory_space<hbm>> -> memref<1000000x32xf32, #tpu.memory_space<hbm>>
    tpu.wait_indirect_dma semaphore(%arg11 : memref<!tpu.dma_semaphore, #tpu.memory_space<semaphore_mem>>) src(%dma_wait3A_458 : memref<1000000x32xf32, #tpu.memory_space<hbm>>) dst(%dma_wait3A_452 : memref<128x32xf32, #tpu.memory_space<vmem>>)
    %mul3A_459 = arith.constant 10 : i32
    %mul3A_460 = arith.muli %add3A, %mul3A_459 : i32
    %add3A_461 = arith.constant 2 : i32
    %add3A_462 = arith.addi %mul3A_460, %add3A_461 : i32
    %dma_start3A_463 = arith.constant 0 : i32
    %dma_start3A_464 = arith.constant 0 : i32
    %dma_start3A_465 = arith.constant 0 : i32
    %dma_start3A_466 = tpu.memref_slice %arg4[%add3A_462, %dma_start3A_463, %dma_start3A_464, %dma_start3A_465] : memref<320x5x128x32xf32, #tpu.memory_space<hbm>> -> memref<1x5x128x32xf32, #tpu.memory_space<hbm>>
    %dma_start3A_467 = tpu.memref_squeeze %dma_start3A_466 : memref<1x5x128x32xf32, #tpu.memory_space<hbm>> -> memref<5x128x32xf32, #tpu.memory_space<hbm>>
    %dma_start3A_468 = arith.constant 0 : i32
    %dma_start3A_469 = arith.constant 0 : i32
    %dma_start3A_470 = arith.constant 0 : i32
    %dma_start3A_471 = tpu.memref_slice %arg4[%add3A_462, %dma_start3A_468, %dma_start3A_469, %dma_start3A_470] : memref<320x5x128x32xf32, #tpu.memory_space<hbm>> -> memref<1x5x128x32xf32, #tpu.memory_space<hbm>>
    %dma_start3A_472 = tpu.memref_squeeze %dma_start3A_471 : memref<1x5x128x32xf32, #tpu.memory_space<hbm>> -> memref<5x128x32xf32, #tpu.memory_space<hbm>>
    tpu.enqueue_dma source(%arg8 : memref<5x128x32xf32, #tpu.memory_space<vmem>>) target(%dma_start3A_472 : memref<5x128x32xf32, #tpu.memory_space<hbm>>) target_semaphore(%arg12 : memref<!tpu.dma_semaphore, #tpu.memory_space<semaphore_mem>>)
    %dma_wait3A_473 = arith.constant 0 : i32
    %dma_wait3A_474 = arith.constant 0 : i32
    %dma_wait3A_475 = arith.constant 0 : i32
    %dma_wait3A_476 = tpu.memref_slice %arg4[%add3A_318, %dma_wait3A_473, %dma_wait3A_474, %dma_wait3A_475] : memref<320x5x128x32xf32, #tpu.memory_space<hbm>> -> memref<1x5x128x32xf32, #tpu.memory_space<hbm>>
    %dma_wait3A_477 = tpu.memref_squeeze %dma_wait3A_476 : memref<1x5x128x32xf32, #tpu.memory_space<hbm>> -> memref<5x128x32xf32, #tpu.memory_space<hbm>>
    %dma_wait3A_478 = arith.constant 0 : i32
    %dma_wait3A_479 = arith.constant 0 : i32
    %dma_wait3A_480 = arith.constant 0 : i32
    %dma_wait3A_481 = tpu.memref_slice %arg4[%add3A_318, %dma_wait3A_478, %dma_wait3A_479, %dma_wait3A_480] : memref<320x5x128x32xf32, #tpu.memory_space<hbm>> -> memref<1x5x128x32xf32, #tpu.memory_space<hbm>>
    %dma_wait3A_482 = tpu.memref_squeeze %dma_wait3A_481 : memref<1x5x128x32xf32, #tpu.memory_space<hbm>> -> memref<5x128x32xf32, #tpu.memory_space<hbm>>
    tpu.wait_dma2 semaphore(%arg12 : memref<!tpu.dma_semaphore, #tpu.memory_space<semaphore_mem>>) src(%arg7 : memref<5x128x32xf32, #tpu.memory_space<vmem>>) dst(%dma_wait3A_482 : memref<5x128x32xf32, #tpu.memory_space<hbm>>)
    %dma_start3A_483 = arith.constant 20 : i32
    %dma_start3A_484 = arith.constant 0 : i32
    %dma_start3A_485 = arith.constant 0 : i32
    %dma_start3A_486 = arith.constant 0 : i32
    %dma_start3A_487 = tpu.memref_slice %arg7[%dma_start3A_484, %dma_start3A_485, %dma_start3A_486] : memref<5x128x32xf32, #tpu.memory_space<vmem>> -> memref<1x128x32xf32, #tpu.memory_space<vmem>>
    %dma_start3A_488 = tpu.memref_squeeze %dma_start3A_487 : memref<1x128x32xf32, #tpu.memory_space<vmem>> -> memref<128x32xf32, #tpu.memory_space<vmem>>
    %dma_start3A_489 = arith.constant 0 : i32
    %dma_start3A_490 = tpu.memref_slice %arg5[%dma_start3A_483, %dma_start3A_489] : memref<50x128xi32, #tpu.memory_space<vmem>> -> memref<1x128xi32, #tpu.memory_space<vmem>>
    %dma_start3A_491 = tpu.memref_squeeze %dma_start3A_490 : memref<1x128xi32, #tpu.memory_space<vmem>> -> memref<128xi32, #tpu.memory_space<vmem>>
    %dma_start3A_492 = arith.constant 0 : i32
    %dma_start3A_493 = arith.constant 0 : i32
    %dma_start3A_494 = tpu.memref_slice %arg2[%dma_start3A_492, %dma_start3A_493] : memref<1000000x32xf32, #tpu.memory_space<hbm>> -> memref<1000000x32xf32, #tpu.memory_space<hbm>>
    tpu.enqueue_indirect_dma source(%dma_start3A_494 : memref<1000000x32xf32, #tpu.memory_space<hbm>>) target(%dma_start3A_488 : memref<128x32xf32, #tpu.memory_space<vmem>>) offsets(%dma_start3A_491 : memref<128xi32, #tpu.memory_space<vmem>>) semaphore(%arg10 : memref<!tpu.dma_semaphore, #tpu.memory_space<semaphore_mem>>)
    %dma_start3A_495 = arith.constant 21 : i32
    %dma_start3A_496 = arith.constant 1 : i32
    %dma_start3A_497 = arith.constant 0 : i32
    %dma_start3A_498 = arith.constant 0 : i32
    %dma_start3A_499 = tpu.memref_slice %arg7[%dma_start3A_496, %dma_start3A_497, %dma_start3A_498] : memref<5x128x32xf32, #tpu.memory_space<vmem>> -> memref<1x128x32xf32, #tpu.memory_space<vmem>>
    %dma_start3A_500 = tpu.memref_squeeze %dma_start3A_499 : memref<1x128x32xf32, #tpu.memory_space<vmem>> -> memref<128x32xf32, #tpu.memory_space<vmem>>
    %dma_start3A_501 = arith.constant 0 : i32
    %dma_start3A_502 = tpu.memref_slice %arg5[%dma_start3A_495, %dma_start3A_501] : memref<50x128xi32, #tpu.memory_space<vmem>> -> memref<1x128xi32, #tpu.memory_space<vmem>>
    %dma_start3A_503 = tpu.memref_squeeze %dma_start3A_502 : memref<1x128xi32, #tpu.memory_space<vmem>> -> memref<128xi32, #tpu.memory_space<vmem>>
    %dma_start3A_504 = arith.constant 0 : i32
    %dma_start3A_505 = arith.constant 0 : i32
    %dma_start3A_506 = tpu.memref_slice %arg2[%dma_start3A_504, %dma_start3A_505] : memref<1000000x32xf32, #tpu.memory_space<hbm>> -> memref<1000000x32xf32, #tpu.memory_space<hbm>>
    tpu.enqueue_indirect_dma source(%dma_start3A_506 : memref<1000000x32xf32, #tpu.memory_space<hbm>>) target(%dma_start3A_500 : memref<128x32xf32, #tpu.memory_space<vmem>>) offsets(%dma_start3A_503 : memref<128xi32, #tpu.memory_space<vmem>>) semaphore(%arg10 : memref<!tpu.dma_semaphore, #tpu.memory_space<semaphore_mem>>)
    %dma_start3A_507 = arith.constant 22 : i32
    %dma_start3A_508 = arith.constant 2 : i32
    %dma_start3A_509 = arith.constant 0 : i32
    %dma_start3A_510 = arith.constant 0 : i32
    %dma_start3A_511 = tpu.memref_slice %arg7[%dma_start3A_508, %dma_start3A_509, %dma_start3A_510] : memref<5x128x32xf32, #tpu.memory_space<vmem>> -> memref<1x128x32xf32, #tpu.memory_space<vmem>>
    %dma_start3A_512 = tpu.memref_squeeze %dma_start3A_511 : memref<1x128x32xf32, #tpu.memory_space<vmem>> -> memref<128x32xf32, #tpu.memory_space<vmem>>
    %dma_start3A_513 = arith.constant 0 : i32
    %dma_start3A_514 = tpu.memref_slice %arg5[%dma_start3A_507, %dma_start3A_513] : memref<50x128xi32, #tpu.memory_space<vmem>> -> memref<1x128xi32, #tpu.memory_space<vmem>>
    %dma_start3A_515 = tpu.memref_squeeze %dma_start3A_514 : memref<1x128xi32, #tpu.memory_space<vmem>> -> memref<128xi32, #tpu.memory_space<vmem>>
    %dma_start3A_516 = arith.constant 0 : i32
    %dma_start3A_517 = arith.constant 0 : i32
    %dma_start3A_518 = tpu.memref_slice %arg2[%dma_start3A_516, %dma_start3A_517] : memref<1000000x32xf32, #tpu.memory_space<hbm>> -> memref<1000000x32xf32, #tpu.memory_space<hbm>>
    tpu.enqueue_indirect_dma source(%dma_start3A_518 : memref<1000000x32xf32, #tpu.memory_space<hbm>>) target(%dma_start3A_512 : memref<128x32xf32, #tpu.memory_space<vmem>>) offsets(%dma_start3A_515 : memref<128xi32, #tpu.memory_space<vmem>>) semaphore(%arg10 : memref<!tpu.dma_semaphore, #tpu.memory_space<semaphore_mem>>)
    %dma_start3A_519 = arith.constant 23 : i32
    %dma_start3A_520 = arith.constant 3 : i32
    %dma_start3A_521 = arith.constant 0 : i32
    %dma_start3A_522 = arith.constant 0 : i32
    %dma_start3A_523 = tpu.memref_slice %arg7[%dma_start3A_520, %dma_start3A_521, %dma_start3A_522] : memref<5x128x32xf32, #tpu.memory_space<vmem>> -> memref<1x128x32xf32, #tpu.memory_space<vmem>>
    %dma_start3A_524 = tpu.memref_squeeze %dma_start3A_523 : memref<1x128x32xf32, #tpu.memory_space<vmem>> -> memref<128x32xf32, #tpu.memory_space<vmem>>
    %dma_start3A_525 = arith.constant 0 : i32
    %dma_start3A_526 = tpu.memref_slice %arg5[%dma_start3A_519, %dma_start3A_525] : memref<50x128xi32, #tpu.memory_space<vmem>> -> memref<1x128xi32, #tpu.memory_space<vmem>>
    %dma_start3A_527 = tpu.memref_squeeze %dma_start3A_526 : memref<1x128xi32, #tpu.memory_space<vmem>> -> memref<128xi32, #tpu.memory_space<vmem>>
    %dma_start3A_528 = arith.constant 0 : i32
    %dma_start3A_529 = arith.constant 0 : i32
    %dma_start3A_530 = tpu.memref_slice %arg2[%dma_start3A_528, %dma_start3A_529] : memref<1000000x32xf32, #tpu.memory_space<hbm>> -> memref<1000000x32xf32, #tpu.memory_space<hbm>>
    tpu.enqueue_indirect_dma source(%dma_start3A_530 : memref<1000000x32xf32, #tpu.memory_space<hbm>>) target(%dma_start3A_524 : memref<128x32xf32, #tpu.memory_space<vmem>>) offsets(%dma_start3A_527 : memref<128xi32, #tpu.memory_space<vmem>>) semaphore(%arg10 : memref<!tpu.dma_semaphore, #tpu.memory_space<semaphore_mem>>)
    %dma_start3A_531 = arith.constant 24 : i32
    %dma_start3A_532 = arith.constant 4 : i32
    %dma_start3A_533 = arith.constant 0 : i32
    %dma_start3A_534 = arith.constant 0 : i32
    %dma_start3A_535 = tpu.memref_slice %arg7[%dma_start3A_532, %dma_start3A_533, %dma_start3A_534] : memref<5x128x32xf32, #tpu.memory_space<vmem>> -> memref<1x128x32xf32, #tpu.memory_space<vmem>>
    %dma_start3A_536 = tpu.memref_squeeze %dma_start3A_535 : memref<1x128x32xf32, #tpu.memory_space<vmem>> -> memref<128x32xf32, #tpu.memory_space<vmem>>
    %dma_start3A_537 = arith.constant 0 : i32
    %dma_start3A_538 = tpu.memref_slice %arg5[%dma_start3A_531, %dma_start3A_537] : memref<50x128xi32, #tpu.memory_space<vmem>> -> memref<1x128xi32, #tpu.memory_space<vmem>>
    %dma_start3A_539 = tpu.memref_squeeze %dma_start3A_538 : memref<1x128xi32, #tpu.memory_space<vmem>> -> memref<128xi32, #tpu.memory_space<vmem>>
    %dma_start3A_540 = arith.constant 0 : i32
    %dma_start3A_541 = arith.constant 0 : i32
    %dma_start3A_542 = tpu.memref_slice %arg2[%dma_start3A_540, %dma_start3A_541] : memref<1000000x32xf32, #tpu.memory_space<hbm>> -> memref<1000000x32xf32, #tpu.memory_space<hbm>>
    tpu.enqueue_indirect_dma source(%dma_start3A_542 : memref<1000000x32xf32, #tpu.memory_space<hbm>>) target(%dma_start3A_536 : memref<128x32xf32, #tpu.memory_space<vmem>>) offsets(%dma_start3A_539 : memref<128xi32, #tpu.memory_space<vmem>>) semaphore(%arg10 : memref<!tpu.dma_semaphore, #tpu.memory_space<semaphore_mem>>)
    %dma_wait3A_543 = arith.constant 15 : i32
    %dma_wait3A_544 = arith.constant 0 : i32
    %dma_wait3A_545 = arith.constant 0 : i32
    %dma_wait3A_546 = arith.constant 0 : i32
    %dma_wait3A_547 = tpu.memref_slice %arg6[%dma_wait3A_544, %dma_wait3A_545, %dma_wait3A_546] : memref<5x128x32xf32, #tpu.memory_space<vmem>> -> memref<1x128x32xf32, #tpu.memory_space<vmem>>
    %dma_wait3A_548 = tpu.memref_squeeze %dma_wait3A_547 : memref<1x128x32xf32, #tpu.memory_space<vmem>> -> memref<128x32xf32, #tpu.memory_space<vmem>>
    %dma_wait3A_549 = arith.constant 0 : i32
    %dma_wait3A_550 = tpu.memref_slice %arg5[%dma_wait3A_543, %dma_wait3A_549] : memref<50x128xi32, #tpu.memory_space<vmem>> -> memref<1x128xi32, #tpu.memory_space<vmem>>
    %dma_wait3A_551 = tpu.memref_squeeze %dma_wait3A_550 : memref<1x128xi32, #tpu.memory_space<vmem>> -> memref<128xi32, #tpu.memory_space<vmem>>
    %dma_wait3A_552 = arith.constant 0 : i32
    %dma_wait3A_553 = arith.constant 0 : i32
    %dma_wait3A_554 = tpu.memref_slice %arg2[%dma_wait3A_552, %dma_wait3A_553] : memref<1000000x32xf32, #tpu.memory_space<hbm>> -> memref<1000000x32xf32, #tpu.memory_space<hbm>>
    tpu.wait_indirect_dma semaphore(%arg9 : memref<!tpu.dma_semaphore, #tpu.memory_space<semaphore_mem>>) src(%dma_wait3A_554 : memref<1000000x32xf32, #tpu.memory_space<hbm>>) dst(%dma_wait3A_548 : memref<128x32xf32, #tpu.memory_space<vmem>>)
    %dma_wait3A_555 = arith.constant 16 : i32
    %dma_wait3A_556 = arith.constant 1 : i32
    %dma_wait3A_557 = arith.constant 0 : i32
    %dma_wait3A_558 = arith.constant 0 : i32
    %dma_wait3A_559 = tpu.memref_slice %arg6[%dma_wait3A_556, %dma_wait3A_557, %dma_wait3A_558] : memref<5x128x32xf32, #tpu.memory_space<vmem>> -> memref<1x128x32xf32, #tpu.memory_space<vmem>>
    %dma_wait3A_560 = tpu.memref_squeeze %dma_wait3A_559 : memref<1x128x32xf32, #tpu.memory_space<vmem>> -> memref<128x32xf32, #tpu.memory_space<vmem>>
    %dma_wait3A_561 = arith.constant 0 : i32
    %dma_wait3A_562 = tpu.memref_slice %arg5[%dma_wait3A_555, %dma_wait3A_561] : memref<50x128xi32, #tpu.memory_space<vmem>> -> memref<1x128xi32, #tpu.memory_space<vmem>>
    %dma_wait3A_563 = tpu.memref_squeeze %dma_wait3A_562 : memref<1x128xi32, #tpu.memory_space<vmem>> -> memref<128xi32, #tpu.memory_space<vmem>>
    %dma_wait3A_564 = arith.constant 0 : i32
    %dma_wait3A_565 = arith.constant 0 : i32
    %dma_wait3A_566 = tpu.memref_slice %arg2[%dma_wait3A_564, %dma_wait3A_565] : memref<1000000x32xf32, #tpu.memory_space<hbm>> -> memref<1000000x32xf32, #tpu.memory_space<hbm>>
    tpu.wait_indirect_dma semaphore(%arg9 : memref<!tpu.dma_semaphore, #tpu.memory_space<semaphore_mem>>) src(%dma_wait3A_566 : memref<1000000x32xf32, #tpu.memory_space<hbm>>) dst(%dma_wait3A_560 : memref<128x32xf32, #tpu.memory_space<vmem>>)
    %dma_wait3A_567 = arith.constant 17 : i32
    %dma_wait3A_568 = arith.constant 2 : i32
    %dma_wait3A_569 = arith.constant 0 : i32
    %dma_wait3A_570 = arith.constant 0 : i32
    %dma_wait3A_571 = tpu.memref_slice %arg6[%dma_wait3A_568, %dma_wait3A_569, %dma_wait3A_570] : memref<5x128x32xf32, #tpu.memory_space<vmem>> -> memref<1x128x32xf32, #tpu.memory_space<vmem>>
    %dma_wait3A_572 = tpu.memref_squeeze %dma_wait3A_571 : memref<1x128x32xf32, #tpu.memory_space<vmem>> -> memref<128x32xf32, #tpu.memory_space<vmem>>
    %dma_wait3A_573 = arith.constant 0 : i32
    %dma_wait3A_574 = tpu.memref_slice %arg5[%dma_wait3A_567, %dma_wait3A_573] : memref<50x128xi32, #tpu.memory_space<vmem>> -> memref<1x128xi32, #tpu.memory_space<vmem>>
    %dma_wait3A_575 = tpu.memref_squeeze %dma_wait3A_574 : memref<1x128xi32, #tpu.memory_space<vmem>> -> memref<128xi32, #tpu.memory_space<vmem>>
    %dma_wait3A_576 = arith.constant 0 : i32
    %dma_wait3A_577 = arith.constant 0 : i32
    %dma_wait3A_578 = tpu.memref_slice %arg2[%dma_wait3A_576, %dma_wait3A_577] : memref<1000000x32xf32, #tpu.memory_space<hbm>> -> memref<1000000x32xf32, #tpu.memory_space<hbm>>
    tpu.wait_indirect_dma semaphore(%arg9 : memref<!tpu.dma_semaphore, #tpu.memory_space<semaphore_mem>>) src(%dma_wait3A_578 : memref<1000000x32xf32, #tpu.memory_space<hbm>>) dst(%dma_wait3A_572 : memref<128x32xf32, #tpu.memory_space<vmem>>)
    %dma_wait3A_579 = arith.constant 18 : i32
    %dma_wait3A_580 = arith.constant 3 : i32
    %dma_wait3A_581 = arith.constant 0 : i32
    %dma_wait3A_582 = arith.constant 0 : i32
    %dma_wait3A_583 = tpu.memref_slice %arg6[%dma_wait3A_580, %dma_wait3A_581, %dma_wait3A_582] : memref<5x128x32xf32, #tpu.memory_space<vmem>> -> memref<1x128x32xf32, #tpu.memory_space<vmem>>
    %dma_wait3A_584 = tpu.memref_squeeze %dma_wait3A_583 : memref<1x128x32xf32, #tpu.memory_space<vmem>> -> memref<128x32xf32, #tpu.memory_space<vmem>>
    %dma_wait3A_585 = arith.constant 0 : i32
    %dma_wait3A_586 = tpu.memref_slice %arg5[%dma_wait3A_579, %dma_wait3A_585] : memref<50x128xi32, #tpu.memory_space<vmem>> -> memref<1x128xi32, #tpu.memory_space<vmem>>
    %dma_wait3A_587 = tpu.memref_squeeze %dma_wait3A_586 : memref<1x128xi32, #tpu.memory_space<vmem>> -> memref<128xi32, #tpu.memory_space<vmem>>
    %dma_wait3A_588 = arith.constant 0 : i32
    %dma_wait3A_589 = arith.constant 0 : i32
    %dma_wait3A_590 = tpu.memref_slice %arg2[%dma_wait3A_588, %dma_wait3A_589] : memref<1000000x32xf32, #tpu.memory_space<hbm>> -> memref<1000000x32xf32, #tpu.memory_space<hbm>>
    tpu.wait_indirect_dma semaphore(%arg9 : memref<!tpu.dma_semaphore, #tpu.memory_space<semaphore_mem>>) src(%dma_wait3A_590 : memref<1000000x32xf32, #tpu.memory_space<hbm>>) dst(%dma_wait3A_584 : memref<128x32xf32, #tpu.memory_space<vmem>>)
    %dma_wait3A_591 = arith.constant 19 : i32
    %dma_wait3A_592 = arith.constant 4 : i32
    %dma_wait3A_593 = arith.constant 0 : i32
    %dma_wait3A_594 = arith.constant 0 : i32
    %dma_wait3A_595 = tpu.memref_slice %arg6[%dma_wait3A_592, %dma_wait3A_593, %dma_wait3A_594] : memref<5x128x32xf32, #tpu.memory_space<vmem>> -> memref<1x128x32xf32, #tpu.memory_space<vmem>>
    %dma_wait3A_596 = tpu.memref_squeeze %dma_wait3A_595 : memref<1x128x32xf32, #tpu.memory_space<vmem>> -> memref<128x32xf32, #tpu.memory_space<vmem>>
    %dma_wait3A_597 = arith.constant 0 : i32
    %dma_wait3A_598 = tpu.memref_slice %arg5[%dma_wait3A_591, %dma_wait3A_597] : memref<50x128xi32, #tpu.memory_space<vmem>> -> memref<1x128xi32, #tpu.memory_space<vmem>>
    %dma_wait3A_599 = tpu.memref_squeeze %dma_wait3A_598 : memref<1x128xi32, #tpu.memory_space<vmem>> -> memref<128xi32, #tpu.memory_space<vmem>>
    %dma_wait3A_600 = arith.constant 0 : i32
    %dma_wait3A_601 = arith.constant 0 : i32
    %dma_wait3A_602 = tpu.memref_slice %arg2[%dma_wait3A_600, %dma_wait3A_601] : memref<1000000x32xf32, #tpu.memory_space<hbm>> -> memref<1000000x32xf32, #tpu.memory_space<hbm>>
    tpu.wait_indirect_dma semaphore(%arg9 : memref<!tpu.dma_semaphore, #tpu.memory_space<semaphore_mem>>) src(%dma_wait3A_602 : memref<1000000x32xf32, #tpu.memory_space<hbm>>) dst(%dma_wait3A_596 : memref<128x32xf32, #tpu.memory_space<vmem>>)
    %mul3A_603 = arith.constant 10 : i32
    %mul3A_604 = arith.muli %add3A, %mul3A_603 : i32
    %add3A_605 = arith.constant 3 : i32
    %add3A_606 = arith.addi %mul3A_604, %add3A_605 : i32
    %dma_start3A_607 = arith.constant 0 : i32
    %dma_start3A_608 = arith.constant 0 : i32
    %dma_start3A_609 = arith.constant 0 : i32
    %dma_start3A_610 = tpu.memref_slice %arg4[%add3A_606, %dma_start3A_607, %dma_start3A_608, %dma_start3A_609] : memref<320x5x128x32xf32, #tpu.memory_space<hbm>> -> memref<1x5x128x32xf32, #tpu.memory_space<hbm>>
    %dma_start3A_611 = tpu.memref_squeeze %dma_start3A_610 : memref<1x5x128x32xf32, #tpu.memory_space<hbm>> -> memref<5x128x32xf32, #tpu.memory_space<hbm>>
    %dma_start3A_612 = arith.constant 0 : i32
    %dma_start3A_613 = arith.constant 0 : i32
    %dma_start3A_614 = arith.constant 0 : i32
    %dma_start3A_615 = tpu.memref_slice %arg4[%add3A_606, %dma_start3A_612, %dma_start3A_613, %dma_start3A_614] : memref<320x5x128x32xf32, #tpu.memory_space<hbm>> -> memref<1x5x128x32xf32, #tpu.memory_space<hbm>>
    %dma_start3A_616 = tpu.memref_squeeze %dma_start3A_615 : memref<1x5x128x32xf32, #tpu.memory_space<hbm>> -> memref<5x128x32xf32, #tpu.memory_space<hbm>>
    tpu.enqueue_dma source(%arg6 : memref<5x128x32xf32, #tpu.memory_space<vmem>>) target(%dma_start3A_616 : memref<5x128x32xf32, #tpu.memory_space<hbm>>) target_semaphore(%arg12 : memref<!tpu.dma_semaphore, #tpu.memory_space<semaphore_mem>>)
    %dma_wait3A_617 = arith.constant 0 : i32
    %dma_wait3A_618 = arith.constant 0 : i32
    %dma_wait3A_619 = arith.constant 0 : i32
    %dma_wait3A_620 = tpu.memref_slice %arg4[%add3A_462, %dma_wait3A_617, %dma_wait3A_618, %dma_wait3A_619] : memref<320x5x128x32xf32, #tpu.memory_space<hbm>> -> memref<1x5x128x32xf32, #tpu.memory_space<hbm>>
    %dma_wait3A_621 = tpu.memref_squeeze %dma_wait3A_620 : memref<1x5x128x32xf32, #tpu.memory_space<hbm>> -> memref<5x128x32xf32, #tpu.memory_space<hbm>>
    %dma_wait3A_622 = arith.constant 0 : i32
    %dma_wait3A_623 = arith.constant 0 : i32
    %dma_wait3A_624 = arith.constant 0 : i32
    %dma_wait3A_625 = tpu.memref_slice %arg4[%add3A_462, %dma_wait3A_622, %dma_wait3A_623, %dma_wait3A_624] : memref<320x5x128x32xf32, #tpu.memory_space<hbm>> -> memref<1x5x128x32xf32, #tpu.memory_space<hbm>>
    %dma_wait3A_626 = tpu.memref_squeeze %dma_wait3A_625 : memref<1x5x128x32xf32, #tpu.memory_space<hbm>> -> memref<5x128x32xf32, #tpu.memory_space<hbm>>
    tpu.wait_dma2 semaphore(%arg12 : memref<!tpu.dma_semaphore, #tpu.memory_space<semaphore_mem>>) src(%arg8 : memref<5x128x32xf32, #tpu.memory_space<vmem>>) dst(%dma_wait3A_626 : memref<5x128x32xf32, #tpu.memory_space<hbm>>)
    %dma_start3A_627 = arith.constant 25 : i32
    %dma_start3A_628 = arith.constant 0 : i32
    %dma_start3A_629 = arith.constant 0 : i32
    %dma_start3A_630 = arith.constant 0 : i32
    %dma_start3A_631 = tpu.memref_slice %arg8[%dma_start3A_628, %dma_start3A_629, %dma_start3A_630] : memref<5x128x32xf32, #tpu.memory_space<vmem>> -> memref<1x128x32xf32, #tpu.memory_space<vmem>>
    %dma_start3A_632 = tpu.memref_squeeze %dma_start3A_631 : memref<1x128x32xf32, #tpu.memory_space<vmem>> -> memref<128x32xf32, #tpu.memory_space<vmem>>
    %dma_start3A_633 = arith.constant 0 : i32
    %dma_start3A_634 = tpu.memref_slice %arg5[%dma_start3A_627, %dma_start3A_633] : memref<50x128xi32, #tpu.memory_space<vmem>> -> memref<1x128xi32, #tpu.memory_space<vmem>>
    %dma_start3A_635 = tpu.memref_squeeze %dma_start3A_634 : memref<1x128xi32, #tpu.memory_space<vmem>> -> memref<128xi32, #tpu.memory_space<vmem>>
    %dma_start3A_636 = arith.constant 0 : i32
    %dma_start3A_637 = arith.constant 0 : i32
    %dma_start3A_638 = tpu.memref_slice %arg2[%dma_start3A_636, %dma_start3A_637] : memref<1000000x32xf32, #tpu.memory_space<hbm>> -> memref<1000000x32xf32, #tpu.memory_space<hbm>>
    tpu.enqueue_indirect_dma source(%dma_start3A_638 : memref<1000000x32xf32, #tpu.memory_space<hbm>>) target(%dma_start3A_632 : memref<128x32xf32, #tpu.memory_space<vmem>>) offsets(%dma_start3A_635 : memref<128xi32, #tpu.memory_space<vmem>>) semaphore(%arg11 : memref<!tpu.dma_semaphore, #tpu.memory_space<semaphore_mem>>)
    %dma_start3A_639 = arith.constant 26 : i32
    %dma_start3A_640 = arith.constant 1 : i32
    %dma_start3A_641 = arith.constant 0 : i32
    %dma_start3A_642 = arith.constant 0 : i32
    %dma_start3A_643 = tpu.memref_slice %arg8[%dma_start3A_640, %dma_start3A_641, %dma_start3A_642] : memref<5x128x32xf32, #tpu.memory_space<vmem>> -> memref<1x128x32xf32, #tpu.memory_space<vmem>>
    %dma_start3A_644 = tpu.memref_squeeze %dma_start3A_643 : memref<1x128x32xf32, #tpu.memory_space<vmem>> -> memref<128x32xf32, #tpu.memory_space<vmem>>
    %dma_start3A_645 = arith.constant 0 : i32
    %dma_start3A_646 = tpu.memref_slice %arg5[%dma_start3A_639, %dma_start3A_645] : memref<50x128xi32, #tpu.memory_space<vmem>> -> memref<1x128xi32, #tpu.memory_space<vmem>>
    %dma_start3A_647 = tpu.memref_squeeze %dma_start3A_646 : memref<1x128xi32, #tpu.memory_space<vmem>> -> memref<128xi32, #tpu.memory_space<vmem>>
    %dma_start3A_648 = arith.constant 0 : i32
    %dma_start3A_649 = arith.constant 0 : i32
    %dma_start3A_650 = tpu.memref_slice %arg2[%dma_start3A_648, %dma_start3A_649] : memref<1000000x32xf32, #tpu.memory_space<hbm>> -> memref<1000000x32xf32, #tpu.memory_space<hbm>>
    tpu.enqueue_indirect_dma source(%dma_start3A_650 : memref<1000000x32xf32, #tpu.memory_space<hbm>>) target(%dma_start3A_644 : memref<128x32xf32, #tpu.memory_space<vmem>>) offsets(%dma_start3A_647 : memref<128xi32, #tpu.memory_space<vmem>>) semaphore(%arg11 : memref<!tpu.dma_semaphore, #tpu.memory_space<semaphore_mem>>)
    %dma_start3A_651 = arith.constant 27 : i32
    %dma_start3A_652 = arith.constant 2 : i32
    %dma_start3A_653 = arith.constant 0 : i32
    %dma_start3A_654 = arith.constant 0 : i32
    %dma_start3A_655 = tpu.memref_slice %arg8[%dma_start3A_652, %dma_start3A_653, %dma_start3A_654] : memref<5x128x32xf32, #tpu.memory_space<vmem>> -> memref<1x128x32xf32, #tpu.memory_space<vmem>>
    %dma_start3A_656 = tpu.memref_squeeze %dma_start3A_655 : memref<1x128x32xf32, #tpu.memory_space<vmem>> -> memref<128x32xf32, #tpu.memory_space<vmem>>
    %dma_start3A_657 = arith.constant 0 : i32
    %dma_start3A_658 = tpu.memref_slice %arg5[%dma_start3A_651, %dma_start3A_657] : memref<50x128xi32, #tpu.memory_space<vmem>> -> memref<1x128xi32, #tpu.memory_space<vmem>>
    %dma_start3A_659 = tpu.memref_squeeze %dma_start3A_658 : memref<1x128xi32, #tpu.memory_space<vmem>> -> memref<128xi32, #tpu.memory_space<vmem>>
    %dma_start3A_660 = arith.constant 0 : i32
    %dma_start3A_661 = arith.constant 0 : i32
    %dma_start3A_662 = tpu.memref_slice %arg2[%dma_start3A_660, %dma_start3A_661] : memref<1000000x32xf32, #tpu.memory_space<hbm>> -> memref<1000000x32xf32, #tpu.memory_space<hbm>>
    tpu.enqueue_indirect_dma source(%dma_start3A_662 : memref<1000000x32xf32, #tpu.memory_space<hbm>>) target(%dma_start3A_656 : memref<128x32xf32, #tpu.memory_space<vmem>>) offsets(%dma_start3A_659 : memref<128xi32, #tpu.memory_space<vmem>>) semaphore(%arg11 : memref<!tpu.dma_semaphore, #tpu.memory_space<semaphore_mem>>)
    %dma_start3A_663 = arith.constant 28 : i32
    %dma_start3A_664 = arith.constant 3 : i32
    %dma_start3A_665 = arith.constant 0 : i32
    %dma_start3A_666 = arith.constant 0 : i32
    %dma_start3A_667 = tpu.memref_slice %arg8[%dma_start3A_664, %dma_start3A_665, %dma_start3A_666] : memref<5x128x32xf32, #tpu.memory_space<vmem>> -> memref<1x128x32xf32, #tpu.memory_space<vmem>>
    %dma_start3A_668 = tpu.memref_squeeze %dma_start3A_667 : memref<1x128x32xf32, #tpu.memory_space<vmem>> -> memref<128x32xf32, #tpu.memory_space<vmem>>
    %dma_start3A_669 = arith.constant 0 : i32
    %dma_start3A_670 = tpu.memref_slice %arg5[%dma_start3A_663, %dma_start3A_669] : memref<50x128xi32, #tpu.memory_space<vmem>> -> memref<1x128xi32, #tpu.memory_space<vmem>>
    %dma_start3A_671 = tpu.memref_squeeze %dma_start3A_670 : memref<1x128xi32, #tpu.memory_space<vmem>> -> memref<128xi32, #tpu.memory_space<vmem>>
    %dma_start3A_672 = arith.constant 0 : i32
    %dma_start3A_673 = arith.constant 0 : i32
    %dma_start3A_674 = tpu.memref_slice %arg2[%dma_start3A_672, %dma_start3A_673] : memref<1000000x32xf32, #tpu.memory_space<hbm>> -> memref<1000000x32xf32, #tpu.memory_space<hbm>>
    tpu.enqueue_indirect_dma source(%dma_start3A_674 : memref<1000000x32xf32, #tpu.memory_space<hbm>>) target(%dma_start3A_668 : memref<128x32xf32, #tpu.memory_space<vmem>>) offsets(%dma_start3A_671 : memref<128xi32, #tpu.memory_space<vmem>>) semaphore(%arg11 : memref<!tpu.dma_semaphore, #tpu.memory_space<semaphore_mem>>)
    %dma_start3A_675 = arith.constant 29 : i32
    %dma_start3A_676 = arith.constant 4 : i32
    %dma_start3A_677 = arith.constant 0 : i32
    %dma_start3A_678 = arith.constant 0 : i32
    %dma_start3A_679 = tpu.memref_slice %arg8[%dma_start3A_676, %dma_start3A_677, %dma_start3A_678] : memref<5x128x32xf32, #tpu.memory_space<vmem>> -> memref<1x128x32xf32, #tpu.memory_space<vmem>>
    %dma_start3A_680 = tpu.memref_squeeze %dma_start3A_679 : memref<1x128x32xf32, #tpu.memory_space<vmem>> -> memref<128x32xf32, #tpu.memory_space<vmem>>
    %dma_start3A_681 = arith.constant 0 : i32
    %dma_start3A_682 = tpu.memref_slice %arg5[%dma_start3A_675, %dma_start3A_681] : memref<50x128xi32, #tpu.memory_space<vmem>> -> memref<1x128xi32, #tpu.memory_space<vmem>>
    %dma_start3A_683 = tpu.memref_squeeze %dma_start3A_682 : memref<1x128xi32, #tpu.memory_space<vmem>> -> memref<128xi32, #tpu.memory_space<vmem>>
    %dma_start3A_684 = arith.constant 0 : i32
    %dma_start3A_685 = arith.constant 0 : i32
    %dma_start3A_686 = tpu.memref_slice %arg2[%dma_start3A_684, %dma_start3A_685] : memref<1000000x32xf32, #tpu.memory_space<hbm>> -> memref<1000000x32xf32, #tpu.memory_space<hbm>>
    tpu.enqueue_indirect_dma source(%dma_start3A_686 : memref<1000000x32xf32, #tpu.memory_space<hbm>>) target(%dma_start3A_680 : memref<128x32xf32, #tpu.memory_space<vmem>>) offsets(%dma_start3A_683 : memref<128xi32, #tpu.memory_space<vmem>>) semaphore(%arg11 : memref<!tpu.dma_semaphore, #tpu.memory_space<semaphore_mem>>)
    %dma_wait3A_687 = arith.constant 20 : i32
    %dma_wait3A_688 = arith.constant 0 : i32
    %dma_wait3A_689 = arith.constant 0 : i32
    %dma_wait3A_690 = arith.constant 0 : i32
    %dma_wait3A_691 = tpu.memref_slice %arg7[%dma_wait3A_688, %dma_wait3A_689, %dma_wait3A_690] : memref<5x128x32xf32, #tpu.memory_space<vmem>> -> memref<1x128x32xf32, #tpu.memory_space<vmem>>
    %dma_wait3A_692 = tpu.memref_squeeze %dma_wait3A_691 : memref<1x128x32xf32, #tpu.memory_space<vmem>> -> memref<128x32xf32, #tpu.memory_space<vmem>>
    %dma_wait3A_693 = arith.constant 0 : i32
    %dma_wait3A_694 = tpu.memref_slice %arg5[%dma_wait3A_687, %dma_wait3A_693] : memref<50x128xi32, #tpu.memory_space<vmem>> -> memref<1x128xi32, #tpu.memory_space<vmem>>
    %dma_wait3A_695 = tpu.memref_squeeze %dma_wait3A_694 : memref<1x128xi32, #tpu.memory_space<vmem>> -> memref<128xi32, #tpu.memory_space<vmem>>
    %dma_wait3A_696 = arith.constant 0 : i32
    %dma_wait3A_697 = arith.constant 0 : i32
    %dma_wait3A_698 = tpu.memref_slice %arg2[%dma_wait3A_696, %dma_wait3A_697] : memref<1000000x32xf32, #tpu.memory_space<hbm>> -> memref<1000000x32xf32, #tpu.memory_space<hbm>>
    tpu.wait_indirect_dma semaphore(%arg10 : memref<!tpu.dma_semaphore, #tpu.memory_space<semaphore_mem>>) src(%dma_wait3A_698 : memref<1000000x32xf32, #tpu.memory_space<hbm>>) dst(%dma_wait3A_692 : memref<128x32xf32, #tpu.memory_space<vmem>>)
    %dma_wait3A_699 = arith.constant 21 : i32
    %dma_wait3A_700 = arith.constant 1 : i32
    %dma_wait3A_701 = arith.constant 0 : i32
    %dma_wait3A_702 = arith.constant 0 : i32
    %dma_wait3A_703 = tpu.memref_slice %arg7[%dma_wait3A_700, %dma_wait3A_701, %dma_wait3A_702] : memref<5x128x32xf32, #tpu.memory_space<vmem>> -> memref<1x128x32xf32, #tpu.memory_space<vmem>>
    %dma_wait3A_704 = tpu.memref_squeeze %dma_wait3A_703 : memref<1x128x32xf32, #tpu.memory_space<vmem>> -> memref<128x32xf32, #tpu.memory_space<vmem>>
    %dma_wait3A_705 = arith.constant 0 : i32
    %dma_wait3A_706 = tpu.memref_slice %arg5[%dma_wait3A_699, %dma_wait3A_705] : memref<50x128xi32, #tpu.memory_space<vmem>> -> memref<1x128xi32, #tpu.memory_space<vmem>>
    %dma_wait3A_707 = tpu.memref_squeeze %dma_wait3A_706 : memref<1x128xi32, #tpu.memory_space<vmem>> -> memref<128xi32, #tpu.memory_space<vmem>>
    %dma_wait3A_708 = arith.constant 0 : i32
    %dma_wait3A_709 = arith.constant 0 : i32
    %dma_wait3A_710 = tpu.memref_slice %arg2[%dma_wait3A_708, %dma_wait3A_709] : memref<1000000x32xf32, #tpu.memory_space<hbm>> -> memref<1000000x32xf32, #tpu.memory_space<hbm>>
    tpu.wait_indirect_dma semaphore(%arg10 : memref<!tpu.dma_semaphore, #tpu.memory_space<semaphore_mem>>) src(%dma_wait3A_710 : memref<1000000x32xf32, #tpu.memory_space<hbm>>) dst(%dma_wait3A_704 : memref<128x32xf32, #tpu.memory_space<vmem>>)
    %dma_wait3A_711 = arith.constant 22 : i32
    %dma_wait3A_712 = arith.constant 2 : i32
    %dma_wait3A_713 = arith.constant 0 : i32
    %dma_wait3A_714 = arith.constant 0 : i32
    %dma_wait3A_715 = tpu.memref_slice %arg7[%dma_wait3A_712, %dma_wait3A_713, %dma_wait3A_714] : memref<5x128x32xf32, #tpu.memory_space<vmem>> -> memref<1x128x32xf32, #tpu.memory_space<vmem>>
    %dma_wait3A_716 = tpu.memref_squeeze %dma_wait3A_715 : memref<1x128x32xf32, #tpu.memory_space<vmem>> -> memref<128x32xf32, #tpu.memory_space<vmem>>
    %dma_wait3A_717 = arith.constant 0 : i32
    %dma_wait3A_718 = tpu.memref_slice %arg5[%dma_wait3A_711, %dma_wait3A_717] : memref<50x128xi32, #tpu.memory_space<vmem>> -> memref<1x128xi32, #tpu.memory_space<vmem>>
    %dma_wait3A_719 = tpu.memref_squeeze %dma_wait3A_718 : memref<1x128xi32, #tpu.memory_space<vmem>> -> memref<128xi32, #tpu.memory_space<vmem>>
    %dma_wait3A_720 = arith.constant 0 : i32
    %dma_wait3A_721 = arith.constant 0 : i32
    %dma_wait3A_722 = tpu.memref_slice %arg2[%dma_wait3A_720, %dma_wait3A_721] : memref<1000000x32xf32, #tpu.memory_space<hbm>> -> memref<1000000x32xf32, #tpu.memory_space<hbm>>
    tpu.wait_indirect_dma semaphore(%arg10 : memref<!tpu.dma_semaphore, #tpu.memory_space<semaphore_mem>>) src(%dma_wait3A_722 : memref<1000000x32xf32, #tpu.memory_space<hbm>>) dst(%dma_wait3A_716 : memref<128x32xf32, #tpu.memory_space<vmem>>)
    %dma_wait3A_723 = arith.constant 23 : i32
    %dma_wait3A_724 = arith.constant 3 : i32
    %dma_wait3A_725 = arith.constant 0 : i32
    %dma_wait3A_726 = arith.constant 0 : i32
    %dma_wait3A_727 = tpu.memref_slice %arg7[%dma_wait3A_724, %dma_wait3A_725, %dma_wait3A_726] : memref<5x128x32xf32, #tpu.memory_space<vmem>> -> memref<1x128x32xf32, #tpu.memory_space<vmem>>
    %dma_wait3A_728 = tpu.memref_squeeze %dma_wait3A_727 : memref<1x128x32xf32, #tpu.memory_space<vmem>> -> memref<128x32xf32, #tpu.memory_space<vmem>>
    %dma_wait3A_729 = arith.constant 0 : i32
    %dma_wait3A_730 = tpu.memref_slice %arg5[%dma_wait3A_723, %dma_wait3A_729] : memref<50x128xi32, #tpu.memory_space<vmem>> -> memref<1x128xi32, #tpu.memory_space<vmem>>
    %dma_wait3A_731 = tpu.memref_squeeze %dma_wait3A_730 : memref<1x128xi32, #tpu.memory_space<vmem>> -> memref<128xi32, #tpu.memory_space<vmem>>
    %dma_wait3A_732 = arith.constant 0 : i32
    %dma_wait3A_733 = arith.constant 0 : i32
    %dma_wait3A_734 = tpu.memref_slice %arg2[%dma_wait3A_732, %dma_wait3A_733] : memref<1000000x32xf32, #tpu.memory_space<hbm>> -> memref<1000000x32xf32, #tpu.memory_space<hbm>>
    tpu.wait_indirect_dma semaphore(%arg10 : memref<!tpu.dma_semaphore, #tpu.memory_space<semaphore_mem>>) src(%dma_wait3A_734 : memref<1000000x32xf32, #tpu.memory_space<hbm>>) dst(%dma_wait3A_728 : memref<128x32xf32, #tpu.memory_space<vmem>>)
    %dma_wait3A_735 = arith.constant 24 : i32
    %dma_wait3A_736 = arith.constant 4 : i32
    %dma_wait3A_737 = arith.constant 0 : i32
    %dma_wait3A_738 = arith.constant 0 : i32
    %dma_wait3A_739 = tpu.memref_slice %arg7[%dma_wait3A_736, %dma_wait3A_737, %dma_wait3A_738] : memref<5x128x32xf32, #tpu.memory_space<vmem>> -> memref<1x128x32xf32, #tpu.memory_space<vmem>>
    %dma_wait3A_740 = tpu.memref_squeeze %dma_wait3A_739 : memref<1x128x32xf32, #tpu.memory_space<vmem>> -> memref<128x32xf32, #tpu.memory_space<vmem>>
    %dma_wait3A_741 = arith.constant 0 : i32
    %dma_wait3A_742 = tpu.memref_slice %arg5[%dma_wait3A_735, %dma_wait3A_741] : memref<50x128xi32, #tpu.memory_space<vmem>> -> memref<1x128xi32, #tpu.memory_space<vmem>>
    %dma_wait3A_743 = tpu.memref_squeeze %dma_wait3A_742 : memref<1x128xi32, #tpu.memory_space<vmem>> -> memref<128xi32, #tpu.memory_space<vmem>>
    %dma_wait3A_744 = arith.constant 0 : i32
    %dma_wait3A_745 = arith.constant 0 : i32
    %dma_wait3A_746 = tpu.memref_slice %arg2[%dma_wait3A_744, %dma_wait3A_745] : memref<1000000x32xf32, #tpu.memory_space<hbm>> -> memref<1000000x32xf32, #tpu.memory_space<hbm>>
    tpu.wait_indirect_dma semaphore(%arg10 : memref<!tpu.dma_semaphore, #tpu.memory_space<semaphore_mem>>) src(%dma_wait3A_746 : memref<1000000x32xf32, #tpu.memory_space<hbm>>) dst(%dma_wait3A_740 : memref<128x32xf32, #tpu.memory_space<vmem>>)
    %mul3A_747 = arith.constant 10 : i32
    %mul3A_748 = arith.muli %add3A, %mul3A_747 : i32
    %add3A_749 = arith.constant 4 : i32
    %add3A_750 = arith.addi %mul3A_748, %add3A_749 : i32
    %dma_start3A_751 = arith.constant 0 : i32
    %dma_start3A_752 = arith.constant 0 : i32
    %dma_start3A_753 = arith.constant 0 : i32
    %dma_start3A_754 = tpu.memref_slice %arg4[%add3A_750, %dma_start3A_751, %dma_start3A_752, %dma_start3A_753] : memref<320x5x128x32xf32, #tpu.memory_space<hbm>> -> memref<1x5x128x32xf32, #tpu.memory_space<hbm>>
    %dma_start3A_755 = tpu.memref_squeeze %dma_start3A_754 : memref<1x5x128x32xf32, #tpu.memory_space<hbm>> -> memref<5x128x32xf32, #tpu.memory_space<hbm>>
    %dma_start3A_756 = arith.constant 0 : i32
    %dma_start3A_757 = arith.constant 0 : i32
    %dma_start3A_758 = arith.constant 0 : i32
    %dma_start3A_759 = tpu.memref_slice %arg4[%add3A_750, %dma_start3A_756, %dma_start3A_757, %dma_start3A_758] : memref<320x5x128x32xf32, #tpu.memory_space<hbm>> -> memref<1x5x128x32xf32, #tpu.memory_space<hbm>>
    %dma_start3A_760 = tpu.memref_squeeze %dma_start3A_759 : memref<1x5x128x32xf32, #tpu.memory_space<hbm>> -> memref<5x128x32xf32, #tpu.memory_space<hbm>>
    tpu.enqueue_dma source(%arg7 : memref<5x128x32xf32, #tpu.memory_space<vmem>>) target(%dma_start3A_760 : memref<5x128x32xf32, #tpu.memory_space<hbm>>) target_semaphore(%arg12 : memref<!tpu.dma_semaphore, #tpu.memory_space<semaphore_mem>>)
    %dma_wait3A_761 = arith.constant 0 : i32
    %dma_wait3A_762 = arith.constant 0 : i32
    %dma_wait3A_763 = arith.constant 0 : i32
    %dma_wait3A_764 = tpu.memref_slice %arg4[%add3A_606, %dma_wait3A_761, %dma_wait3A_762, %dma_wait3A_763] : memref<320x5x128x32xf32, #tpu.memory_space<hbm>> -> memref<1x5x128x32xf32, #tpu.memory_space<hbm>>
    %dma_wait3A_765 = tpu.memref_squeeze %dma_wait3A_764 : memref<1x5x128x32xf32, #tpu.memory_space<hbm>> -> memref<5x128x32xf32, #tpu.memory_space<hbm>>
    %dma_wait3A_766 = arith.constant 0 : i32
    %dma_wait3A_767 = arith.constant 0 : i32
    %dma_wait3A_768 = arith.constant 0 : i32
    %dma_wait3A_769 = tpu.memref_slice %arg4[%add3A_606, %dma_wait3A_766, %dma_wait3A_767, %dma_wait3A_768] : memref<320x5x128x32xf32, #tpu.memory_space<hbm>> -> memref<1x5x128x32xf32, #tpu.memory_space<hbm>>
    %dma_wait3A_770 = tpu.memref_squeeze %dma_wait3A_769 : memref<1x5x128x32xf32, #tpu.memory_space<hbm>> -> memref<5x128x32xf32, #tpu.memory_space<hbm>>
    tpu.wait_dma2 semaphore(%arg12 : memref<!tpu.dma_semaphore, #tpu.memory_space<semaphore_mem>>) src(%arg6 : memref<5x128x32xf32, #tpu.memory_space<vmem>>) dst(%dma_wait3A_770 : memref<5x128x32xf32, #tpu.memory_space<hbm>>)
    %dma_start3A_771 = arith.constant 30 : i32
    %dma_start3A_772 = arith.constant 0 : i32
    %dma_start3A_773 = arith.constant 0 : i32
    %dma_start3A_774 = arith.constant 0 : i32
    %dma_start3A_775 = tpu.memref_slice %arg6[%dma_start3A_772, %dma_start3A_773, %dma_start3A_774] : memref<5x128x32xf32, #tpu.memory_space<vmem>> -> memref<1x128x32xf32, #tpu.memory_space<vmem>>
    %dma_start3A_776 = tpu.memref_squeeze %dma_start3A_775 : memref<1x128x32xf32, #tpu.memory_space<vmem>> -> memref<128x32xf32, #tpu.memory_space<vmem>>
    %dma_start3A_777 = arith.constant 0 : i32
    %dma_start3A_778 = tpu.memref_slice %arg5[%dma_start3A_771, %dma_start3A_777] : memref<50x128xi32, #tpu.memory_space<vmem>> -> memref<1x128xi32, #tpu.memory_space<vmem>>
    %dma_start3A_779 = tpu.memref_squeeze %dma_start3A_778 : memref<1x128xi32, #tpu.memory_space<vmem>> -> memref<128xi32, #tpu.memory_space<vmem>>
    %dma_start3A_780 = arith.constant 0 : i32
    %dma_start3A_781 = arith.constant 0 : i32
    %dma_start3A_782 = tpu.memref_slice %arg2[%dma_start3A_780, %dma_start3A_781] : memref<1000000x32xf32, #tpu.memory_space<hbm>> -> memref<1000000x32xf32, #tpu.memory_space<hbm>>
    tpu.enqueue_indirect_dma source(%dma_start3A_782 : memref<1000000x32xf32, #tpu.memory_space<hbm>>) target(%dma_start3A_776 : memref<128x32xf32, #tpu.memory_space<vmem>>) offsets(%dma_start3A_779 : memref<128xi32, #tpu.memory_space<vmem>>) semaphore(%arg9 : memref<!tpu.dma_semaphore, #tpu.memory_space<semaphore_mem>>)
    %dma_start3A_783 = arith.constant 31 : i32
    %dma_start3A_784 = arith.constant 1 : i32
    %dma_start3A_785 = arith.constant 0 : i32
    %dma_start3A_786 = arith.constant 0 : i32
    %dma_start3A_787 = tpu.memref_slice %arg6[%dma_start3A_784, %dma_start3A_785, %dma_start3A_786] : memref<5x128x32xf32, #tpu.memory_space<vmem>> -> memref<1x128x32xf32, #tpu.memory_space<vmem>>
    %dma_start3A_788 = tpu.memref_squeeze %dma_start3A_787 : memref<1x128x32xf32, #tpu.memory_space<vmem>> -> memref<128x32xf32, #tpu.memory_space<vmem>>
    %dma_start3A_789 = arith.constant 0 : i32
    %dma_start3A_790 = tpu.memref_slice %arg5[%dma_start3A_783, %dma_start3A_789] : memref<50x128xi32, #tpu.memory_space<vmem>> -> memref<1x128xi32, #tpu.memory_space<vmem>>
    %dma_start3A_791 = tpu.memref_squeeze %dma_start3A_790 : memref<1x128xi32, #tpu.memory_space<vmem>> -> memref<128xi32, #tpu.memory_space<vmem>>
    %dma_start3A_792 = arith.constant 0 : i32
    %dma_start3A_793 = arith.constant 0 : i32
    %dma_start3A_794 = tpu.memref_slice %arg2[%dma_start3A_792, %dma_start3A_793] : memref<1000000x32xf32, #tpu.memory_space<hbm>> -> memref<1000000x32xf32, #tpu.memory_space<hbm>>
    tpu.enqueue_indirect_dma source(%dma_start3A_794 : memref<1000000x32xf32, #tpu.memory_space<hbm>>) target(%dma_start3A_788 : memref<128x32xf32, #tpu.memory_space<vmem>>) offsets(%dma_start3A_791 : memref<128xi32, #tpu.memory_space<vmem>>) semaphore(%arg9 : memref<!tpu.dma_semaphore, #tpu.memory_space<semaphore_mem>>)
    %dma_start3A_795 = arith.constant 32 : i32
    %dma_start3A_796 = arith.constant 2 : i32
    %dma_start3A_797 = arith.constant 0 : i32
    %dma_start3A_798 = arith.constant 0 : i32
    %dma_start3A_799 = tpu.memref_slice %arg6[%dma_start3A_796, %dma_start3A_797, %dma_start3A_798] : memref<5x128x32xf32, #tpu.memory_space<vmem>> -> memref<1x128x32xf32, #tpu.memory_space<vmem>>
    %dma_start3A_800 = tpu.memref_squeeze %dma_start3A_799 : memref<1x128x32xf32, #tpu.memory_space<vmem>> -> memref<128x32xf32, #tpu.memory_space<vmem>>
    %dma_start3A_801 = arith.constant 0 : i32
    %dma_start3A_802 = tpu.memref_slice %arg5[%dma_start3A_795, %dma_start3A_801] : memref<50x128xi32, #tpu.memory_space<vmem>> -> memref<1x128xi32, #tpu.memory_space<vmem>>
    %dma_start3A_803 = tpu.memref_squeeze %dma_start3A_802 : memref<1x128xi32, #tpu.memory_space<vmem>> -> memref<128xi32, #tpu.memory_space<vmem>>
    %dma_start3A_804 = arith.constant 0 : i32
    %dma_start3A_805 = arith.constant 0 : i32
    %dma_start3A_806 = tpu.memref_slice %arg2[%dma_start3A_804, %dma_start3A_805] : memref<1000000x32xf32, #tpu.memory_space<hbm>> -> memref<1000000x32xf32, #tpu.memory_space<hbm>>
    tpu.enqueue_indirect_dma source(%dma_start3A_806 : memref<1000000x32xf32, #tpu.memory_space<hbm>>) target(%dma_start3A_800 : memref<128x32xf32, #tpu.memory_space<vmem>>) offsets(%dma_start3A_803 : memref<128xi32, #tpu.memory_space<vmem>>) semaphore(%arg9 : memref<!tpu.dma_semaphore, #tpu.memory_space<semaphore_mem>>)
    %dma_start3A_807 = arith.constant 33 : i32
    %dma_start3A_808 = arith.constant 3 : i32
    %dma_start3A_809 = arith.constant 0 : i32
    %dma_start3A_810 = arith.constant 0 : i32
    %dma_start3A_811 = tpu.memref_slice %arg6[%dma_start3A_808, %dma_start3A_809, %dma_start3A_810] : memref<5x128x32xf32, #tpu.memory_space<vmem>> -> memref<1x128x32xf32, #tpu.memory_space<vmem>>
    %dma_start3A_812 = tpu.memref_squeeze %dma_start3A_811 : memref<1x128x32xf32, #tpu.memory_space<vmem>> -> memref<128x32xf32, #tpu.memory_space<vmem>>
    %dma_start3A_813 = arith.constant 0 : i32
    %dma_start3A_814 = tpu.memref_slice %arg5[%dma_start3A_807, %dma_start3A_813] : memref<50x128xi32, #tpu.memory_space<vmem>> -> memref<1x128xi32, #tpu.memory_space<vmem>>
    %dma_start3A_815 = tpu.memref_squeeze %dma_start3A_814 : memref<1x128xi32, #tpu.memory_space<vmem>> -> memref<128xi32, #tpu.memory_space<vmem>>
    %dma_start3A_816 = arith.constant 0 : i32
    %dma_start3A_817 = arith.constant 0 : i32
    %dma_start3A_818 = tpu.memref_slice %arg2[%dma_start3A_816, %dma_start3A_817] : memref<1000000x32xf32, #tpu.memory_space<hbm>> -> memref<1000000x32xf32, #tpu.memory_space<hbm>>
    tpu.enqueue_indirect_dma source(%dma_start3A_818 : memref<1000000x32xf32, #tpu.memory_space<hbm>>) target(%dma_start3A_812 : memref<128x32xf32, #tpu.memory_space<vmem>>) offsets(%dma_start3A_815 : memref<128xi32, #tpu.memory_space<vmem>>) semaphore(%arg9 : memref<!tpu.dma_semaphore, #tpu.memory_space<semaphore_mem>>)
    %dma_start3A_819 = arith.constant 34 : i32
    %dma_start3A_820 = arith.constant 4 : i32
    %dma_start3A_821 = arith.constant 0 : i32
    %dma_start3A_822 = arith.constant 0 : i32
    %dma_start3A_823 = tpu.memref_slice %arg6[%dma_start3A_820, %dma_start3A_821, %dma_start3A_822] : memref<5x128x32xf32, #tpu.memory_space<vmem>> -> memref<1x128x32xf32, #tpu.memory_space<vmem>>
    %dma_start3A_824 = tpu.memref_squeeze %dma_start3A_823 : memref<1x128x32xf32, #tpu.memory_space<vmem>> -> memref<128x32xf32, #tpu.memory_space<vmem>>
    %dma_start3A_825 = arith.constant 0 : i32
    %dma_start3A_826 = tpu.memref_slice %arg5[%dma_start3A_819, %dma_start3A_825] : memref<50x128xi32, #tpu.memory_space<vmem>> -> memref<1x128xi32, #tpu.memory_space<vmem>>
    %dma_start3A_827 = tpu.memref_squeeze %dma_start3A_826 : memref<1x128xi32, #tpu.memory_space<vmem>> -> memref<128xi32, #tpu.memory_space<vmem>>
    %dma_start3A_828 = arith.constant 0 : i32
    %dma_start3A_829 = arith.constant 0 : i32
    %dma_start3A_830 = tpu.memref_slice %arg2[%dma_start3A_828, %dma_start3A_829] : memref<1000000x32xf32, #tpu.memory_space<hbm>> -> memref<1000000x32xf32, #tpu.memory_space<hbm>>
    tpu.enqueue_indirect_dma source(%dma_start3A_830 : memref<1000000x32xf32, #tpu.memory_space<hbm>>) target(%dma_start3A_824 : memref<128x32xf32, #tpu.memory_space<vmem>>) offsets(%dma_start3A_827 : memref<128xi32, #tpu.memory_space<vmem>>) semaphore(%arg9 : memref<!tpu.dma_semaphore, #tpu.memory_space<semaphore_mem>>)
    %dma_wait3A_831 = arith.constant 25 : i32
    %dma_wait3A_832 = arith.constant 0 : i32
    %dma_wait3A_833 = arith.constant 0 : i32
    %dma_wait3A_834 = arith.constant 0 : i32
    %dma_wait3A_835 = tpu.memref_slice %arg8[%dma_wait3A_832, %dma_wait3A_833, %dma_wait3A_834] : memref<5x128x32xf32, #tpu.memory_space<vmem>> -> memref<1x128x32xf32, #tpu.memory_space<vmem>>
    %dma_wait3A_836 = tpu.memref_squeeze %dma_wait3A_835 : memref<1x128x32xf32, #tpu.memory_space<vmem>> -> memref<128x32xf32, #tpu.memory_space<vmem>>
    %dma_wait3A_837 = arith.constant 0 : i32
    %dma_wait3A_838 = tpu.memref_slice %arg5[%dma_wait3A_831, %dma_wait3A_837] : memref<50x128xi32, #tpu.memory_space<vmem>> -> memref<1x128xi32, #tpu.memory_space<vmem>>
    %dma_wait3A_839 = tpu.memref_squeeze %dma_wait3A_838 : memref<1x128xi32, #tpu.memory_space<vmem>> -> memref<128xi32, #tpu.memory_space<vmem>>
    %dma_wait3A_840 = arith.constant 0 : i32
    %dma_wait3A_841 = arith.constant 0 : i32
    %dma_wait3A_842 = tpu.memref_slice %arg2[%dma_wait3A_840, %dma_wait3A_841] : memref<1000000x32xf32, #tpu.memory_space<hbm>> -> memref<1000000x32xf32, #tpu.memory_space<hbm>>
    tpu.wait_indirect_dma semaphore(%arg11 : memref<!tpu.dma_semaphore, #tpu.memory_space<semaphore_mem>>) src(%dma_wait3A_842 : memref<1000000x32xf32, #tpu.memory_space<hbm>>) dst(%dma_wait3A_836 : memref<128x32xf32, #tpu.memory_space<vmem>>)
    %dma_wait3A_843 = arith.constant 26 : i32
    %dma_wait3A_844 = arith.constant 1 : i32
    %dma_wait3A_845 = arith.constant 0 : i32
    %dma_wait3A_846 = arith.constant 0 : i32
    %dma_wait3A_847 = tpu.memref_slice %arg8[%dma_wait3A_844, %dma_wait3A_845, %dma_wait3A_846] : memref<5x128x32xf32, #tpu.memory_space<vmem>> -> memref<1x128x32xf32, #tpu.memory_space<vmem>>
    %dma_wait3A_848 = tpu.memref_squeeze %dma_wait3A_847 : memref<1x128x32xf32, #tpu.memory_space<vmem>> -> memref<128x32xf32, #tpu.memory_space<vmem>>
    %dma_wait3A_849 = arith.constant 0 : i32
    %dma_wait3A_850 = tpu.memref_slice %arg5[%dma_wait3A_843, %dma_wait3A_849] : memref<50x128xi32, #tpu.memory_space<vmem>> -> memref<1x128xi32, #tpu.memory_space<vmem>>
    %dma_wait3A_851 = tpu.memref_squeeze %dma_wait3A_850 : memref<1x128xi32, #tpu.memory_space<vmem>> -> memref<128xi32, #tpu.memory_space<vmem>>
    %dma_wait3A_852 = arith.constant 0 : i32
    %dma_wait3A_853 = arith.constant 0 : i32
    %dma_wait3A_854 = tpu.memref_slice %arg2[%dma_wait3A_852, %dma_wait3A_853] : memref<1000000x32xf32, #tpu.memory_space<hbm>> -> memref<1000000x32xf32, #tpu.memory_space<hbm>>
    tpu.wait_indirect_dma semaphore(%arg11 : memref<!tpu.dma_semaphore, #tpu.memory_space<semaphore_mem>>) src(%dma_wait3A_854 : memref<1000000x32xf32, #tpu.memory_space<hbm>>) dst(%dma_wait3A_848 : memref<128x32xf32, #tpu.memory_space<vmem>>)
    %dma_wait3A_855 = arith.constant 27 : i32
    %dma_wait3A_856 = arith.constant 2 : i32
    %dma_wait3A_857 = arith.constant 0 : i32
    %dma_wait3A_858 = arith.constant 0 : i32
    %dma_wait3A_859 = tpu.memref_slice %arg8[%dma_wait3A_856, %dma_wait3A_857, %dma_wait3A_858] : memref<5x128x32xf32, #tpu.memory_space<vmem>> -> memref<1x128x32xf32, #tpu.memory_space<vmem>>
    %dma_wait3A_860 = tpu.memref_squeeze %dma_wait3A_859 : memref<1x128x32xf32, #tpu.memory_space<vmem>> -> memref<128x32xf32, #tpu.memory_space<vmem>>
    %dma_wait3A_861 = arith.constant 0 : i32
    %dma_wait3A_862 = tpu.memref_slice %arg5[%dma_wait3A_855, %dma_wait3A_861] : memref<50x128xi32, #tpu.memory_space<vmem>> -> memref<1x128xi32, #tpu.memory_space<vmem>>
    %dma_wait3A_863 = tpu.memref_squeeze %dma_wait3A_862 : memref<1x128xi32, #tpu.memory_space<vmem>> -> memref<128xi32, #tpu.memory_space<vmem>>
    %dma_wait3A_864 = arith.constant 0 : i32
    %dma_wait3A_865 = arith.constant 0 : i32
    %dma_wait3A_866 = tpu.memref_slice %arg2[%dma_wait3A_864, %dma_wait3A_865] : memref<1000000x32xf32, #tpu.memory_space<hbm>> -> memref<1000000x32xf32, #tpu.memory_space<hbm>>
    tpu.wait_indirect_dma semaphore(%arg11 : memref<!tpu.dma_semaphore, #tpu.memory_space<semaphore_mem>>) src(%dma_wait3A_866 : memref<1000000x32xf32, #tpu.memory_space<hbm>>) dst(%dma_wait3A_860 : memref<128x32xf32, #tpu.memory_space<vmem>>)
    %dma_wait3A_867 = arith.constant 28 : i32
    %dma_wait3A_868 = arith.constant 3 : i32
    %dma_wait3A_869 = arith.constant 0 : i32
    %dma_wait3A_870 = arith.constant 0 : i32
    %dma_wait3A_871 = tpu.memref_slice %arg8[%dma_wait3A_868, %dma_wait3A_869, %dma_wait3A_870] : memref<5x128x32xf32, #tpu.memory_space<vmem>> -> memref<1x128x32xf32, #tpu.memory_space<vmem>>
    %dma_wait3A_872 = tpu.memref_squeeze %dma_wait3A_871 : memref<1x128x32xf32, #tpu.memory_space<vmem>> -> memref<128x32xf32, #tpu.memory_space<vmem>>
    %dma_wait3A_873 = arith.constant 0 : i32
    %dma_wait3A_874 = tpu.memref_slice %arg5[%dma_wait3A_867, %dma_wait3A_873] : memref<50x128xi32, #tpu.memory_space<vmem>> -> memref<1x128xi32, #tpu.memory_space<vmem>>
    %dma_wait3A_875 = tpu.memref_squeeze %dma_wait3A_874 : memref<1x128xi32, #tpu.memory_space<vmem>> -> memref<128xi32, #tpu.memory_space<vmem>>
    %dma_wait3A_876 = arith.constant 0 : i32
    %dma_wait3A_877 = arith.constant 0 : i32
    %dma_wait3A_878 = tpu.memref_slice %arg2[%dma_wait3A_876, %dma_wait3A_877] : memref<1000000x32xf32, #tpu.memory_space<hbm>> -> memref<1000000x32xf32, #tpu.memory_space<hbm>>
    tpu.wait_indirect_dma semaphore(%arg11 : memref<!tpu.dma_semaphore, #tpu.memory_space<semaphore_mem>>) src(%dma_wait3A_878 : memref<1000000x32xf32, #tpu.memory_space<hbm>>) dst(%dma_wait3A_872 : memref<128x32xf32, #tpu.memory_space<vmem>>)
    %dma_wait3A_879 = arith.constant 29 : i32
    %dma_wait3A_880 = arith.constant 4 : i32
    %dma_wait3A_881 = arith.constant 0 : i32
    %dma_wait3A_882 = arith.constant 0 : i32
    %dma_wait3A_883 = tpu.memref_slice %arg8[%dma_wait3A_880, %dma_wait3A_881, %dma_wait3A_882] : memref<5x128x32xf32, #tpu.memory_space<vmem>> -> memref<1x128x32xf32, #tpu.memory_space<vmem>>
    %dma_wait3A_884 = tpu.memref_squeeze %dma_wait3A_883 : memref<1x128x32xf32, #tpu.memory_space<vmem>> -> memref<128x32xf32, #tpu.memory_space<vmem>>
    %dma_wait3A_885 = arith.constant 0 : i32
    %dma_wait3A_886 = tpu.memref_slice %arg5[%dma_wait3A_879, %dma_wait3A_885] : memref<50x128xi32, #tpu.memory_space<vmem>> -> memref<1x128xi32, #tpu.memory_space<vmem>>
    %dma_wait3A_887 = tpu.memref_squeeze %dma_wait3A_886 : memref<1x128xi32, #tpu.memory_space<vmem>> -> memref<128xi32, #tpu.memory_space<vmem>>
    %dma_wait3A_888 = arith.constant 0 : i32
    %dma_wait3A_889 = arith.constant 0 : i32
    %dma_wait3A_890 = tpu.memref_slice %arg2[%dma_wait3A_888, %dma_wait3A_889] : memref<1000000x32xf32, #tpu.memory_space<hbm>> -> memref<1000000x32xf32, #tpu.memory_space<hbm>>
    tpu.wait_indirect_dma semaphore(%arg11 : memref<!tpu.dma_semaphore, #tpu.memory_space<semaphore_mem>>) src(%dma_wait3A_890 : memref<1000000x32xf32, #tpu.memory_space<hbm>>) dst(%dma_wait3A_884 : memref<128x32xf32, #tpu.memory_space<vmem>>)
    %mul3A_891 = arith.constant 10 : i32
    %mul3A_892 = arith.muli %add3A, %mul3A_891 : i32
    %add3A_893 = arith.constant 5 : i32
    %add3A_894 = arith.addi %mul3A_892, %add3A_893 : i32
    %dma_start3A_895 = arith.constant 0 : i32
    %dma_start3A_896 = arith.constant 0 : i32
    %dma_start3A_897 = arith.constant 0 : i32
    %dma_start3A_898 = tpu.memref_slice %arg4[%add3A_894, %dma_start3A_895, %dma_start3A_896, %dma_start3A_897] : memref<320x5x128x32xf32, #tpu.memory_space<hbm>> -> memref<1x5x128x32xf32, #tpu.memory_space<hbm>>
    %dma_start3A_899 = tpu.memref_squeeze %dma_start3A_898 : memref<1x5x128x32xf32, #tpu.memory_space<hbm>> -> memref<5x128x32xf32, #tpu.memory_space<hbm>>
    %dma_start3A_900 = arith.constant 0 : i32
    %dma_start3A_901 = arith.constant 0 : i32
    %dma_start3A_902 = arith.constant 0 : i32
    %dma_start3A_903 = tpu.memref_slice %arg4[%add3A_894, %dma_start3A_900, %dma_start3A_901, %dma_start3A_902] : memref<320x5x128x32xf32, #tpu.memory_space<hbm>> -> memref<1x5x128x32xf32, #tpu.memory_space<hbm>>
    %dma_start3A_904 = tpu.memref_squeeze %dma_start3A_903 : memref<1x5x128x32xf32, #tpu.memory_space<hbm>> -> memref<5x128x32xf32, #tpu.memory_space<hbm>>
    tpu.enqueue_dma source(%arg8 : memref<5x128x32xf32, #tpu.memory_space<vmem>>) target(%dma_start3A_904 : memref<5x128x32xf32, #tpu.memory_space<hbm>>) target_semaphore(%arg12 : memref<!tpu.dma_semaphore, #tpu.memory_space<semaphore_mem>>)
    %dma_wait3A_905 = arith.constant 0 : i32
    %dma_wait3A_906 = arith.constant 0 : i32
    %dma_wait3A_907 = arith.constant 0 : i32
    %dma_wait3A_908 = tpu.memref_slice %arg4[%add3A_750, %dma_wait3A_905, %dma_wait3A_906, %dma_wait3A_907] : memref<320x5x128x32xf32, #tpu.memory_space<hbm>> -> memref<1x5x128x32xf32, #tpu.memory_space<hbm>>
    %dma_wait3A_909 = tpu.memref_squeeze %dma_wait3A_908 : memref<1x5x128x32xf32, #tpu.memory_space<hbm>> -> memref<5x128x32xf32, #tpu.memory_space<hbm>>
    %dma_wait3A_910 = arith.constant 0 : i32
    %dma_wait3A_911 = arith.constant 0 : i32
    %dma_wait3A_912 = arith.constant 0 : i32
    %dma_wait3A_913 = tpu.memref_slice %arg4[%add3A_750, %dma_wait3A_910, %dma_wait3A_911, %dma_wait3A_912] : memref<320x5x128x32xf32, #tpu.memory_space<hbm>> -> memref<1x5x128x32xf32, #tpu.memory_space<hbm>>
    %dma_wait3A_914 = tpu.memref_squeeze %dma_wait3A_913 : memref<1x5x128x32xf32, #tpu.memory_space<hbm>> -> memref<5x128x32xf32, #tpu.memory_space<hbm>>
    tpu.wait_dma2 semaphore(%arg12 : memref<!tpu.dma_semaphore, #tpu.memory_space<semaphore_mem>>) src(%arg7 : memref<5x128x32xf32, #tpu.memory_space<vmem>>) dst(%dma_wait3A_914 : memref<5x128x32xf32, #tpu.memory_space<hbm>>)
    %dma_start3A_915 = arith.constant 35 : i32
    %dma_start3A_916 = arith.constant 0 : i32
    %dma_start3A_917 = arith.constant 0 : i32
    %dma_start3A_918 = arith.constant 0 : i32
    %dma_start3A_919 = tpu.memref_slice %arg7[%dma_start3A_916, %dma_start3A_917, %dma_start3A_918] : memref<5x128x32xf32, #tpu.memory_space<vmem>> -> memref<1x128x32xf32, #tpu.memory_space<vmem>>
    %dma_start3A_920 = tpu.memref_squeeze %dma_start3A_919 : memref<1x128x32xf32, #tpu.memory_space<vmem>> -> memref<128x32xf32, #tpu.memory_space<vmem>>
    %dma_start3A_921 = arith.constant 0 : i32
    %dma_start3A_922 = tpu.memref_slice %arg5[%dma_start3A_915, %dma_start3A_921] : memref<50x128xi32, #tpu.memory_space<vmem>> -> memref<1x128xi32, #tpu.memory_space<vmem>>
    %dma_start3A_923 = tpu.memref_squeeze %dma_start3A_922 : memref<1x128xi32, #tpu.memory_space<vmem>> -> memref<128xi32, #tpu.memory_space<vmem>>
    %dma_start3A_924 = arith.constant 0 : i32
    %dma_start3A_925 = arith.constant 0 : i32
    %dma_start3A_926 = tpu.memref_slice %arg2[%dma_start3A_924, %dma_start3A_925] : memref<1000000x32xf32, #tpu.memory_space<hbm>> -> memref<1000000x32xf32, #tpu.memory_space<hbm>>
    tpu.enqueue_indirect_dma source(%dma_start3A_926 : memref<1000000x32xf32, #tpu.memory_space<hbm>>) target(%dma_start3A_920 : memref<128x32xf32, #tpu.memory_space<vmem>>) offsets(%dma_start3A_923 : memref<128xi32, #tpu.memory_space<vmem>>) semaphore(%arg10 : memref<!tpu.dma_semaphore, #tpu.memory_space<semaphore_mem>>)
    %dma_start3A_927 = arith.constant 36 : i32
    %dma_start3A_928 = arith.constant 1 : i32
    %dma_start3A_929 = arith.constant 0 : i32
    %dma_start3A_930 = arith.constant 0 : i32
    %dma_start3A_931 = tpu.memref_slice %arg7[%dma_start3A_928, %dma_start3A_929, %dma_start3A_930] : memref<5x128x32xf32, #tpu.memory_space<vmem>> -> memref<1x128x32xf32, #tpu.memory_space<vmem>>
    %dma_start3A_932 = tpu.memref_squeeze %dma_start3A_931 : memref<1x128x32xf32, #tpu.memory_space<vmem>> -> memref<128x32xf32, #tpu.memory_space<vmem>>
    %dma_start3A_933 = arith.constant 0 : i32
    %dma_start3A_934 = tpu.memref_slice %arg5[%dma_start3A_927, %dma_start3A_933] : memref<50x128xi32, #tpu.memory_space<vmem>> -> memref<1x128xi32, #tpu.memory_space<vmem>>
    %dma_start3A_935 = tpu.memref_squeeze %dma_start3A_934 : memref<1x128xi32, #tpu.memory_space<vmem>> -> memref<128xi32, #tpu.memory_space<vmem>>
    %dma_start3A_936 = arith.constant 0 : i32
    %dma_start3A_937 = arith.constant 0 : i32
    %dma_start3A_938 = tpu.memref_slice %arg2[%dma_start3A_936, %dma_start3A_937] : memref<1000000x32xf32, #tpu.memory_space<hbm>> -> memref<1000000x32xf32, #tpu.memory_space<hbm>>
    tpu.enqueue_indirect_dma source(%dma_start3A_938 : memref<1000000x32xf32, #tpu.memory_space<hbm>>) target(%dma_start3A_932 : memref<128x32xf32, #tpu.memory_space<vmem>>) offsets(%dma_start3A_935 : memref<128xi32, #tpu.memory_space<vmem>>) semaphore(%arg10 : memref<!tpu.dma_semaphore, #tpu.memory_space<semaphore_mem>>)
    %dma_start3A_939 = arith.constant 37 : i32
    %dma_start3A_940 = arith.constant 2 : i32
    %dma_start3A_941 = arith.constant 0 : i32
    %dma_start3A_942 = arith.constant 0 : i32
    %dma_start3A_943 = tpu.memref_slice %arg7[%dma_start3A_940, %dma_start3A_941, %dma_start3A_942] : memref<5x128x32xf32, #tpu.memory_space<vmem>> -> memref<1x128x32xf32, #tpu.memory_space<vmem>>
    %dma_start3A_944 = tpu.memref_squeeze %dma_start3A_943 : memref<1x128x32xf32, #tpu.memory_space<vmem>> -> memref<128x32xf32, #tpu.memory_space<vmem>>
    %dma_start3A_945 = arith.constant 0 : i32
    %dma_start3A_946 = tpu.memref_slice %arg5[%dma_start3A_939, %dma_start3A_945] : memref<50x128xi32, #tpu.memory_space<vmem>> -> memref<1x128xi32, #tpu.memory_space<vmem>>
    %dma_start3A_947 = tpu.memref_squeeze %dma_start3A_946 : memref<1x128xi32, #tpu.memory_space<vmem>> -> memref<128xi32, #tpu.memory_space<vmem>>
    %dma_start3A_948 = arith.constant 0 : i32
    %dma_start3A_949 = arith.constant 0 : i32
    %dma_start3A_950 = tpu.memref_slice %arg2[%dma_start3A_948, %dma_start3A_949] : memref<1000000x32xf32, #tpu.memory_space<hbm>> -> memref<1000000x32xf32, #tpu.memory_space<hbm>>
    tpu.enqueue_indirect_dma source(%dma_start3A_950 : memref<1000000x32xf32, #tpu.memory_space<hbm>>) target(%dma_start3A_944 : memref<128x32xf32, #tpu.memory_space<vmem>>) offsets(%dma_start3A_947 : memref<128xi32, #tpu.memory_space<vmem>>) semaphore(%arg10 : memref<!tpu.dma_semaphore, #tpu.memory_space<semaphore_mem>>)
    %dma_start3A_951 = arith.constant 38 : i32
    %dma_start3A_952 = arith.constant 3 : i32
    %dma_start3A_953 = arith.constant 0 : i32
    %dma_start3A_954 = arith.constant 0 : i32
    %dma_start3A_955 = tpu.memref_slice %arg7[%dma_start3A_952, %dma_start3A_953, %dma_start3A_954] : memref<5x128x32xf32, #tpu.memory_space<vmem>> -> memref<1x128x32xf32, #tpu.memory_space<vmem>>
    %dma_start3A_956 = tpu.memref_squeeze %dma_start3A_955 : memref<1x128x32xf32, #tpu.memory_space<vmem>> -> memref<128x32xf32, #tpu.memory_space<vmem>>
    %dma_start3A_957 = arith.constant 0 : i32
    %dma_start3A_958 = tpu.memref_slice %arg5[%dma_start3A_951, %dma_start3A_957] : memref<50x128xi32, #tpu.memory_space<vmem>> -> memref<1x128xi32, #tpu.memory_space<vmem>>
    %dma_start3A_959 = tpu.memref_squeeze %dma_start3A_958 : memref<1x128xi32, #tpu.memory_space<vmem>> -> memref<128xi32, #tpu.memory_space<vmem>>
    %dma_start3A_960 = arith.constant 0 : i32
    %dma_start3A_961 = arith.constant 0 : i32
    %dma_start3A_962 = tpu.memref_slice %arg2[%dma_start3A_960, %dma_start3A_961] : memref<1000000x32xf32, #tpu.memory_space<hbm>> -> memref<1000000x32xf32, #tpu.memory_space<hbm>>
    tpu.enqueue_indirect_dma source(%dma_start3A_962 : memref<1000000x32xf32, #tpu.memory_space<hbm>>) target(%dma_start3A_956 : memref<128x32xf32, #tpu.memory_space<vmem>>) offsets(%dma_start3A_959 : memref<128xi32, #tpu.memory_space<vmem>>) semaphore(%arg10 : memref<!tpu.dma_semaphore, #tpu.memory_space<semaphore_mem>>)
    %dma_start3A_963 = arith.constant 39 : i32
    %dma_start3A_964 = arith.constant 4 : i32
    %dma_start3A_965 = arith.constant 0 : i32
    %dma_start3A_966 = arith.constant 0 : i32
    %dma_start3A_967 = tpu.memref_slice %arg7[%dma_start3A_964, %dma_start3A_965, %dma_start3A_966] : memref<5x128x32xf32, #tpu.memory_space<vmem>> -> memref<1x128x32xf32, #tpu.memory_space<vmem>>
    %dma_start3A_968 = tpu.memref_squeeze %dma_start3A_967 : memref<1x128x32xf32, #tpu.memory_space<vmem>> -> memref<128x32xf32, #tpu.memory_space<vmem>>
    %dma_start3A_969 = arith.constant 0 : i32
    %dma_start3A_970 = tpu.memref_slice %arg5[%dma_start3A_963, %dma_start3A_969] : memref<50x128xi32, #tpu.memory_space<vmem>> -> memref<1x128xi32, #tpu.memory_space<vmem>>
    %dma_start3A_971 = tpu.memref_squeeze %dma_start3A_970 : memref<1x128xi32, #tpu.memory_space<vmem>> -> memref<128xi32, #tpu.memory_space<vmem>>
    %dma_start3A_972 = arith.constant 0 : i32
    %dma_start3A_973 = arith.constant 0 : i32
    %dma_start3A_974 = tpu.memref_slice %arg2[%dma_start3A_972, %dma_start3A_973] : memref<1000000x32xf32, #tpu.memory_space<hbm>> -> memref<1000000x32xf32, #tpu.memory_space<hbm>>
    tpu.enqueue_indirect_dma source(%dma_start3A_974 : memref<1000000x32xf32, #tpu.memory_space<hbm>>) target(%dma_start3A_968 : memref<128x32xf32, #tpu.memory_space<vmem>>) offsets(%dma_start3A_971 : memref<128xi32, #tpu.memory_space<vmem>>) semaphore(%arg10 : memref<!tpu.dma_semaphore, #tpu.memory_space<semaphore_mem>>)
    %dma_wait3A_975 = arith.constant 30 : i32
    %dma_wait3A_976 = arith.constant 0 : i32
    %dma_wait3A_977 = arith.constant 0 : i32
    %dma_wait3A_978 = arith.constant 0 : i32
    %dma_wait3A_979 = tpu.memref_slice %arg6[%dma_wait3A_976, %dma_wait3A_977, %dma_wait3A_978] : memref<5x128x32xf32, #tpu.memory_space<vmem>> -> memref<1x128x32xf32, #tpu.memory_space<vmem>>
    %dma_wait3A_980 = tpu.memref_squeeze %dma_wait3A_979 : memref<1x128x32xf32, #tpu.memory_space<vmem>> -> memref<128x32xf32, #tpu.memory_space<vmem>>
    %dma_wait3A_981 = arith.constant 0 : i32
    %dma_wait3A_982 = tpu.memref_slice %arg5[%dma_wait3A_975, %dma_wait3A_981] : memref<50x128xi32, #tpu.memory_space<vmem>> -> memref<1x128xi32, #tpu.memory_space<vmem>>
    %dma_wait3A_983 = tpu.memref_squeeze %dma_wait3A_982 : memref<1x128xi32, #tpu.memory_space<vmem>> -> memref<128xi32, #tpu.memory_space<vmem>>
    %dma_wait3A_984 = arith.constant 0 : i32
    %dma_wait3A_985 = arith.constant 0 : i32
    %dma_wait3A_986 = tpu.memref_slice %arg2[%dma_wait3A_984, %dma_wait3A_985] : memref<1000000x32xf32, #tpu.memory_space<hbm>> -> memref<1000000x32xf32, #tpu.memory_space<hbm>>
    tpu.wait_indirect_dma semaphore(%arg9 : memref<!tpu.dma_semaphore, #tpu.memory_space<semaphore_mem>>) src(%dma_wait3A_986 : memref<1000000x32xf32, #tpu.memory_space<hbm>>) dst(%dma_wait3A_980 : memref<128x32xf32, #tpu.memory_space<vmem>>)
    %dma_wait3A_987 = arith.constant 31 : i32
    %dma_wait3A_988 = arith.constant 1 : i32
    %dma_wait3A_989 = arith.constant 0 : i32
    %dma_wait3A_990 = arith.constant 0 : i32
    %dma_wait3A_991 = tpu.memref_slice %arg6[%dma_wait3A_988, %dma_wait3A_989, %dma_wait3A_990] : memref<5x128x32xf32, #tpu.memory_space<vmem>> -> memref<1x128x32xf32, #tpu.memory_space<vmem>>
    %dma_wait3A_992 = tpu.memref_squeeze %dma_wait3A_991 : memref<1x128x32xf32, #tpu.memory_space<vmem>> -> memref<128x32xf32, #tpu.memory_space<vmem>>
    %dma_wait3A_993 = arith.constant 0 : i32
    %dma_wait3A_994 = tpu.memref_slice %arg5[%dma_wait3A_987, %dma_wait3A_993] : memref<50x128xi32, #tpu.memory_space<vmem>> -> memref<1x128xi32, #tpu.memory_space<vmem>>
    %dma_wait3A_995 = tpu.memref_squeeze %dma_wait3A_994 : memref<1x128xi32, #tpu.memory_space<vmem>> -> memref<128xi32, #tpu.memory_space<vmem>>
    %dma_wait3A_996 = arith.constant 0 : i32
    %dma_wait3A_997 = arith.constant 0 : i32
    %dma_wait3A_998 = tpu.memref_slice %arg2[%dma_wait3A_996, %dma_wait3A_997] : memref<1000000x32xf32, #tpu.memory_space<hbm>> -> memref<1000000x32xf32, #tpu.memory_space<hbm>>
    tpu.wait_indirect_dma semaphore(%arg9 : memref<!tpu.dma_semaphore, #tpu.memory_space<semaphore_mem>>) src(%dma_wait3A_998 : memref<1000000x32xf32, #tpu.memory_space<hbm>>) dst(%dma_wait3A_992 : memref<128x32xf32, #tpu.memory_space<vmem>>)
    %dma_wait3A_999 = arith.constant 32 : i32
    %dma_wait3A_1000 = arith.constant 2 : i32
    %dma_wait3A_1001 = arith.constant 0 : i32
    %dma_wait3A_1002 = arith.constant 0 : i32
    %dma_wait3A_1003 = tpu.memref_slice %arg6[%dma_wait3A_1000, %dma_wait3A_1001, %dma_wait3A_1002] : memref<5x128x32xf32, #tpu.memory_space<vmem>> -> memref<1x128x32xf32, #tpu.memory_space<vmem>>
    %dma_wait3A_1004 = tpu.memref_squeeze %dma_wait3A_1003 : memref<1x128x32xf32, #tpu.memory_space<vmem>> -> memref<128x32xf32, #tpu.memory_space<vmem>>
    %dma_wait3A_1005 = arith.constant 0 : i32
    %dma_wait3A_1006 = tpu.memref_slice %arg5[%dma_wait3A_999, %dma_wait3A_1005] : memref<50x128xi32, #tpu.memory_space<vmem>> -> memref<1x128xi32, #tpu.memory_space<vmem>>
    %dma_wait3A_1007 = tpu.memref_squeeze %dma_wait3A_1006 : memref<1x128xi32, #tpu.memory_space<vmem>> -> memref<128xi32, #tpu.memory_space<vmem>>
    %dma_wait3A_1008 = arith.constant 0 : i32
    %dma_wait3A_1009 = arith.constant 0 : i32
    %dma_wait3A_1010 = tpu.memref_slice %arg2[%dma_wait3A_1008, %dma_wait3A_1009] : memref<1000000x32xf32, #tpu.memory_space<hbm>> -> memref<1000000x32xf32, #tpu.memory_space<hbm>>
    tpu.wait_indirect_dma semaphore(%arg9 : memref<!tpu.dma_semaphore, #tpu.memory_space<semaphore_mem>>) src(%dma_wait3A_1010 : memref<1000000x32xf32, #tpu.memory_space<hbm>>) dst(%dma_wait3A_1004 : memref<128x32xf32, #tpu.memory_space<vmem>>)
    %dma_wait3A_1011 = arith.constant 33 : i32
    %dma_wait3A_1012 = arith.constant 3 : i32
    %dma_wait3A_1013 = arith.constant 0 : i32
    %dma_wait3A_1014 = arith.constant 0 : i32
    %dma_wait3A_1015 = tpu.memref_slice %arg6[%dma_wait3A_1012, %dma_wait3A_1013, %dma_wait3A_1014] : memref<5x128x32xf32, #tpu.memory_space<vmem>> -> memref<1x128x32xf32, #tpu.memory_space<vmem>>
    %dma_wait3A_1016 = tpu.memref_squeeze %dma_wait3A_1015 : memref<1x128x32xf32, #tpu.memory_space<vmem>> -> memref<128x32xf32, #tpu.memory_space<vmem>>
    %dma_wait3A_1017 = arith.constant 0 : i32
    %dma_wait3A_1018 = tpu.memref_slice %arg5[%dma_wait3A_1011, %dma_wait3A_1017] : memref<50x128xi32, #tpu.memory_space<vmem>> -> memref<1x128xi32, #tpu.memory_space<vmem>>
    %dma_wait3A_1019 = tpu.memref_squeeze %dma_wait3A_1018 : memref<1x128xi32, #tpu.memory_space<vmem>> -> memref<128xi32, #tpu.memory_space<vmem>>
    %dma_wait3A_1020 = arith.constant 0 : i32
    %dma_wait3A_1021 = arith.constant 0 : i32
    %dma_wait3A_1022 = tpu.memref_slice %arg2[%dma_wait3A_1020, %dma_wait3A_1021] : memref<1000000x32xf32, #tpu.memory_space<hbm>> -> memref<1000000x32xf32, #tpu.memory_space<hbm>>
    tpu.wait_indirect_dma semaphore(%arg9 : memref<!tpu.dma_semaphore, #tpu.memory_space<semaphore_mem>>) src(%dma_wait3A_1022 : memref<1000000x32xf32, #tpu.memory_space<hbm>>) dst(%dma_wait3A_1016 : memref<128x32xf32, #tpu.memory_space<vmem>>)
    %dma_wait3A_1023 = arith.constant 34 : i32
    %dma_wait3A_1024 = arith.constant 4 : i32
    %dma_wait3A_1025 = arith.constant 0 : i32
    %dma_wait3A_1026 = arith.constant 0 : i32
    %dma_wait3A_1027 = tpu.memref_slice %arg6[%dma_wait3A_1024, %dma_wait3A_1025, %dma_wait3A_1026] : memref<5x128x32xf32, #tpu.memory_space<vmem>> -> memref<1x128x32xf32, #tpu.memory_space<vmem>>
    %dma_wait3A_1028 = tpu.memref_squeeze %dma_wait3A_1027 : memref<1x128x32xf32, #tpu.memory_space<vmem>> -> memref<128x32xf32, #tpu.memory_space<vmem>>
    %dma_wait3A_1029 = arith.constant 0 : i32
    %dma_wait3A_1030 = tpu.memref_slice %arg5[%dma_wait3A_1023, %dma_wait3A_1029] : memref<50x128xi32, #tpu.memory_space<vmem>> -> memref<1x128xi32, #tpu.memory_space<vmem>>
    %dma_wait3A_1031 = tpu.memref_squeeze %dma_wait3A_1030 : memref<1x128xi32, #tpu.memory_space<vmem>> -> memref<128xi32, #tpu.memory_space<vmem>>
    %dma_wait3A_1032 = arith.constant 0 : i32
    %dma_wait3A_1033 = arith.constant 0 : i32
    %dma_wait3A_1034 = tpu.memref_slice %arg2[%dma_wait3A_1032, %dma_wait3A_1033] : memref<1000000x32xf32, #tpu.memory_space<hbm>> -> memref<1000000x32xf32, #tpu.memory_space<hbm>>
    tpu.wait_indirect_dma semaphore(%arg9 : memref<!tpu.dma_semaphore, #tpu.memory_space<semaphore_mem>>) src(%dma_wait3A_1034 : memref<1000000x32xf32, #tpu.memory_space<hbm>>) dst(%dma_wait3A_1028 : memref<128x32xf32, #tpu.memory_space<vmem>>)
    %mul3A_1035 = arith.constant 10 : i32
    %mul3A_1036 = arith.muli %add3A, %mul3A_1035 : i32
    %add3A_1037 = arith.constant 6 : i32
    %add3A_1038 = arith.addi %mul3A_1036, %add3A_1037 : i32
    %dma_start3A_1039 = arith.constant 0 : i32
    %dma_start3A_1040 = arith.constant 0 : i32
    %dma_start3A_1041 = arith.constant 0 : i32
    %dma_start3A_1042 = tpu.memref_slice %arg4[%add3A_1038, %dma_start3A_1039, %dma_start3A_1040, %dma_start3A_1041] : memref<320x5x128x32xf32, #tpu.memory_space<hbm>> -> memref<1x5x128x32xf32, #tpu.memory_space<hbm>>
    %dma_start3A_1043 = tpu.memref_squeeze %dma_start3A_1042 : memref<1x5x128x32xf32, #tpu.memory_space<hbm>> -> memref<5x128x32xf32, #tpu.memory_space<hbm>>
    %dma_start3A_1044 = arith.constant 0 : i32
    %dma_start3A_1045 = arith.constant 0 : i32
    %dma_start3A_1046 = arith.constant 0 : i32
    %dma_start3A_1047 = tpu.memref_slice %arg4[%add3A_1038, %dma_start3A_1044, %dma_start3A_1045, %dma_start3A_1046] : memref<320x5x128x32xf32, #tpu.memory_space<hbm>> -> memref<1x5x128x32xf32, #tpu.memory_space<hbm>>
    %dma_start3A_1048 = tpu.memref_squeeze %dma_start3A_1047 : memref<1x5x128x32xf32, #tpu.memory_space<hbm>> -> memref<5x128x32xf32, #tpu.memory_space<hbm>>
    tpu.enqueue_dma source(%arg6 : memref<5x128x32xf32, #tpu.memory_space<vmem>>) target(%dma_start3A_1048 : memref<5x128x32xf32, #tpu.memory_space<hbm>>) target_semaphore(%arg12 : memref<!tpu.dma_semaphore, #tpu.memory_space<semaphore_mem>>)
    %dma_wait3A_1049 = arith.constant 0 : i32
    %dma_wait3A_1050 = arith.constant 0 : i32
    %dma_wait3A_1051 = arith.constant 0 : i32
    %dma_wait3A_1052 = tpu.memref_slice %arg4[%add3A_894, %dma_wait3A_1049, %dma_wait3A_1050, %dma_wait3A_1051] : memref<320x5x128x32xf32, #tpu.memory_space<hbm>> -> memref<1x5x128x32xf32, #tpu.memory_space<hbm>>
    %dma_wait3A_1053 = tpu.memref_squeeze %dma_wait3A_1052 : memref<1x5x128x32xf32, #tpu.memory_space<hbm>> -> memref<5x128x32xf32, #tpu.memory_space<hbm>>
    %dma_wait3A_1054 = arith.constant 0 : i32
    %dma_wait3A_1055 = arith.constant 0 : i32
    %dma_wait3A_1056 = arith.constant 0 : i32
    %dma_wait3A_1057 = tpu.memref_slice %arg4[%add3A_894, %dma_wait3A_1054, %dma_wait3A_1055, %dma_wait3A_1056] : memref<320x5x128x32xf32, #tpu.memory_space<hbm>> -> memref<1x5x128x32xf32, #tpu.memory_space<hbm>>
    %dma_wait3A_1058 = tpu.memref_squeeze %dma_wait3A_1057 : memref<1x5x128x32xf32, #tpu.memory_space<hbm>> -> memref<5x128x32xf32, #tpu.memory_space<hbm>>
    tpu.wait_dma2 semaphore(%arg12 : memref<!tpu.dma_semaphore, #tpu.memory_space<semaphore_mem>>) src(%arg8 : memref<5x128x32xf32, #tpu.memory_space<vmem>>) dst(%dma_wait3A_1058 : memref<5x128x32xf32, #tpu.memory_space<hbm>>)
    %dma_start3A_1059 = arith.constant 40 : i32
    %dma_start3A_1060 = arith.constant 0 : i32
    %dma_start3A_1061 = arith.constant 0 : i32
    %dma_start3A_1062 = arith.constant 0 : i32
    %dma_start3A_1063 = tpu.memref_slice %arg8[%dma_start3A_1060, %dma_start3A_1061, %dma_start3A_1062] : memref<5x128x32xf32, #tpu.memory_space<vmem>> -> memref<1x128x32xf32, #tpu.memory_space<vmem>>
    %dma_start3A_1064 = tpu.memref_squeeze %dma_start3A_1063 : memref<1x128x32xf32, #tpu.memory_space<vmem>> -> memref<128x32xf32, #tpu.memory_space<vmem>>
    %dma_start3A_1065 = arith.constant 0 : i32
    %dma_start3A_1066 = tpu.memref_slice %arg5[%dma_start3A_1059, %dma_start3A_1065] : memref<50x128xi32, #tpu.memory_space<vmem>> -> memref<1x128xi32, #tpu.memory_space<vmem>>
    %dma_start3A_1067 = tpu.memref_squeeze %dma_start3A_1066 : memref<1x128xi32, #tpu.memory_space<vmem>> -> memref<128xi32, #tpu.memory_space<vmem>>
    %dma_start3A_1068 = arith.constant 0 : i32
    %dma_start3A_1069 = arith.constant 0 : i32
    %dma_start3A_1070 = tpu.memref_slice %arg2[%dma_start3A_1068, %dma_start3A_1069] : memref<1000000x32xf32, #tpu.memory_space<hbm>> -> memref<1000000x32xf32, #tpu.memory_space<hbm>>
    tpu.enqueue_indirect_dma source(%dma_start3A_1070 : memref<1000000x32xf32, #tpu.memory_space<hbm>>) target(%dma_start3A_1064 : memref<128x32xf32, #tpu.memory_space<vmem>>) offsets(%dma_start3A_1067 : memref<128xi32, #tpu.memory_space<vmem>>) semaphore(%arg11 : memref<!tpu.dma_semaphore, #tpu.memory_space<semaphore_mem>>)
    %dma_start3A_1071 = arith.constant 41 : i32
    %dma_start3A_1072 = arith.constant 1 : i32
    %dma_start3A_1073 = arith.constant 0 : i32
    %dma_start3A_1074 = arith.constant 0 : i32
    %dma_start3A_1075 = tpu.memref_slice %arg8[%dma_start3A_1072, %dma_start3A_1073, %dma_start3A_1074] : memref<5x128x32xf32, #tpu.memory_space<vmem>> -> memref<1x128x32xf32, #tpu.memory_space<vmem>>
    %dma_start3A_1076 = tpu.memref_squeeze %dma_start3A_1075 : memref<1x128x32xf32, #tpu.memory_space<vmem>> -> memref<128x32xf32, #tpu.memory_space<vmem>>
    %dma_start3A_1077 = arith.constant 0 : i32
    %dma_start3A_1078 = tpu.memref_slice %arg5[%dma_start3A_1071, %dma_start3A_1077] : memref<50x128xi32, #tpu.memory_space<vmem>> -> memref<1x128xi32, #tpu.memory_space<vmem>>
    %dma_start3A_1079 = tpu.memref_squeeze %dma_start3A_1078 : memref<1x128xi32, #tpu.memory_space<vmem>> -> memref<128xi32, #tpu.memory_space<vmem>>
    %dma_start3A_1080 = arith.constant 0 : i32
    %dma_start3A_1081 = arith.constant 0 : i32
    %dma_start3A_1082 = tpu.memref_slice %arg2[%dma_start3A_1080, %dma_start3A_1081] : memref<1000000x32xf32, #tpu.memory_space<hbm>> -> memref<1000000x32xf32, #tpu.memory_space<hbm>>
    tpu.enqueue_indirect_dma source(%dma_start3A_1082 : memref<1000000x32xf32, #tpu.memory_space<hbm>>) target(%dma_start3A_1076 : memref<128x32xf32, #tpu.memory_space<vmem>>) offsets(%dma_start3A_1079 : memref<128xi32, #tpu.memory_space<vmem>>) semaphore(%arg11 : memref<!tpu.dma_semaphore, #tpu.memory_space<semaphore_mem>>)
    %dma_start3A_1083 = arith.constant 42 : i32
    %dma_start3A_1084 = arith.constant 2 : i32
    %dma_start3A_1085 = arith.constant 0 : i32
    %dma_start3A_1086 = arith.constant 0 : i32
    %dma_start3A_1087 = tpu.memref_slice %arg8[%dma_start3A_1084, %dma_start3A_1085, %dma_start3A_1086] : memref<5x128x32xf32, #tpu.memory_space<vmem>> -> memref<1x128x32xf32, #tpu.memory_space<vmem>>
    %dma_start3A_1088 = tpu.memref_squeeze %dma_start3A_1087 : memref<1x128x32xf32, #tpu.memory_space<vmem>> -> memref<128x32xf32, #tpu.memory_space<vmem>>
    %dma_start3A_1089 = arith.constant 0 : i32
    %dma_start3A_1090 = tpu.memref_slice %arg5[%dma_start3A_1083, %dma_start3A_1089] : memref<50x128xi32, #tpu.memory_space<vmem>> -> memref<1x128xi32, #tpu.memory_space<vmem>>
    %dma_start3A_1091 = tpu.memref_squeeze %dma_start3A_1090 : memref<1x128xi32, #tpu.memory_space<vmem>> -> memref<128xi32, #tpu.memory_space<vmem>>
    %dma_start3A_1092 = arith.constant 0 : i32
    %dma_start3A_1093 = arith.constant 0 : i32
    %dma_start3A_1094 = tpu.memref_slice %arg2[%dma_start3A_1092, %dma_start3A_1093] : memref<1000000x32xf32, #tpu.memory_space<hbm>> -> memref<1000000x32xf32, #tpu.memory_space<hbm>>
    tpu.enqueue_indirect_dma source(%dma_start3A_1094 : memref<1000000x32xf32, #tpu.memory_space<hbm>>) target(%dma_start3A_1088 : memref<128x32xf32, #tpu.memory_space<vmem>>) offsets(%dma_start3A_1091 : memref<128xi32, #tpu.memory_space<vmem>>) semaphore(%arg11 : memref<!tpu.dma_semaphore, #tpu.memory_space<semaphore_mem>>)
    %dma_start3A_1095 = arith.constant 43 : i32
    %dma_start3A_1096 = arith.constant 3 : i32
    %dma_start3A_1097 = arith.constant 0 : i32
    %dma_start3A_1098 = arith.constant 0 : i32
    %dma_start3A_1099 = tpu.memref_slice %arg8[%dma_start3A_1096, %dma_start3A_1097, %dma_start3A_1098] : memref<5x128x32xf32, #tpu.memory_space<vmem>> -> memref<1x128x32xf32, #tpu.memory_space<vmem>>
    %dma_start3A_1100 = tpu.memref_squeeze %dma_start3A_1099 : memref<1x128x32xf32, #tpu.memory_space<vmem>> -> memref<128x32xf32, #tpu.memory_space<vmem>>
    %dma_start3A_1101 = arith.constant 0 : i32
    %dma_start3A_1102 = tpu.memref_slice %arg5[%dma_start3A_1095, %dma_start3A_1101] : memref<50x128xi32, #tpu.memory_space<vmem>> -> memref<1x128xi32, #tpu.memory_space<vmem>>
    %dma_start3A_1103 = tpu.memref_squeeze %dma_start3A_1102 : memref<1x128xi32, #tpu.memory_space<vmem>> -> memref<128xi32, #tpu.memory_space<vmem>>
    %dma_start3A_1104 = arith.constant 0 : i32
    %dma_start3A_1105 = arith.constant 0 : i32
    %dma_start3A_1106 = tpu.memref_slice %arg2[%dma_start3A_1104, %dma_start3A_1105] : memref<1000000x32xf32, #tpu.memory_space<hbm>> -> memref<1000000x32xf32, #tpu.memory_space<hbm>>
    tpu.enqueue_indirect_dma source(%dma_start3A_1106 : memref<1000000x32xf32, #tpu.memory_space<hbm>>) target(%dma_start3A_1100 : memref<128x32xf32, #tpu.memory_space<vmem>>) offsets(%dma_start3A_1103 : memref<128xi32, #tpu.memory_space<vmem>>) semaphore(%arg11 : memref<!tpu.dma_semaphore, #tpu.memory_space<semaphore_mem>>)
    %dma_start3A_1107 = arith.constant 44 : i32
    %dma_start3A_1108 = arith.constant 4 : i32
    %dma_start3A_1109 = arith.constant 0 : i32
    %dma_start3A_1110 = arith.constant 0 : i32
    %dma_start3A_1111 = tpu.memref_slice %arg8[%dma_start3A_1108, %dma_start3A_1109, %dma_start3A_1110] : memref<5x128x32xf32, #tpu.memory_space<vmem>> -> memref<1x128x32xf32, #tpu.memory_space<vmem>>
    %dma_start3A_1112 = tpu.memref_squeeze %dma_start3A_1111 : memref<1x128x32xf32, #tpu.memory_space<vmem>> -> memref<128x32xf32, #tpu.memory_space<vmem>>
    %dma_start3A_1113 = arith.constant 0 : i32
    %dma_start3A_1114 = tpu.memref_slice %arg5[%dma_start3A_1107, %dma_start3A_1113] : memref<50x128xi32, #tpu.memory_space<vmem>> -> memref<1x128xi32, #tpu.memory_space<vmem>>
    %dma_start3A_1115 = tpu.memref_squeeze %dma_start3A_1114 : memref<1x128xi32, #tpu.memory_space<vmem>> -> memref<128xi32, #tpu.memory_space<vmem>>
    %dma_start3A_1116 = arith.constant 0 : i32
    %dma_start3A_1117 = arith.constant 0 : i32
    %dma_start3A_1118 = tpu.memref_slice %arg2[%dma_start3A_1116, %dma_start3A_1117] : memref<1000000x32xf32, #tpu.memory_space<hbm>> -> memref<1000000x32xf32, #tpu.memory_space<hbm>>
    tpu.enqueue_indirect_dma source(%dma_start3A_1118 : memref<1000000x32xf32, #tpu.memory_space<hbm>>) target(%dma_start3A_1112 : memref<128x32xf32, #tpu.memory_space<vmem>>) offsets(%dma_start3A_1115 : memref<128xi32, #tpu.memory_space<vmem>>) semaphore(%arg11 : memref<!tpu.dma_semaphore, #tpu.memory_space<semaphore_mem>>)
    %dma_wait3A_1119 = arith.constant 35 : i32
    %dma_wait3A_1120 = arith.constant 0 : i32
    %dma_wait3A_1121 = arith.constant 0 : i32
    %dma_wait3A_1122 = arith.constant 0 : i32
    %dma_wait3A_1123 = tpu.memref_slice %arg7[%dma_wait3A_1120, %dma_wait3A_1121, %dma_wait3A_1122] : memref<5x128x32xf32, #tpu.memory_space<vmem>> -> memref<1x128x32xf32, #tpu.memory_space<vmem>>
    %dma_wait3A_1124 = tpu.memref_squeeze %dma_wait3A_1123 : memref<1x128x32xf32, #tpu.memory_space<vmem>> -> memref<128x32xf32, #tpu.memory_space<vmem>>
    %dma_wait3A_1125 = arith.constant 0 : i32
    %dma_wait3A_1126 = tpu.memref_slice %arg5[%dma_wait3A_1119, %dma_wait3A_1125] : memref<50x128xi32, #tpu.memory_space<vmem>> -> memref<1x128xi32, #tpu.memory_space<vmem>>
    %dma_wait3A_1127 = tpu.memref_squeeze %dma_wait3A_1126 : memref<1x128xi32, #tpu.memory_space<vmem>> -> memref<128xi32, #tpu.memory_space<vmem>>
    %dma_wait3A_1128 = arith.constant 0 : i32
    %dma_wait3A_1129 = arith.constant 0 : i32
    %dma_wait3A_1130 = tpu.memref_slice %arg2[%dma_wait3A_1128, %dma_wait3A_1129] : memref<1000000x32xf32, #tpu.memory_space<hbm>> -> memref<1000000x32xf32, #tpu.memory_space<hbm>>
    tpu.wait_indirect_dma semaphore(%arg10 : memref<!tpu.dma_semaphore, #tpu.memory_space<semaphore_mem>>) src(%dma_wait3A_1130 : memref<1000000x32xf32, #tpu.memory_space<hbm>>) dst(%dma_wait3A_1124 : memref<128x32xf32, #tpu.memory_space<vmem>>)
    %dma_wait3A_1131 = arith.constant 36 : i32
    %dma_wait3A_1132 = arith.constant 1 : i32
    %dma_wait3A_1133 = arith.constant 0 : i32
    %dma_wait3A_1134 = arith.constant 0 : i32
    %dma_wait3A_1135 = tpu.memref_slice %arg7[%dma_wait3A_1132, %dma_wait3A_1133, %dma_wait3A_1134] : memref<5x128x32xf32, #tpu.memory_space<vmem>> -> memref<1x128x32xf32, #tpu.memory_space<vmem>>
    %dma_wait3A_1136 = tpu.memref_squeeze %dma_wait3A_1135 : memref<1x128x32xf32, #tpu.memory_space<vmem>> -> memref<128x32xf32, #tpu.memory_space<vmem>>
    %dma_wait3A_1137 = arith.constant 0 : i32
    %dma_wait3A_1138 = tpu.memref_slice %arg5[%dma_wait3A_1131, %dma_wait3A_1137] : memref<50x128xi32, #tpu.memory_space<vmem>> -> memref<1x128xi32, #tpu.memory_space<vmem>>
    %dma_wait3A_1139 = tpu.memref_squeeze %dma_wait3A_1138 : memref<1x128xi32, #tpu.memory_space<vmem>> -> memref<128xi32, #tpu.memory_space<vmem>>
    %dma_wait3A_1140 = arith.constant 0 : i32
    %dma_wait3A_1141 = arith.constant 0 : i32
    %dma_wait3A_1142 = tpu.memref_slice %arg2[%dma_wait3A_1140, %dma_wait3A_1141] : memref<1000000x32xf32, #tpu.memory_space<hbm>> -> memref<1000000x32xf32, #tpu.memory_space<hbm>>
    tpu.wait_indirect_dma semaphore(%arg10 : memref<!tpu.dma_semaphore, #tpu.memory_space<semaphore_mem>>) src(%dma_wait3A_1142 : memref<1000000x32xf32, #tpu.memory_space<hbm>>) dst(%dma_wait3A_1136 : memref<128x32xf32, #tpu.memory_space<vmem>>)
    %dma_wait3A_1143 = arith.constant 37 : i32
    %dma_wait3A_1144 = arith.constant 2 : i32
    %dma_wait3A_1145 = arith.constant 0 : i32
    %dma_wait3A_1146 = arith.constant 0 : i32
    %dma_wait3A_1147 = tpu.memref_slice %arg7[%dma_wait3A_1144, %dma_wait3A_1145, %dma_wait3A_1146] : memref<5x128x32xf32, #tpu.memory_space<vmem>> -> memref<1x128x32xf32, #tpu.memory_space<vmem>>
    %dma_wait3A_1148 = tpu.memref_squeeze %dma_wait3A_1147 : memref<1x128x32xf32, #tpu.memory_space<vmem>> -> memref<128x32xf32, #tpu.memory_space<vmem>>
    %dma_wait3A_1149 = arith.constant 0 : i32
    %dma_wait3A_1150 = tpu.memref_slice %arg5[%dma_wait3A_1143, %dma_wait3A_1149] : memref<50x128xi32, #tpu.memory_space<vmem>> -> memref<1x128xi32, #tpu.memory_space<vmem>>
    %dma_wait3A_1151 = tpu.memref_squeeze %dma_wait3A_1150 : memref<1x128xi32, #tpu.memory_space<vmem>> -> memref<128xi32, #tpu.memory_space<vmem>>
    %dma_wait3A_1152 = arith.constant 0 : i32
    %dma_wait3A_1153 = arith.constant 0 : i32
    %dma_wait3A_1154 = tpu.memref_slice %arg2[%dma_wait3A_1152, %dma_wait3A_1153] : memref<1000000x32xf32, #tpu.memory_space<hbm>> -> memref<1000000x32xf32, #tpu.memory_space<hbm>>
    tpu.wait_indirect_dma semaphore(%arg10 : memref<!tpu.dma_semaphore, #tpu.memory_space<semaphore_mem>>) src(%dma_wait3A_1154 : memref<1000000x32xf32, #tpu.memory_space<hbm>>) dst(%dma_wait3A_1148 : memref<128x32xf32, #tpu.memory_space<vmem>>)
    %dma_wait3A_1155 = arith.constant 38 : i32
    %dma_wait3A_1156 = arith.constant 3 : i32
    %dma_wait3A_1157 = arith.constant 0 : i32
    %dma_wait3A_1158 = arith.constant 0 : i32
    %dma_wait3A_1159 = tpu.memref_slice %arg7[%dma_wait3A_1156, %dma_wait3A_1157, %dma_wait3A_1158] : memref<5x128x32xf32, #tpu.memory_space<vmem>> -> memref<1x128x32xf32, #tpu.memory_space<vmem>>
    %dma_wait3A_1160 = tpu.memref_squeeze %dma_wait3A_1159 : memref<1x128x32xf32, #tpu.memory_space<vmem>> -> memref<128x32xf32, #tpu.memory_space<vmem>>
    %dma_wait3A_1161 = arith.constant 0 : i32
    %dma_wait3A_1162 = tpu.memref_slice %arg5[%dma_wait3A_1155, %dma_wait3A_1161] : memref<50x128xi32, #tpu.memory_space<vmem>> -> memref<1x128xi32, #tpu.memory_space<vmem>>
    %dma_wait3A_1163 = tpu.memref_squeeze %dma_wait3A_1162 : memref<1x128xi32, #tpu.memory_space<vmem>> -> memref<128xi32, #tpu.memory_space<vmem>>
    %dma_wait3A_1164 = arith.constant 0 : i32
    %dma_wait3A_1165 = arith.constant 0 : i32
    %dma_wait3A_1166 = tpu.memref_slice %arg2[%dma_wait3A_1164, %dma_wait3A_1165] : memref<1000000x32xf32, #tpu.memory_space<hbm>> -> memref<1000000x32xf32, #tpu.memory_space<hbm>>
    tpu.wait_indirect_dma semaphore(%arg10 : memref<!tpu.dma_semaphore, #tpu.memory_space<semaphore_mem>>) src(%dma_wait3A_1166 : memref<1000000x32xf32, #tpu.memory_space<hbm>>) dst(%dma_wait3A_1160 : memref<128x32xf32, #tpu.memory_space<vmem>>)
    %dma_wait3A_1167 = arith.constant 39 : i32
    %dma_wait3A_1168 = arith.constant 4 : i32
    %dma_wait3A_1169 = arith.constant 0 : i32
    %dma_wait3A_1170 = arith.constant 0 : i32
    %dma_wait3A_1171 = tpu.memref_slice %arg7[%dma_wait3A_1168, %dma_wait3A_1169, %dma_wait3A_1170] : memref<5x128x32xf32, #tpu.memory_space<vmem>> -> memref<1x128x32xf32, #tpu.memory_space<vmem>>
    %dma_wait3A_1172 = tpu.memref_squeeze %dma_wait3A_1171 : memref<1x128x32xf32, #tpu.memory_space<vmem>> -> memref<128x32xf32, #tpu.memory_space<vmem>>
    %dma_wait3A_1173 = arith.constant 0 : i32
    %dma_wait3A_1174 = tpu.memref_slice %arg5[%dma_wait3A_1167, %dma_wait3A_1173] : memref<50x128xi32, #tpu.memory_space<vmem>> -> memref<1x128xi32, #tpu.memory_space<vmem>>
    %dma_wait3A_1175 = tpu.memref_squeeze %dma_wait3A_1174 : memref<1x128xi32, #tpu.memory_space<vmem>> -> memref<128xi32, #tpu.memory_space<vmem>>
    %dma_wait3A_1176 = arith.constant 0 : i32
    %dma_wait3A_1177 = arith.constant 0 : i32
    %dma_wait3A_1178 = tpu.memref_slice %arg2[%dma_wait3A_1176, %dma_wait3A_1177] : memref<1000000x32xf32, #tpu.memory_space<hbm>> -> memref<1000000x32xf32, #tpu.memory_space<hbm>>
    tpu.wait_indirect_dma semaphore(%arg10 : memref<!tpu.dma_semaphore, #tpu.memory_space<semaphore_mem>>) src(%dma_wait3A_1178 : memref<1000000x32xf32, #tpu.memory_space<hbm>>) dst(%dma_wait3A_1172 : memref<128x32xf32, #tpu.memory_space<vmem>>)
    %mul3A_1179 = arith.constant 10 : i32
    %mul3A_1180 = arith.muli %add3A, %mul3A_1179 : i32
    %add3A_1181 = arith.constant 7 : i32
    %add3A_1182 = arith.addi %mul3A_1180, %add3A_1181 : i32
    %dma_start3A_1183 = arith.constant 0 : i32
    %dma_start3A_1184 = arith.constant 0 : i32
    %dma_start3A_1185 = arith.constant 0 : i32
    %dma_start3A_1186 = tpu.memref_slice %arg4[%add3A_1182, %dma_start3A_1183, %dma_start3A_1184, %dma_start3A_1185] : memref<320x5x128x32xf32, #tpu.memory_space<hbm>> -> memref<1x5x128x32xf32, #tpu.memory_space<hbm>>
    %dma_start3A_1187 = tpu.memref_squeeze %dma_start3A_1186 : memref<1x5x128x32xf32, #tpu.memory_space<hbm>> -> memref<5x128x32xf32, #tpu.memory_space<hbm>>
    %dma_start3A_1188 = arith.constant 0 : i32
    %dma_start3A_1189 = arith.constant 0 : i32
    %dma_start3A_1190 = arith.constant 0 : i32
    %dma_start3A_1191 = tpu.memref_slice %arg4[%add3A_1182, %dma_start3A_1188, %dma_start3A_1189, %dma_start3A_1190] : memref<320x5x128x32xf32, #tpu.memory_space<hbm>> -> memref<1x5x128x32xf32, #tpu.memory_space<hbm>>
    %dma_start3A_1192 = tpu.memref_squeeze %dma_start3A_1191 : memref<1x5x128x32xf32, #tpu.memory_space<hbm>> -> memref<5x128x32xf32, #tpu.memory_space<hbm>>
    tpu.enqueue_dma source(%arg7 : memref<5x128x32xf32, #tpu.memory_space<vmem>>) target(%dma_start3A_1192 : memref<5x128x32xf32, #tpu.memory_space<hbm>>) target_semaphore(%arg12 : memref<!tpu.dma_semaphore, #tpu.memory_space<semaphore_mem>>)
    %dma_wait3A_1193 = arith.constant 0 : i32
    %dma_wait3A_1194 = arith.constant 0 : i32
    %dma_wait3A_1195 = arith.constant 0 : i32
    %dma_wait3A_1196 = tpu.memref_slice %arg4[%add3A_1038, %dma_wait3A_1193, %dma_wait3A_1194, %dma_wait3A_1195] : memref<320x5x128x32xf32, #tpu.memory_space<hbm>> -> memref<1x5x128x32xf32, #tpu.memory_space<hbm>>
    %dma_wait3A_1197 = tpu.memref_squeeze %dma_wait3A_1196 : memref<1x5x128x32xf32, #tpu.memory_space<hbm>> -> memref<5x128x32xf32, #tpu.memory_space<hbm>>
    %dma_wait3A_1198 = arith.constant 0 : i32
    %dma_wait3A_1199 = arith.constant 0 : i32
    %dma_wait3A_1200 = arith.constant 0 : i32
    %dma_wait3A_1201 = tpu.memref_slice %arg4[%add3A_1038, %dma_wait3A_1198, %dma_wait3A_1199, %dma_wait3A_1200] : memref<320x5x128x32xf32, #tpu.memory_space<hbm>> -> memref<1x5x128x32xf32, #tpu.memory_space<hbm>>
    %dma_wait3A_1202 = tpu.memref_squeeze %dma_wait3A_1201 : memref<1x5x128x32xf32, #tpu.memory_space<hbm>> -> memref<5x128x32xf32, #tpu.memory_space<hbm>>
    tpu.wait_dma2 semaphore(%arg12 : memref<!tpu.dma_semaphore, #tpu.memory_space<semaphore_mem>>) src(%arg6 : memref<5x128x32xf32, #tpu.memory_space<vmem>>) dst(%dma_wait3A_1202 : memref<5x128x32xf32, #tpu.memory_space<hbm>>)
    %dma_start3A_1203 = arith.constant 45 : i32
    %dma_start3A_1204 = arith.constant 0 : i32
    %dma_start3A_1205 = arith.constant 0 : i32
    %dma_start3A_1206 = arith.constant 0 : i32
    %dma_start3A_1207 = tpu.memref_slice %arg6[%dma_start3A_1204, %dma_start3A_1205, %dma_start3A_1206] : memref<5x128x32xf32, #tpu.memory_space<vmem>> -> memref<1x128x32xf32, #tpu.memory_space<vmem>>
    %dma_start3A_1208 = tpu.memref_squeeze %dma_start3A_1207 : memref<1x128x32xf32, #tpu.memory_space<vmem>> -> memref<128x32xf32, #tpu.memory_space<vmem>>
    %dma_start3A_1209 = arith.constant 0 : i32
    %dma_start3A_1210 = tpu.memref_slice %arg5[%dma_start3A_1203, %dma_start3A_1209] : memref<50x128xi32, #tpu.memory_space<vmem>> -> memref<1x128xi32, #tpu.memory_space<vmem>>
    %dma_start3A_1211 = tpu.memref_squeeze %dma_start3A_1210 : memref<1x128xi32, #tpu.memory_space<vmem>> -> memref<128xi32, #tpu.memory_space<vmem>>
    %dma_start3A_1212 = arith.constant 0 : i32
    %dma_start3A_1213 = arith.constant 0 : i32
    %dma_start3A_1214 = tpu.memref_slice %arg2[%dma_start3A_1212, %dma_start3A_1213] : memref<1000000x32xf32, #tpu.memory_space<hbm>> -> memref<1000000x32xf32, #tpu.memory_space<hbm>>
    tpu.enqueue_indirect_dma source(%dma_start3A_1214 : memref<1000000x32xf32, #tpu.memory_space<hbm>>) target(%dma_start3A_1208 : memref<128x32xf32, #tpu.memory_space<vmem>>) offsets(%dma_start3A_1211 : memref<128xi32, #tpu.memory_space<vmem>>) semaphore(%arg9 : memref<!tpu.dma_semaphore, #tpu.memory_space<semaphore_mem>>)
    %dma_start3A_1215 = arith.constant 46 : i32
    %dma_start3A_1216 = arith.constant 1 : i32
    %dma_start3A_1217 = arith.constant 0 : i32
    %dma_start3A_1218 = arith.constant 0 : i32
    %dma_start3A_1219 = tpu.memref_slice %arg6[%dma_start3A_1216, %dma_start3A_1217, %dma_start3A_1218] : memref<5x128x32xf32, #tpu.memory_space<vmem>> -> memref<1x128x32xf32, #tpu.memory_space<vmem>>
    %dma_start3A_1220 = tpu.memref_squeeze %dma_start3A_1219 : memref<1x128x32xf32, #tpu.memory_space<vmem>> -> memref<128x32xf32, #tpu.memory_space<vmem>>
    %dma_start3A_1221 = arith.constant 0 : i32
    %dma_start3A_1222 = tpu.memref_slice %arg5[%dma_start3A_1215, %dma_start3A_1221] : memref<50x128xi32, #tpu.memory_space<vmem>> -> memref<1x128xi32, #tpu.memory_space<vmem>>
    %dma_start3A_1223 = tpu.memref_squeeze %dma_start3A_1222 : memref<1x128xi32, #tpu.memory_space<vmem>> -> memref<128xi32, #tpu.memory_space<vmem>>
    %dma_start3A_1224 = arith.constant 0 : i32
    %dma_start3A_1225 = arith.constant 0 : i32
    %dma_start3A_1226 = tpu.memref_slice %arg2[%dma_start3A_1224, %dma_start3A_1225] : memref<1000000x32xf32, #tpu.memory_space<hbm>> -> memref<1000000x32xf32, #tpu.memory_space<hbm>>
    tpu.enqueue_indirect_dma source(%dma_start3A_1226 : memref<1000000x32xf32, #tpu.memory_space<hbm>>) target(%dma_start3A_1220 : memref<128x32xf32, #tpu.memory_space<vmem>>) offsets(%dma_start3A_1223 : memref<128xi32, #tpu.memory_space<vmem>>) semaphore(%arg9 : memref<!tpu.dma_semaphore, #tpu.memory_space<semaphore_mem>>)
    %dma_start3A_1227 = arith.constant 47 : i32
    %dma_start3A_1228 = arith.constant 2 : i32
    %dma_start3A_1229 = arith.constant 0 : i32
    %dma_start3A_1230 = arith.constant 0 : i32
    %dma_start3A_1231 = tpu.memref_slice %arg6[%dma_start3A_1228, %dma_start3A_1229, %dma_start3A_1230] : memref<5x128x32xf32, #tpu.memory_space<vmem>> -> memref<1x128x32xf32, #tpu.memory_space<vmem>>
    %dma_start3A_1232 = tpu.memref_squeeze %dma_start3A_1231 : memref<1x128x32xf32, #tpu.memory_space<vmem>> -> memref<128x32xf32, #tpu.memory_space<vmem>>
    %dma_start3A_1233 = arith.constant 0 : i32
    %dma_start3A_1234 = tpu.memref_slice %arg5[%dma_start3A_1227, %dma_start3A_1233] : memref<50x128xi32, #tpu.memory_space<vmem>> -> memref<1x128xi32, #tpu.memory_space<vmem>>
    %dma_start3A_1235 = tpu.memref_squeeze %dma_start3A_1234 : memref<1x128xi32, #tpu.memory_space<vmem>> -> memref<128xi32, #tpu.memory_space<vmem>>
    %dma_start3A_1236 = arith.constant 0 : i32
    %dma_start3A_1237 = arith.constant 0 : i32
    %dma_start3A_1238 = tpu.memref_slice %arg2[%dma_start3A_1236, %dma_start3A_1237] : memref<1000000x32xf32, #tpu.memory_space<hbm>> -> memref<1000000x32xf32, #tpu.memory_space<hbm>>
    tpu.enqueue_indirect_dma source(%dma_start3A_1238 : memref<1000000x32xf32, #tpu.memory_space<hbm>>) target(%dma_start3A_1232 : memref<128x32xf32, #tpu.memory_space<vmem>>) offsets(%dma_start3A_1235 : memref<128xi32, #tpu.memory_space<vmem>>) semaphore(%arg9 : memref<!tpu.dma_semaphore, #tpu.memory_space<semaphore_mem>>)
    %dma_start3A_1239 = arith.constant 48 : i32
    %dma_start3A_1240 = arith.constant 3 : i32
    %dma_start3A_1241 = arith.constant 0 : i32
    %dma_start3A_1242 = arith.constant 0 : i32
    %dma_start3A_1243 = tpu.memref_slice %arg6[%dma_start3A_1240, %dma_start3A_1241, %dma_start3A_1242] : memref<5x128x32xf32, #tpu.memory_space<vmem>> -> memref<1x128x32xf32, #tpu.memory_space<vmem>>
    %dma_start3A_1244 = tpu.memref_squeeze %dma_start3A_1243 : memref<1x128x32xf32, #tpu.memory_space<vmem>> -> memref<128x32xf32, #tpu.memory_space<vmem>>
    %dma_start3A_1245 = arith.constant 0 : i32
    %dma_start3A_1246 = tpu.memref_slice %arg5[%dma_start3A_1239, %dma_start3A_1245] : memref<50x128xi32, #tpu.memory_space<vmem>> -> memref<1x128xi32, #tpu.memory_space<vmem>>
    %dma_start3A_1247 = tpu.memref_squeeze %dma_start3A_1246 : memref<1x128xi32, #tpu.memory_space<vmem>> -> memref<128xi32, #tpu.memory_space<vmem>>
    %dma_start3A_1248 = arith.constant 0 : i32
    %dma_start3A_1249 = arith.constant 0 : i32
    %dma_start3A_1250 = tpu.memref_slice %arg2[%dma_start3A_1248, %dma_start3A_1249] : memref<1000000x32xf32, #tpu.memory_space<hbm>> -> memref<1000000x32xf32, #tpu.memory_space<hbm>>
    tpu.enqueue_indirect_dma source(%dma_start3A_1250 : memref<1000000x32xf32, #tpu.memory_space<hbm>>) target(%dma_start3A_1244 : memref<128x32xf32, #tpu.memory_space<vmem>>) offsets(%dma_start3A_1247 : memref<128xi32, #tpu.memory_space<vmem>>) semaphore(%arg9 : memref<!tpu.dma_semaphore, #tpu.memory_space<semaphore_mem>>)
    %dma_start3A_1251 = arith.constant 49 : i32
    %dma_start3A_1252 = arith.constant 4 : i32
    %dma_start3A_1253 = arith.constant 0 : i32
    %dma_start3A_1254 = arith.constant 0 : i32
    %dma_start3A_1255 = tpu.memref_slice %arg6[%dma_start3A_1252, %dma_start3A_1253, %dma_start3A_1254] : memref<5x128x32xf32, #tpu.memory_space<vmem>> -> memref<1x128x32xf32, #tpu.memory_space<vmem>>
    %dma_start3A_1256 = tpu.memref_squeeze %dma_start3A_1255 : memref<1x128x32xf32, #tpu.memory_space<vmem>> -> memref<128x32xf32, #tpu.memory_space<vmem>>
    %dma_start3A_1257 = arith.constant 0 : i32
    %dma_start3A_1258 = tpu.memref_slice %arg5[%dma_start3A_1251, %dma_start3A_1257] : memref<50x128xi32, #tpu.memory_space<vmem>> -> memref<1x128xi32, #tpu.memory_space<vmem>>
    %dma_start3A_1259 = tpu.memref_squeeze %dma_start3A_1258 : memref<1x128xi32, #tpu.memory_space<vmem>> -> memref<128xi32, #tpu.memory_space<vmem>>
    %dma_start3A_1260 = arith.constant 0 : i32
    %dma_start3A_1261 = arith.constant 0 : i32
    %dma_start3A_1262 = tpu.memref_slice %arg2[%dma_start3A_1260, %dma_start3A_1261] : memref<1000000x32xf32, #tpu.memory_space<hbm>> -> memref<1000000x32xf32, #tpu.memory_space<hbm>>
    tpu.enqueue_indirect_dma source(%dma_start3A_1262 : memref<1000000x32xf32, #tpu.memory_space<hbm>>) target(%dma_start3A_1256 : memref<128x32xf32, #tpu.memory_space<vmem>>) offsets(%dma_start3A_1259 : memref<128xi32, #tpu.memory_space<vmem>>) semaphore(%arg9 : memref<!tpu.dma_semaphore, #tpu.memory_space<semaphore_mem>>)
    %dma_wait3A_1263 = arith.constant 40 : i32
    %dma_wait3A_1264 = arith.constant 0 : i32
    %dma_wait3A_1265 = arith.constant 0 : i32
    %dma_wait3A_1266 = arith.constant 0 : i32
    %dma_wait3A_1267 = tpu.memref_slice %arg8[%dma_wait3A_1264, %dma_wait3A_1265, %dma_wait3A_1266] : memref<5x128x32xf32, #tpu.memory_space<vmem>> -> memref<1x128x32xf32, #tpu.memory_space<vmem>>
    %dma_wait3A_1268 = tpu.memref_squeeze %dma_wait3A_1267 : memref<1x128x32xf32, #tpu.memory_space<vmem>> -> memref<128x32xf32, #tpu.memory_space<vmem>>
    %dma_wait3A_1269 = arith.constant 0 : i32
    %dma_wait3A_1270 = tpu.memref_slice %arg5[%dma_wait3A_1263, %dma_wait3A_1269] : memref<50x128xi32, #tpu.memory_space<vmem>> -> memref<1x128xi32, #tpu.memory_space<vmem>>
    %dma_wait3A_1271 = tpu.memref_squeeze %dma_wait3A_1270 : memref<1x128xi32, #tpu.memory_space<vmem>> -> memref<128xi32, #tpu.memory_space<vmem>>
    %dma_wait3A_1272 = arith.constant 0 : i32
    %dma_wait3A_1273 = arith.constant 0 : i32
    %dma_wait3A_1274 = tpu.memref_slice %arg2[%dma_wait3A_1272, %dma_wait3A_1273] : memref<1000000x32xf32, #tpu.memory_space<hbm>> -> memref<1000000x32xf32, #tpu.memory_space<hbm>>
    tpu.wait_indirect_dma semaphore(%arg11 : memref<!tpu.dma_semaphore, #tpu.memory_space<semaphore_mem>>) src(%dma_wait3A_1274 : memref<1000000x32xf32, #tpu.memory_space<hbm>>) dst(%dma_wait3A_1268 : memref<128x32xf32, #tpu.memory_space<vmem>>)
    %dma_wait3A_1275 = arith.constant 41 : i32
    %dma_wait3A_1276 = arith.constant 1 : i32
    %dma_wait3A_1277 = arith.constant 0 : i32
    %dma_wait3A_1278 = arith.constant 0 : i32
    %dma_wait3A_1279 = tpu.memref_slice %arg8[%dma_wait3A_1276, %dma_wait3A_1277, %dma_wait3A_1278] : memref<5x128x32xf32, #tpu.memory_space<vmem>> -> memref<1x128x32xf32, #tpu.memory_space<vmem>>
    %dma_wait3A_1280 = tpu.memref_squeeze %dma_wait3A_1279 : memref<1x128x32xf32, #tpu.memory_space<vmem>> -> memref<128x32xf32, #tpu.memory_space<vmem>>
    %dma_wait3A_1281 = arith.constant 0 : i32
    %dma_wait3A_1282 = tpu.memref_slice %arg5[%dma_wait3A_1275, %dma_wait3A_1281] : memref<50x128xi32, #tpu.memory_space<vmem>> -> memref<1x128xi32, #tpu.memory_space<vmem>>
    %dma_wait3A_1283 = tpu.memref_squeeze %dma_wait3A_1282 : memref<1x128xi32, #tpu.memory_space<vmem>> -> memref<128xi32, #tpu.memory_space<vmem>>
    %dma_wait3A_1284 = arith.constant 0 : i32
    %dma_wait3A_1285 = arith.constant 0 : i32
    %dma_wait3A_1286 = tpu.memref_slice %arg2[%dma_wait3A_1284, %dma_wait3A_1285] : memref<1000000x32xf32, #tpu.memory_space<hbm>> -> memref<1000000x32xf32, #tpu.memory_space<hbm>>
    tpu.wait_indirect_dma semaphore(%arg11 : memref<!tpu.dma_semaphore, #tpu.memory_space<semaphore_mem>>) src(%dma_wait3A_1286 : memref<1000000x32xf32, #tpu.memory_space<hbm>>) dst(%dma_wait3A_1280 : memref<128x32xf32, #tpu.memory_space<vmem>>)
    %dma_wait3A_1287 = arith.constant 42 : i32
    %dma_wait3A_1288 = arith.constant 2 : i32
    %dma_wait3A_1289 = arith.constant 0 : i32
    %dma_wait3A_1290 = arith.constant 0 : i32
    %dma_wait3A_1291 = tpu.memref_slice %arg8[%dma_wait3A_1288, %dma_wait3A_1289, %dma_wait3A_1290] : memref<5x128x32xf32, #tpu.memory_space<vmem>> -> memref<1x128x32xf32, #tpu.memory_space<vmem>>
    %dma_wait3A_1292 = tpu.memref_squeeze %dma_wait3A_1291 : memref<1x128x32xf32, #tpu.memory_space<vmem>> -> memref<128x32xf32, #tpu.memory_space<vmem>>
    %dma_wait3A_1293 = arith.constant 0 : i32
    %dma_wait3A_1294 = tpu.memref_slice %arg5[%dma_wait3A_1287, %dma_wait3A_1293] : memref<50x128xi32, #tpu.memory_space<vmem>> -> memref<1x128xi32, #tpu.memory_space<vmem>>
    %dma_wait3A_1295 = tpu.memref_squeeze %dma_wait3A_1294 : memref<1x128xi32, #tpu.memory_space<vmem>> -> memref<128xi32, #tpu.memory_space<vmem>>
    %dma_wait3A_1296 = arith.constant 0 : i32
    %dma_wait3A_1297 = arith.constant 0 : i32
    %dma_wait3A_1298 = tpu.memref_slice %arg2[%dma_wait3A_1296, %dma_wait3A_1297] : memref<1000000x32xf32, #tpu.memory_space<hbm>> -> memref<1000000x32xf32, #tpu.memory_space<hbm>>
    tpu.wait_indirect_dma semaphore(%arg11 : memref<!tpu.dma_semaphore, #tpu.memory_space<semaphore_mem>>) src(%dma_wait3A_1298 : memref<1000000x32xf32, #tpu.memory_space<hbm>>) dst(%dma_wait3A_1292 : memref<128x32xf32, #tpu.memory_space<vmem>>)
    %dma_wait3A_1299 = arith.constant 43 : i32
    %dma_wait3A_1300 = arith.constant 3 : i32
    %dma_wait3A_1301 = arith.constant 0 : i32
    %dma_wait3A_1302 = arith.constant 0 : i32
    %dma_wait3A_1303 = tpu.memref_slice %arg8[%dma_wait3A_1300, %dma_wait3A_1301, %dma_wait3A_1302] : memref<5x128x32xf32, #tpu.memory_space<vmem>> -> memref<1x128x32xf32, #tpu.memory_space<vmem>>
    %dma_wait3A_1304 = tpu.memref_squeeze %dma_wait3A_1303 : memref<1x128x32xf32, #tpu.memory_space<vmem>> -> memref<128x32xf32, #tpu.memory_space<vmem>>
    %dma_wait3A_1305 = arith.constant 0 : i32
    %dma_wait3A_1306 = tpu.memref_slice %arg5[%dma_wait3A_1299, %dma_wait3A_1305] : memref<50x128xi32, #tpu.memory_space<vmem>> -> memref<1x128xi32, #tpu.memory_space<vmem>>
    %dma_wait3A_1307 = tpu.memref_squeeze %dma_wait3A_1306 : memref<1x128xi32, #tpu.memory_space<vmem>> -> memref<128xi32, #tpu.memory_space<vmem>>
    %dma_wait3A_1308 = arith.constant 0 : i32
    %dma_wait3A_1309 = arith.constant 0 : i32
    %dma_wait3A_1310 = tpu.memref_slice %arg2[%dma_wait3A_1308, %dma_wait3A_1309] : memref<1000000x32xf32, #tpu.memory_space<hbm>> -> memref<1000000x32xf32, #tpu.memory_space<hbm>>
    tpu.wait_indirect_dma semaphore(%arg11 : memref<!tpu.dma_semaphore, #tpu.memory_space<semaphore_mem>>) src(%dma_wait3A_1310 : memref<1000000x32xf32, #tpu.memory_space<hbm>>) dst(%dma_wait3A_1304 : memref<128x32xf32, #tpu.memory_space<vmem>>)
    %dma_wait3A_1311 = arith.constant 44 : i32
    %dma_wait3A_1312 = arith.constant 4 : i32
    %dma_wait3A_1313 = arith.constant 0 : i32
    %dma_wait3A_1314 = arith.constant 0 : i32
    %dma_wait3A_1315 = tpu.memref_slice %arg8[%dma_wait3A_1312, %dma_wait3A_1313, %dma_wait3A_1314] : memref<5x128x32xf32, #tpu.memory_space<vmem>> -> memref<1x128x32xf32, #tpu.memory_space<vmem>>
    %dma_wait3A_1316 = tpu.memref_squeeze %dma_wait3A_1315 : memref<1x128x32xf32, #tpu.memory_space<vmem>> -> memref<128x32xf32, #tpu.memory_space<vmem>>
    %dma_wait3A_1317 = arith.constant 0 : i32
    %dma_wait3A_1318 = tpu.memref_slice %arg5[%dma_wait3A_1311, %dma_wait3A_1317] : memref<50x128xi32, #tpu.memory_space<vmem>> -> memref<1x128xi32, #tpu.memory_space<vmem>>
    %dma_wait3A_1319 = tpu.memref_squeeze %dma_wait3A_1318 : memref<1x128xi32, #tpu.memory_space<vmem>> -> memref<128xi32, #tpu.memory_space<vmem>>
    %dma_wait3A_1320 = arith.constant 0 : i32
    %dma_wait3A_1321 = arith.constant 0 : i32
    %dma_wait3A_1322 = tpu.memref_slice %arg2[%dma_wait3A_1320, %dma_wait3A_1321] : memref<1000000x32xf32, #tpu.memory_space<hbm>> -> memref<1000000x32xf32, #tpu.memory_space<hbm>>
    tpu.wait_indirect_dma semaphore(%arg11 : memref<!tpu.dma_semaphore, #tpu.memory_space<semaphore_mem>>) src(%dma_wait3A_1322 : memref<1000000x32xf32, #tpu.memory_space<hbm>>) dst(%dma_wait3A_1316 : memref<128x32xf32, #tpu.memory_space<vmem>>)
    %mul3A_1323 = arith.constant 10 : i32
    %mul3A_1324 = arith.muli %add3A, %mul3A_1323 : i32
    %add3A_1325 = arith.constant 8 : i32
    %add3A_1326 = arith.addi %mul3A_1324, %add3A_1325 : i32
    %dma_start3A_1327 = arith.constant 0 : i32
    %dma_start3A_1328 = arith.constant 0 : i32
    %dma_start3A_1329 = arith.constant 0 : i32
    %dma_start3A_1330 = tpu.memref_slice %arg4[%add3A_1326, %dma_start3A_1327, %dma_start3A_1328, %dma_start3A_1329] : memref<320x5x128x32xf32, #tpu.memory_space<hbm>> -> memref<1x5x128x32xf32, #tpu.memory_space<hbm>>
    %dma_start3A_1331 = tpu.memref_squeeze %dma_start3A_1330 : memref<1x5x128x32xf32, #tpu.memory_space<hbm>> -> memref<5x128x32xf32, #tpu.memory_space<hbm>>
    %dma_start3A_1332 = arith.constant 0 : i32
    %dma_start3A_1333 = arith.constant 0 : i32
    %dma_start3A_1334 = arith.constant 0 : i32
    %dma_start3A_1335 = tpu.memref_slice %arg4[%add3A_1326, %dma_start3A_1332, %dma_start3A_1333, %dma_start3A_1334] : memref<320x5x128x32xf32, #tpu.memory_space<hbm>> -> memref<1x5x128x32xf32, #tpu.memory_space<hbm>>
    %dma_start3A_1336 = tpu.memref_squeeze %dma_start3A_1335 : memref<1x5x128x32xf32, #tpu.memory_space<hbm>> -> memref<5x128x32xf32, #tpu.memory_space<hbm>>
    tpu.enqueue_dma source(%arg8 : memref<5x128x32xf32, #tpu.memory_space<vmem>>) target(%dma_start3A_1336 : memref<5x128x32xf32, #tpu.memory_space<hbm>>) target_semaphore(%arg12 : memref<!tpu.dma_semaphore, #tpu.memory_space<semaphore_mem>>)
    %dma_wait3A_1337 = arith.constant 45 : i32
    %dma_wait3A_1338 = arith.constant 0 : i32
    %dma_wait3A_1339 = arith.constant 0 : i32
    %dma_wait3A_1340 = arith.constant 0 : i32
    %dma_wait3A_1341 = tpu.memref_slice %arg6[%dma_wait3A_1338, %dma_wait3A_1339, %dma_wait3A_1340] : memref<5x128x32xf32, #tpu.memory_space<vmem>> -> memref<1x128x32xf32, #tpu.memory_space<vmem>>
    %dma_wait3A_1342 = tpu.memref_squeeze %dma_wait3A_1341 : memref<1x128x32xf32, #tpu.memory_space<vmem>> -> memref<128x32xf32, #tpu.memory_space<vmem>>
    %dma_wait3A_1343 = arith.constant 0 : i32
    %dma_wait3A_1344 = tpu.memref_slice %arg5[%dma_wait3A_1337, %dma_wait3A_1343] : memref<50x128xi32, #tpu.memory_space<vmem>> -> memref<1x128xi32, #tpu.memory_space<vmem>>
    %dma_wait3A_1345 = tpu.memref_squeeze %dma_wait3A_1344 : memref<1x128xi32, #tpu.memory_space<vmem>> -> memref<128xi32, #tpu.memory_space<vmem>>
    %dma_wait3A_1346 = arith.constant 0 : i32
    %dma_wait3A_1347 = arith.constant 0 : i32
    %dma_wait3A_1348 = tpu.memref_slice %arg2[%dma_wait3A_1346, %dma_wait3A_1347] : memref<1000000x32xf32, #tpu.memory_space<hbm>> -> memref<1000000x32xf32, #tpu.memory_space<hbm>>
    tpu.wait_indirect_dma semaphore(%arg9 : memref<!tpu.dma_semaphore, #tpu.memory_space<semaphore_mem>>) src(%dma_wait3A_1348 : memref<1000000x32xf32, #tpu.memory_space<hbm>>) dst(%dma_wait3A_1342 : memref<128x32xf32, #tpu.memory_space<vmem>>)
    %dma_wait3A_1349 = arith.constant 46 : i32
    %dma_wait3A_1350 = arith.constant 1 : i32
    %dma_wait3A_1351 = arith.constant 0 : i32
    %dma_wait3A_1352 = arith.constant 0 : i32
    %dma_wait3A_1353 = tpu.memref_slice %arg6[%dma_wait3A_1350, %dma_wait3A_1351, %dma_wait3A_1352] : memref<5x128x32xf32, #tpu.memory_space<vmem>> -> memref<1x128x32xf32, #tpu.memory_space<vmem>>
    %dma_wait3A_1354 = tpu.memref_squeeze %dma_wait3A_1353 : memref<1x128x32xf32, #tpu.memory_space<vmem>> -> memref<128x32xf32, #tpu.memory_space<vmem>>
    %dma_wait3A_1355 = arith.constant 0 : i32
    %dma_wait3A_1356 = tpu.memref_slice %arg5[%dma_wait3A_1349, %dma_wait3A_1355] : memref<50x128xi32, #tpu.memory_space<vmem>> -> memref<1x128xi32, #tpu.memory_space<vmem>>
    %dma_wait3A_1357 = tpu.memref_squeeze %dma_wait3A_1356 : memref<1x128xi32, #tpu.memory_space<vmem>> -> memref<128xi32, #tpu.memory_space<vmem>>
    %dma_wait3A_1358 = arith.constant 0 : i32
    %dma_wait3A_1359 = arith.constant 0 : i32
    %dma_wait3A_1360 = tpu.memref_slice %arg2[%dma_wait3A_1358, %dma_wait3A_1359] : memref<1000000x32xf32, #tpu.memory_space<hbm>> -> memref<1000000x32xf32, #tpu.memory_space<hbm>>
    tpu.wait_indirect_dma semaphore(%arg9 : memref<!tpu.dma_semaphore, #tpu.memory_space<semaphore_mem>>) src(%dma_wait3A_1360 : memref<1000000x32xf32, #tpu.memory_space<hbm>>) dst(%dma_wait3A_1354 : memref<128x32xf32, #tpu.memory_space<vmem>>)
    %dma_wait3A_1361 = arith.constant 47 : i32
    %dma_wait3A_1362 = arith.constant 2 : i32
    %dma_wait3A_1363 = arith.constant 0 : i32
    %dma_wait3A_1364 = arith.constant 0 : i32
    %dma_wait3A_1365 = tpu.memref_slice %arg6[%dma_wait3A_1362, %dma_wait3A_1363, %dma_wait3A_1364] : memref<5x128x32xf32, #tpu.memory_space<vmem>> -> memref<1x128x32xf32, #tpu.memory_space<vmem>>
    %dma_wait3A_1366 = tpu.memref_squeeze %dma_wait3A_1365 : memref<1x128x32xf32, #tpu.memory_space<vmem>> -> memref<128x32xf32, #tpu.memory_space<vmem>>
    %dma_wait3A_1367 = arith.constant 0 : i32
    %dma_wait3A_1368 = tpu.memref_slice %arg5[%dma_wait3A_1361, %dma_wait3A_1367] : memref<50x128xi32, #tpu.memory_space<vmem>> -> memref<1x128xi32, #tpu.memory_space<vmem>>
    %dma_wait3A_1369 = tpu.memref_squeeze %dma_wait3A_1368 : memref<1x128xi32, #tpu.memory_space<vmem>> -> memref<128xi32, #tpu.memory_space<vmem>>
    %dma_wait3A_1370 = arith.constant 0 : i32
    %dma_wait3A_1371 = arith.constant 0 : i32
    %dma_wait3A_1372 = tpu.memref_slice %arg2[%dma_wait3A_1370, %dma_wait3A_1371] : memref<1000000x32xf32, #tpu.memory_space<hbm>> -> memref<1000000x32xf32, #tpu.memory_space<hbm>>
    tpu.wait_indirect_dma semaphore(%arg9 : memref<!tpu.dma_semaphore, #tpu.memory_space<semaphore_mem>>) src(%dma_wait3A_1372 : memref<1000000x32xf32, #tpu.memory_space<hbm>>) dst(%dma_wait3A_1366 : memref<128x32xf32, #tpu.memory_space<vmem>>)
    %dma_wait3A_1373 = arith.constant 48 : i32
    %dma_wait3A_1374 = arith.constant 3 : i32
    %dma_wait3A_1375 = arith.constant 0 : i32
    %dma_wait3A_1376 = arith.constant 0 : i32
    %dma_wait3A_1377 = tpu.memref_slice %arg6[%dma_wait3A_1374, %dma_wait3A_1375, %dma_wait3A_1376] : memref<5x128x32xf32, #tpu.memory_space<vmem>> -> memref<1x128x32xf32, #tpu.memory_space<vmem>>
    %dma_wait3A_1378 = tpu.memref_squeeze %dma_wait3A_1377 : memref<1x128x32xf32, #tpu.memory_space<vmem>> -> memref<128x32xf32, #tpu.memory_space<vmem>>
    %dma_wait3A_1379 = arith.constant 0 : i32
    %dma_wait3A_1380 = tpu.memref_slice %arg5[%dma_wait3A_1373, %dma_wait3A_1379] : memref<50x128xi32, #tpu.memory_space<vmem>> -> memref<1x128xi32, #tpu.memory_space<vmem>>
    %dma_wait3A_1381 = tpu.memref_squeeze %dma_wait3A_1380 : memref<1x128xi32, #tpu.memory_space<vmem>> -> memref<128xi32, #tpu.memory_space<vmem>>
    %dma_wait3A_1382 = arith.constant 0 : i32
    %dma_wait3A_1383 = arith.constant 0 : i32
    %dma_wait3A_1384 = tpu.memref_slice %arg2[%dma_wait3A_1382, %dma_wait3A_1383] : memref<1000000x32xf32, #tpu.memory_space<hbm>> -> memref<1000000x32xf32, #tpu.memory_space<hbm>>
    tpu.wait_indirect_dma semaphore(%arg9 : memref<!tpu.dma_semaphore, #tpu.memory_space<semaphore_mem>>) src(%dma_wait3A_1384 : memref<1000000x32xf32, #tpu.memory_space<hbm>>) dst(%dma_wait3A_1378 : memref<128x32xf32, #tpu.memory_space<vmem>>)
    %dma_wait3A_1385 = arith.constant 49 : i32
    %dma_wait3A_1386 = arith.constant 4 : i32
    %dma_wait3A_1387 = arith.constant 0 : i32
    %dma_wait3A_1388 = arith.constant 0 : i32
    %dma_wait3A_1389 = tpu.memref_slice %arg6[%dma_wait3A_1386, %dma_wait3A_1387, %dma_wait3A_1388] : memref<5x128x32xf32, #tpu.memory_space<vmem>> -> memref<1x128x32xf32, #tpu.memory_space<vmem>>
    %dma_wait3A_1390 = tpu.memref_squeeze %dma_wait3A_1389 : memref<1x128x32xf32, #tpu.memory_space<vmem>> -> memref<128x32xf32, #tpu.memory_space<vmem>>
    %dma_wait3A_1391 = arith.constant 0 : i32
    %dma_wait3A_1392 = tpu.memref_slice %arg5[%dma_wait3A_1385, %dma_wait3A_1391] : memref<50x128xi32, #tpu.memory_space<vmem>> -> memref<1x128xi32, #tpu.memory_space<vmem>>
    %dma_wait3A_1393 = tpu.memref_squeeze %dma_wait3A_1392 : memref<1x128xi32, #tpu.memory_space<vmem>> -> memref<128xi32, #tpu.memory_space<vmem>>
    %dma_wait3A_1394 = arith.constant 0 : i32
    %dma_wait3A_1395 = arith.constant 0 : i32
    %dma_wait3A_1396 = tpu.memref_slice %arg2[%dma_wait3A_1394, %dma_wait3A_1395] : memref<1000000x32xf32, #tpu.memory_space<hbm>> -> memref<1000000x32xf32, #tpu.memory_space<hbm>>
    tpu.wait_indirect_dma semaphore(%arg9 : memref<!tpu.dma_semaphore, #tpu.memory_space<semaphore_mem>>) src(%dma_wait3A_1396 : memref<1000000x32xf32, #tpu.memory_space<hbm>>) dst(%dma_wait3A_1390 : memref<128x32xf32, #tpu.memory_space<vmem>>)
    %mul3A_1397 = arith.constant 10 : i32
    %mul3A_1398 = arith.muli %add3A, %mul3A_1397 : i32
    %add3A_1399 = arith.constant 9 : i32
    %add3A_1400 = arith.addi %mul3A_1398, %add3A_1399 : i32
    %dma_start3A_1401 = arith.constant 0 : i32
    %dma_start3A_1402 = arith.constant 0 : i32
    %dma_start3A_1403 = arith.constant 0 : i32
    %dma_start3A_1404 = tpu.memref_slice %arg4[%add3A_1400, %dma_start3A_1401, %dma_start3A_1402, %dma_start3A_1403] : memref<320x5x128x32xf32, #tpu.memory_space<hbm>> -> memref<1x5x128x32xf32, #tpu.memory_space<hbm>>
    %dma_start3A_1405 = tpu.memref_squeeze %dma_start3A_1404 : memref<1x5x128x32xf32, #tpu.memory_space<hbm>> -> memref<5x128x32xf32, #tpu.memory_space<hbm>>
    %dma_start3A_1406 = arith.constant 0 : i32
    %dma_start3A_1407 = arith.constant 0 : i32
    %dma_start3A_1408 = arith.constant 0 : i32
    %dma_start3A_1409 = tpu.memref_slice %arg4[%add3A_1400, %dma_start3A_1406, %dma_start3A_1407, %dma_start3A_1408] : memref<320x5x128x32xf32, #tpu.memory_space<hbm>> -> memref<1x5x128x32xf32, #tpu.memory_space<hbm>>
    %dma_start3A_1410 = tpu.memref_squeeze %dma_start3A_1409 : memref<1x5x128x32xf32, #tpu.memory_space<hbm>> -> memref<5x128x32xf32, #tpu.memory_space<hbm>>
    tpu.enqueue_dma source(%arg6 : memref<5x128x32xf32, #tpu.memory_space<vmem>>) target(%dma_start3A_1410 : memref<5x128x32xf32, #tpu.memory_space<hbm>>) target_semaphore(%arg12 : memref<!tpu.dma_semaphore, #tpu.memory_space<semaphore_mem>>)
    %dma_wait3A_1411 = arith.constant 0 : i32
    %dma_wait3A_1412 = arith.constant 0 : i32
    %dma_wait3A_1413 = arith.constant 0 : i32
    %dma_wait3A_1414 = tpu.memref_slice %arg4[%add3A_1326, %dma_wait3A_1411, %dma_wait3A_1412, %dma_wait3A_1413] : memref<320x5x128x32xf32, #tpu.memory_space<hbm>> -> memref<1x5x128x32xf32, #tpu.memory_space<hbm>>
    %dma_wait3A_1415 = tpu.memref_squeeze %dma_wait3A_1414 : memref<1x5x128x32xf32, #tpu.memory_space<hbm>> -> memref<5x128x32xf32, #tpu.memory_space<hbm>>
    %dma_wait3A_1416 = arith.constant 0 : i32
    %dma_wait3A_1417 = arith.constant 0 : i32
    %dma_wait3A_1418 = arith.constant 0 : i32
    %dma_wait3A_1419 = tpu.memref_slice %arg4[%add3A_1326, %dma_wait3A_1416, %dma_wait3A_1417, %dma_wait3A_1418] : memref<320x5x128x32xf32, #tpu.memory_space<hbm>> -> memref<1x5x128x32xf32, #tpu.memory_space<hbm>>
    %dma_wait3A_1420 = tpu.memref_squeeze %dma_wait3A_1419 : memref<1x5x128x32xf32, #tpu.memory_space<hbm>> -> memref<5x128x32xf32, #tpu.memory_space<hbm>>
    tpu.wait_dma2 semaphore(%arg12 : memref<!tpu.dma_semaphore, #tpu.memory_space<semaphore_mem>>) src(%arg8 : memref<5x128x32xf32, #tpu.memory_space<vmem>>) dst(%dma_wait3A_1420 : memref<5x128x32xf32, #tpu.memory_space<hbm>>)
    %dma_wait3A_1421 = arith.constant 0 : i32
    %dma_wait3A_1422 = arith.constant 0 : i32
    %dma_wait3A_1423 = arith.constant 0 : i32
    %dma_wait3A_1424 = tpu.memref_slice %arg4[%add3A_1400, %dma_wait3A_1421, %dma_wait3A_1422, %dma_wait3A_1423] : memref<320x5x128x32xf32, #tpu.memory_space<hbm>> -> memref<1x5x128x32xf32, #tpu.memory_space<hbm>>
    %dma_wait3A_1425 = tpu.memref_squeeze %dma_wait3A_1424 : memref<1x5x128x32xf32, #tpu.memory_space<hbm>> -> memref<5x128x32xf32, #tpu.memory_space<hbm>>
    %dma_wait3A_1426 = arith.constant 0 : i32
    %dma_wait3A_1427 = arith.constant 0 : i32
    %dma_wait3A_1428 = arith.constant 0 : i32
    %dma_wait3A_1429 = tpu.memref_slice %arg4[%add3A_1400, %dma_wait3A_1426, %dma_wait3A_1427, %dma_wait3A_1428] : memref<320x5x128x32xf32, #tpu.memory_space<hbm>> -> memref<1x5x128x32xf32, #tpu.memory_space<hbm>>
    %dma_wait3A_1430 = tpu.memref_squeeze %dma_wait3A_1429 : memref<1x5x128x32xf32, #tpu.memory_space<hbm>> -> memref<5x128x32xf32, #tpu.memory_space<hbm>>
    tpu.wait_dma2 semaphore(%arg12 : memref<!tpu.dma_semaphore, #tpu.memory_space<semaphore_mem>>) src(%arg6 : memref<5x128x32xf32, #tpu.memory_space<vmem>>) dst(%dma_wait3A_1430 : memref<5x128x32xf32, #tpu.memory_space<hbm>>)
    return
  }
}

</mosaic_0001>

<sc_bundles>
// kernel: kernel.3.cloned.1.call-start
scs
__scs_entry_jumppad:
0x0: {  	(pc) =	sbr.rel $0x88, $3  }
0x1: {  	(tag) =	ssettag $0x0;
	lr =	simm.s32 $0x1  }
0x2: {  	[smem:$0x3F9F] =	sst lr;
	_ =	strace $0xD0000000  }
0x3: {  	_ = 	snop  }
0x4: {  	_ = 	snop  }
0x5: {  	_ = 	snop  }
0x6: {  	_ = 	snop  }
0x7: {  	_ = 	snop  }
__scs_overlays_trampoline_lowered:
0x8: {  	[smem:$0x3FAE] =	sst s0  }
0x9: {  	[smem:$0x3FAF] =	sst s1  }
0xa: {  	[smem:$0x3FB0] =	sst s2  }
0xb: {  	[smem:$0x3FB1] =	sst s3  }
0xc: {  	[smem:$0x3FB2] =	sst s4  }
0xd: {  	[smem:$0x3FB3] =	sst s5  }
0xe: {  	[smem:$0x3FB4] =	sst s6  }
0xf: {  	[smem:$0x3FB5] =	sst s7  }
0x10: {  	[smem:$0x3FB6] =	sst s8  }
0x11: {  	[smem:$0x3FB7] =	sst s9;
	s0 =	simm.s32 @!p0 $0x0  }
0x12: {  	s1 =	sld [smem:$0x3F9D];
	s0 =	simm.s32 @p0 $0x1  }
0x13: {  	[smem:$0x3FB8] =	sst s0;
	s0 =	simm.s32 @!p1 $0x0  }
0x14: {  	s2 =	sld [smem:$0x3F9C];
	s0 =	simm.s32 @p1 $0x1  }
0x15: {  	[smem:$0x3FB9] =	sst s0;
	s0 =	simm.s32 @!p2 $0x0  }
0x16: {  	s3 =	sld [smem:$0x3FDB];
	s0 =	simm.s32 @p2 $0x1  }
0x17: {  	s4 =	simm.s32 $0x1BF5;
	[smem:$0x3FBB] =	sst s0  }
0x18: {  	s0 =	sld [smem:$0x3F9E];
	_ =	swait.ge [sflag:s4], $0x0  }
0x19: {  	s7 =	sld [smem:$0x3F9F]  }
0x1a: {  	s8 =	sadd.s32 $0xFFFFE003, lr  }
0x1b: {  	s9 =	sadd.s32 $0xFFFFFEF7, lr;
	s5 =	simm.s32 $0xFFFFFFFF;
	p2 =	slt.u32 s8, $0xFFFFF086  }
0x1c: {  	p1 =	slt.u32 s9, $0xF7A;
	s5 =	simm.s32 @!p2 $0x0  }
0x1d: {  	s5 =	simm.s32 @p1 $0x1;
	p0 =	seq.s32 s7, s2  }
0x1e: {  	s7 =	smul.u32 @!p0 $0xF7A, s2;
	p2 =	seq.s32 @!p0 s5, $0x0  }
0x1f: {  	s9 =	smul.u32 $0xF7A, s1;
	s8 =	simm.s32 @!p0 $0x1BF5;
	p2 =	por !p2, p0  }
0x20: {  	[sflag:s8] =	ssyncset.s32 @!p0 $0xFFFFF086;
	s6 =	sadd.s32 @!p0 s3, s7;
	s7 =	simm.s32 @!p0 $0x108  }
0x21: {  	s3 =	sadd.s32 s3, s9;
	s6 =	sadd.s32 @!p0 $0x88, s6;
	s7 =	simm.s32 @p2 $0x1082  }
0x22: {  	[simem:s7], [sflag:s8] =	dma.local @!p0 [hbm:s6], $0xF7A  }
0x23: {  	s9 =	sor.u32 $0xD0000000, s2;
	s6 =	simm.s32 $0x108;
	_ =	swait.ge @!p0 [sflag:s8], $0x0  }
0x24: {  	s3 =	sadd.s32 $0x88, s3;
	s6 =	simm.s32 @!p1 $0x1082;
	[sflag:s4] =	ssyncset.s32 $0xFFFFF086  }
0x25: {  	[simem:s6], [sflag:s4] =	dma.local [hbm:s3], $0xF7A  }
0x26: {  	[smem:$0x3F9F] =	sst s1;
	(tag) =	ssettag s2;
	_ =	strace s9  }
0x27: {  	s1 =	sld [smem:$0x3FAF]  }
0x28: {  	s2 =	sld [smem:$0x3FB0]  }
0x29: {  	s4 =	sld [smem:$0x3FB2]  }
0x2a: {  	p0 =	seq.s32 s5, $0x0;
	s5 =	sld [smem:$0x3FB3]  }
0x2b: {  	s6 =	sld [smem:$0x3FB4]  }
0x2c: {  	s7 =	sld [smem:$0x3FB5]  }
0x2d: {  	s3 =	simm.s32 $0x108;
	s8 =	sld [smem:$0x3FB6]  }
0x2e: {  	s3 =	simm.s32 @!p0 $0x1082;
	s9 =	sld [smem:$0x3FB7]  }
0x2f: {  	lr =	sadd.s32 s0, s3;
	s0 =	sld [smem:$0x3FAE]  }
0x30: {  	s3 =	sld [smem:$0x3FB1]  }
0x31: {  	[smem:$0x3FBA] =	sst s10  }
0x32: {  	s10 =	sld [smem:$0x3FB8];
	_ =	sdelay $0x3  }
0x33: {  	p0 =	seq.s32 s10, $0x1;
	s10 =	sld [smem:$0x3FBA];
	_ =	sdelay $0x3  }
0x34: {  	[smem:$0x3FBA] =	sst s10  }
0x35: {  	s10 =	sld [smem:$0x3FB9];
	_ =	sdelay $0x3  }
0x36: {  	p1 =	seq.s32 s10, $0x1;
	s10 =	sld [smem:$0x3FBA];
	_ =	sdelay $0x3  }
0x37: {  	[smem:$0x3FBA] =	sst s10  }
0x38: {  	s10 =	sld [smem:$0x3FBB]  }
0x39: {  	_ = 	snop;
	(pc) =	sbr.ind lr, $3  }
0x3a: {  	_ = 	snop  }
0x3b: {  	_ = 	snop  }
0x3c: {  	p2 =	seq.s32 s10, $0x1;
	s10 =	sld [smem:$0x3FBA]  }
0x3d: {  	_ =	shalt  }
0x3e: {  	_ =	shalt  }
0x3f: {  	_ =	shalt  }
0x40: {  	_ =	shalt  }
0x41: {  	_ =	shalt  }
0x42: {  	_ =	shalt  }
0x43: {  	_ =	shalt  }
0x44: {  	_ =	shalt  }
0x45: {  	_ =	shalt  }
0x46: {  	_ =	shalt  }
0x47: {  	_ =	shalt  }
0x48: {  	_ =	shalt  }
0x49: {  	_ =	shalt  }
0x4a: {  	_ =	shalt  }
0x4b: {  	_ =	shalt  }
0x4c: {  	_ =	shalt  }
0x4d: {  	_ =	shalt  }
0x4e: {  	_ =	shalt  }
0x4f: {  	_ =	shalt  }
0x50: {  	_ =	shalt  }
0x51: {  	_ =	shalt  }
0x52: {  	_ =	shalt  }
0x53: {  	_ =	shalt  }
0x54: {  	_ =	shalt  }
0x55: {  	_ =	shalt  }
0x56: {  	_ =	shalt  }
0x57: {  	_ =	shalt  }
0x58: {  	_ =	shalt  }
0x59: {  	_ =	shalt  }
0x5a: {  	_ =	shalt  }
0x5b: {  	_ =	shalt  }
0x5c: {  	_ =	shalt  }
0x5d: {  	_ =	shalt  }
0x5e: {  	_ =	shalt  }
0x5f: {  	_ =	shalt  }
0x60: {  	_ =	shalt  }
0x61: {  	_ =	shalt  }
0x62: {  	_ =	shalt  }
0x63: {  	_ =	shalt  }
0x64: {  	_ =	shalt  }
0x65: {  	_ =	shalt  }
0x66: {  	_ =	shalt  }
0x67: {  	_ =	shalt  }
0x68: {  	_ =	shalt  }
0x69: {  	_ =	shalt  }
0x6a: {  	_ =	shalt  }
0x6b: {  	_ =	shalt  }
0x6c: {  	_ =	shalt  }
0x6d: {  	_ =	shalt  }
0x6e: {  	_ =	shalt  }
0x6f: {  	_ =	shalt  }
0x70: {  	_ =	shalt  }
0x71: {  	_ =	shalt  }
0x72: {  	_ =	shalt  }
0x73: {  	_ =	shalt  }
0x74: {  	_ =	shalt  }
0x75: {  	_ =	shalt  }
0x76: {  	_ =	shalt  }
0x77: {  	_ =	shalt  }
0x78: {  	_ =	shalt  }
0x79: {  	_ =	shalt  }
0x7a: {  	_ =	shalt  }
0x7b: {  	_ =	shalt  }
0x7c: {  	_ =	shalt  }
0x7d: {  	_ =	shalt  }
0x7e: {  	_ =	shalt  }
0x7f: {  	_ =	shalt  }
0x80: {  	_ =	shalt  }
0x81: {  	_ =	shalt  }
0x82: {  	_ =	shalt  }
0x83: {  	_ =	shalt  }
0x84: {  	_ =	shalt  }
0x85: {  	_ =	shalt  }
0x86: {  	_ =	shalt  }
0x87: {  	_ =	shalt  }
.Lfunc_end0:
.L_simem_size_0:
called_computation_lowered:
.L_overlay_start_0:
0x88: {  	s2 =	sld [smem:$0x3FD9]  }
0x89: {  	s3 =	sld [smem:$0x3FFE];
	_ =	sdelay $0x1  }
0x8a: {  	s1 =	srdreg.scid  }
0x8b: {  	s0 =	sand.u32 $0x1, s1  }
0x8c: {  	s17 =	sshll.u32 s0, $0xA;
	s2 =	sadd.s32 s3, s2  }
0x8d: {  	s2 =	sadd.s32 s2, s17  }
0x8e: {  	[smem:$0x3FC6] =	sst s2  }
0x8f: {  	_ = 	snop  }
0x90: {  	s2 =	sld [smem:$0x3FD0];
	(tm) =	ssettm $0x1  }
0x91: {  	s18 =	sld [smem:$0x3FFB];
	_ =	sdelay $0x3  }
0x92: {  	_ =	strace s18  }
0x93: {  	s3 =	sld [smem:$0x3FFC];
	_ =	sdelay $0x3  }
0x94: {  	_ =	strace s3  }
0x95: {  	s3 =	sld [smem:$0x3FFD];
	_ =	sdelay $0x3  }
0x96: {  	_ =	strace s3  }
0x97: {  	_ =	strace $0x8FFFFFFF  }
0x98: {  	s19 =	sld [smem:$0x3FDB];
	_ =	sdelay $0x1  }
0x99: {  	s4 =	simm.s32 $_scs_section_size  }
0x9a: {  	s5 =	simm.s32 $_size__tile_overlayer_lowered;
	s6 =	simm.s32 $_tile_overlayer_lowered  }
0x9b: {  	s22 =	simm.s32 $0x1BFF;
	s21 =	sshll.u32 s6, $0x1;
	s3 =	sadd.s32 s4, s19  }
0x9c: {  	s7 =	simm.s32 $0x0;
	s20 =	sshll.u32 s5, $0x1;
	s5 =	sadd.s32 s21, s3  }
0x9d: {  	[timem:s7], [sflag:s22] =	dma.local [hbm:s5], s20  }
0x9e: {  	_ =	swait.ge [sflag:s22], s20  }
0x9f: {  	s4 =	ssub.s32 $0x0, s20;
	[sflag:s22] =	ssyncset.done $0x0  }
0xa0: {  	[sflag:s22] =	ssyncadd.s32 s4;
	_ =	sdelay $0x1  }
0xa1: {  	s23 =	simm.s32 $0x1B8B  }
0xa2: {  	_ =	swait.ge [sflag:s23], $0x1  }
0xa3: {  	[sflag:s23] =	ssyncset.done $0x0  }
0xa4: {  	s25 =	simm.s32 $0x1B8E;
	s24 =	sld [smem:$0x3FFE];
	[sflag:s23] =	ssyncadd.s32 $0xFFFFFFFF  }
0xa5: {  	s26 =	simm.s32 $execute0_lowered;
	[smem:$0x3FD2] =	sst s25  }
0xa6: {  	s5 =	sshll.u32 s26, $0x1;
	_ =	strace $0x80000046;
	[dreg:$0x1] =	wrdreg $0xFFFFFFFF  }
0xa7: {  	s28 =	simm.s32 $_size_execute0_lowered;
	s3 =	sadd.s32 s3, s5;
	[dreg:$0x0] =	wrdreg $0x0  }
0xa8: {  	s5 =	sshll.u32 s28, $0x1;
	[dreg:$0x2] =	wrdreg s3  }
0xa9: {  	[dreg:$0x3] =	wrdreg s5  }
0xaa: {  	[dreg:$0x4] =	wrdreg $0xC0  }
0xab: {  	_ =	task [dreg:s7], $0x5FFFF  }
0xac: {  	[dreg:$0x1] =	wrdreg $0xFFFFFFFF  }
0xad: {  	[dreg:$0x0] =	wrdreg $0x60  }
0xae: {  	[dreg:$0x2] =	wrdreg s24  }
0xaf: {  	[dreg:$0x3] =	wrdreg s2  }
0xb0: {  	[dreg:$0x4] =	wrdreg $0x9  }
0xb1: {  	_ =	task.clear_ibuf [dreg:s7], $0x5FFFF;
	_ =	strace $0x90000046  }
0xb2: {  	s29 =	simm.s32 $0x9;
	_ =	strace $0x80000048  }
0xb3: {  	_ =	swait.ge [sflag:s29], $0x1  }
0xb4: {  	[sflag:s29] =	ssyncadd.s32 $0xFFFFFFFF  }
0xb5: {  	_ =	strace $0x90000048  }
0xb6: {  	_ =	sfence  }
0xb7: {  	s30 =	sld [smem:$0x0];
	_ =	sdelay $0x2  }
0xb8: {  	s31 =	sshll.u32 s1, $0xD;
	s1 =	sshrl.u32 s1, $0x2  }
0xb9: {  	s3 =	sand.u32 $0x4000, s31;
	s1 =	sadd.s32 s1, s30  }
0xba: {  	s0 =	sor.u32 s3, s0;
	s1 =	sshll.u32 s1, $0x11  }
0xbb: {  	s0 =	sor.u32 s1, s0  }
0xbc: {  	s0 =	sadd.s32 $0x8F2B, s0  }
0xbd: {  	[sflag:s0] =	ssyncadd.remote.s32 $0x1  }
0xbe: {  	_ =	sfence.sel $0xFFFF  }
0xbf: {  	[dreg:$0x0] =	wrdreg $0xFFFFFFFF;
	(pc) =	sbr.abs _section_cstart, $3  }
0xc0: {  	[dreg:$0x1] =	wrdreg $0xFFFFFFFF  }
0xc1: {  	_ =	task.clear_ibuf [dreg:s7], $0x2FFFF;
	_ =	strace $0x9FFFFFFF  }
0xc2: {  	(tm) =	ssettm $0x7FFFFFFF  }
0xc3: {  	_ =	shalt  }
tec
execute0_lowered:
.L_overlay_start_1:
0x0: {  	(tag) =	ssettag $0x1  }
0x1: {  	s3 =	rddreg [dreg:$0x0]  }
0x2: {  	s4 =	rddreg [dreg:$0x1];
	s2 =	simm.s32 $0x0  }
0x3: {  	s9 =	simm.s32 $0x100;
	[smem:$0x7FF] =	sst s2  }
0x4: {  	s10 =	simm.s32 $0x180;
	_ =	strace $0x80000047;
	[dreg:$0xe] =	wrdreg s9  }
0x5: {  	s11 =	simm.s32 $0x200;
	[dreg:$0xf] =	wrdreg s10  }
0x6: {  	s12 =	simm.s32 $0x280;
	[dreg:$0x10] =	wrdreg s11  }
0x7: {  	s13 =	simm.s32 $0x300;
	[dreg:$0x11] =	wrdreg s12  }
0x8: {  	s14 =	simm.s32 $0x380;
	[dreg:$0x12] =	wrdreg s13  }
0x9: {  	s15 =	simm.s32 $0x400;
	[dreg:$0x13] =	wrdreg s14  }
0xa: {  	s0 =	srdreg.scid;
	s17 =	simm.s32 $0x480;
	[dreg:$0x14] =	wrdreg s15  }
0xb: {  	s16 =	stileid.u32;
	s18 =	simm.s32 $0x500;
	[dreg:$0x15] =	wrdreg s17  }
0xc: {  	s19 =	simm.s32 $0x580;
	s20 =	simm.s32 $0x600;
	[dreg:$0x16] =	wrdreg s18  }
0xd: {  	s1 =	sand.u32 $0x1, s0;
	s21 =	sshll.u32 s16, $0x1;
	[dreg:$0x17] =	wrdreg s19  }
0xe: {  	s0 =	sor.u32 s1, s21;
	[dreg:$0x18] =	wrdreg s20;
	s21 =	simm.s32 $0x680  }
0xf: {  	s9 =	simm.s32 $0xB00;
	[dreg:$0x19] =	wrdreg s21  }
0x10: {  	s10 =	simm.s32 $0xB80;
	[smem:$0x7E8] =	sst s9  }
0x11: {  	s11 =	simm.s32 $0xC00;
	[smem:$0x7E9] =	sst s10  }
0x12: {  	s12 =	simm.s32 $0xC80;
	[smem:$0x7EA] =	sst s11  }
0x13: {  	s13 =	simm.s32 $0xD00;
	[smem:$0x7EB] =	sst s12  }
0x14: {  	s14 =	simm.s32 $0xD80;
	[smem:$0x7EC] =	sst s13  }
0x15: {  	s15 =	simm.s32 $0xE00;
	[smem:$0x7ED] =	sst s14  }
0x16: {  	s17 =	simm.s32 $0xE80;
	[smem:$0x7EE] =	sst s15  }
0x17: {  	s18 =	simm.s32 $0xF00;
	[smem:$0x7EF] =	sst s17  }
0x18: {  	s19 =	simm.s32 $0xF80;
	[smem:$0x7F0] =	sst s18  }
0x19: {  	s20 =	simm.s32 $0x1000;
	[smem:$0x7F1] =	sst s19  }
0x1a: {  	[smem:$0x7F2] =	sst s20;
	s21 =	simm.s32 $0x1080  }
0x1b: {  	s10 =	simm.s32 $0x1280;
	[smem:$0x7F3] =	sst s21  }
0x1c: {  	s14 =	simm.s32 $0x1300;
	[smem:$0x7F7] =	sst s10  }
0x1d: {  	s15 =	simm.s32 $0x1380;
	[smem:$0x7F8] =	sst s14  }
0x1e: {  	s17 =	simm.s32 $0x1400;
	[smem:$0x7F9] =	sst s15  }
0x1f: {  	s5 =	smul.u32 $0x320, s0;
	s18 =	simm.s32 $0x1480;
	[smem:$0x7FA] =	sst s17  }
0x20: {  	s6 =	smul.u32 $0x32000, s0;
	s19 =	simm.s32 $0x1500;
	[smem:$0x7FB] =	sst s18  }
0x21: {  	s0 =	smul.u32 $0x6400, s0;
	s20 =	simm.s32 $0x1580;
	[smem:$0x7FC] =	sst s19  }
0x22: {  	s31 =	simm.s32 $0x5;
	s28 =	simm.s32 $0x9900;
	[smem:$0x7FD] =	sst s20  }
0x23: {  	s5 =	sadd.s32 s5, s3;
	s6 =	sshrl.u32 s6, $0x3;
	s0 =	sadd.s32 s4, s0  }
0x24: {  	s5 =	sadd.s32 $0x600, s5;
	s4 =	sadd.s32 s4, s6;
	[dreg:$0x4] =	wrdreg s0  }
0x25: {  	s29 =	simm.s32 $0xA900;
	[dreg:$0x3] =	wrdreg s5;
	s22 =	sadd.s32 $0xA00, s4  }
0x26: {  	p0 =	por $0x0, $0x0;
	s23 =	sadd.s32 $0x1400, s4;
	[dreg:$0x5] =	wrdreg s22  }
0x27: {  	s30 =	simm.s32 $0x1880;
	s24 =	sadd.s32 $0x1E00, s4;
	[dreg:$0x6] =	wrdreg s23  }
0x28: {  	s1 =	ssub.s32 $0x2, s1;
	s25 =	sadd.s32 $0x2800, s4;
	[dreg:$0x7] =	wrdreg s24  }
0x29: {  	s9 =	simm.s32 $0x4900;
	s26 =	sadd.s32 $0x3200, s4;
	[dreg:$0x8] =	wrdreg s25  }
0x2a: {  	s11 =	simm.s32 $0x5900;
	s5 =	sadd.s32 $0x3C00, s4;
	[dreg:$0x9] =	wrdreg s26  }
0x2b: {  	s13 =	simm.s32 $0x6900;
	s6 =	sadd.s32 $0x4600, s4;
	[dreg:$0xa] =	wrdreg s5  }
0x2c: {  	s12 =	simm.s32 $0xB900;
	s7 =	sadd.s32 $0x5000, s4;
	[dreg:$0xb] =	wrdreg s6  }
0x2d: {  	s21 =	simm.s32 $0xC900;
	s8 =	sadd.s32 $0x5A00, s4;
	[dreg:$0xc] =	wrdreg s7  }
0x2e: {  	s15 =	simm.s32 $0x2;
	s10 =	simm.s32 $0x4;
	[dreg:$0xd] =	wrdreg s8  }
0x2f: {  	s14 =	simm.s32 $0x3;
	s22 =	simm.s32 $0x700;
	s0 =	rddreg [dreg:$0x3]  }
0x30: {  	s17 =	simm.s32 $0x1600;
	s23 =	simm.s32 $0x780;
	[dreg:$0x1a] =	wrdreg s22  }
0x31: {  	s18 =	simm.s32 $0x1700;
	s24 =	simm.s32 $0x800;
	[dreg:$0x1b] =	wrdreg s23  }
0x32: {  	s19 =	simm.s32 $0x1780;
	s25 =	simm.s32 $0x880;
	[dreg:$0x1c] =	wrdreg s24  }
0x33: {  	s20 =	simm.s32 $0x1800;
	s26 =	simm.s32 $0x900;
	[dreg:$0x1d] =	wrdreg s25  }
0x34: {  	s4 =	sadd.s32 $0xF42A00, s3;
	s5 =	simm.s32 $0x980;
	[dreg:$0x1e] =	wrdreg s26  }
0x35: {  	s6 =	simm.s32 $0xA00;
	s7 =	sshrl.u32 s1, $0x1;
	[dreg:$0x1f] =	wrdreg s5  }
0x36: {  	s8 =	simm.s32 $0xA80;
	[smem:$0x7E6] =	sst s6;
	s1 =	ssub.s32 s1, s7  }
0x37: {  	s3 =	simm.s32 $0x1900;
	[smem:$0x7E7] =	sst s8;
	s1 =	smax.u32 s1, $0x1  }
0x38: {  	s5 =	simm.s32 $0x80;
	s7 =	simm.s32 $0x2900;
	p1 =	sne.s32 s1, $0x1  }
.Ltmp0:
0x39: {  	s8 =	simm.s32 $0x3900;
	s22 =	simm.s32 $0x1100;
	(pc) =	sbr.rel @!p1 .LBB2_1-.Ltmp0, $4  }
0x3a: {  	s25 =	simm.s32 $0x7900;
	s23 =	simm.s32 $0x1180;
	[smem:$0x7F4] =	sst s22  }
0x3b: {  	s26 =	simm.s32 $0x8900;
	s24 =	simm.s32 $0x1200;
	[smem:$0x7F5] =	sst s23  }
0x3c: {  	s6 =	simm.s32 $0x1;
	[smem:$0x7F6] =	sst s24;
	s22 =	simm.s32 $0xD900  }
0x3d: {  	s23 =	simm.s32 $0xE900;
	s24 =	simm.s32 $0xF900;
	s1 =	sadd.s32 $0xFFFFFFFF, s1  }
0x3e: {  	[tilespmem:s2], [sflag:$0x5] =	stream.linear.gather [hbm4b:s0+s2], $0x1900, $0x38;
	[tilespmem:$0x10900] =	vst v63  }
0x3f: {  	_ =	swait.ge [sflag:s31], $0x1900  }
0x40: {  	[sflag:s31] =	ssyncset.done $0x0  }
0x41: {  	[sflag:s31] =	ssyncadd.s32 $0xFFFFE700  }
0x42: {  	[tilespmem:s3], [sflag:$0x1] =	stream.indirect.gather [hbm4b:s4+s5], $0x20, s2, s5, $0xb8;
	[tilespmem:$0x10900] =	vst v63  }
0x43: {  	_ = 	snop  }
0x44: {  	[tilespmem:s7], [sflag:$0x1] =	stream.indirect.gather [hbm4b:s4+s5], $0x20, s5, s5, $0xb8;
	[tilespmem:$0x10900] =	vst v63  }
0x45: {  	s0 =	rddreg [dreg:$0xe]  }
0x46: {  	[tilespmem:s8], [sflag:$0x1] =	stream.indirect.gather [hbm4b:s4+s5], $0x20, s0, s5, $0xb8;
	[tilespmem:$0x10900] =	vst v63  }
0x47: {  	s16 =	smov.u32 s1;
	s1 =	rddreg [dreg:$0xf]  }
0x48: {  	[tilespmem:s9], [sflag:$0x1] =	stream.indirect.gather [hbm4b:s4+s5], $0x20, s1, s5, $0xb8;
	[tilespmem:$0x10900] =	vst v63  }
0x49: {  	s0 =	rddreg [dreg:$0x10]  }
0x4a: {  	[tilespmem:s11], [sflag:$0x1] =	stream.indirect.gather [hbm4b:s4+s5], $0x20, s0, s5, $0xb8;
	[tilespmem:$0x10900] =	vst v63  }
0x4b: {  	s1 =	rddreg [dreg:$0x11]  }
0x4c: {  	[tilespmem:s13], [sflag:$0x2] =	stream.indirect.gather [hbm4b:s4+s5], $0x20, s1, s5, $0xb8;
	[tilespmem:$0x10900] =	vst v63  }
0x4d: {  	s0 =	rddreg [dreg:$0x12]  }
0x4e: {  	[tilespmem:s25], [sflag:$0x2] =	stream.indirect.gather [hbm4b:s4+s5], $0x20, s0, s5, $0xb8;
	[tilespmem:$0x10900] =	vst v63  }
0x4f: {  	s1 =	rddreg [dreg:$0x13]  }
0x50: {  	[tilespmem:s26], [sflag:$0x2] =	stream.indirect.gather [hbm4b:s4+s5], $0x20, s1, s5, $0xb8;
	[tilespmem:$0x10900] =	vst v63  }
0x51: {  	s0 =	rddreg [dreg:$0x14]  }
0x52: {  	[tilespmem:s28], [sflag:$0x2] =	stream.indirect.gather [hbm4b:s4+s5], $0x20, s0, s5, $0xb8;
	[tilespmem:$0x10900] =	vst v63  }
0x53: {  	s1 =	rddreg [dreg:$0x15]  }
0x54: {  	[tilespmem:s29], [sflag:$0x2] =	stream.indirect.gather [hbm4b:s4+s5], $0x20, s1, s5, $0xb8;
	[tilespmem:$0x10900] =	vst v63  }
0x55: {  	_ =	swait.ge [sflag:s6], $0x1000  }
0x56: {  	[sflag:s6] =	ssyncset.done $0x0  }
0x57: {  	[sflag:s6] =	ssyncadd.s32 $0xFFFFF000  }
0x58: {  	_ =	swait.ge [sflag:s6], $0x1000  }
0x59: {  	[sflag:s6] =	ssyncset.done $0x0  }
0x5a: {  	[sflag:s6] =	ssyncadd.s32 $0xFFFFF000  }
0x5b: {  	_ =	swait.ge [sflag:s6], $0x1000  }
0x5c: {  	[sflag:s6] =	ssyncset.done $0x0  }
0x5d: {  	[sflag:s6] =	ssyncadd.s32 $0xFFFFF000  }
0x5e: {  	_ =	swait.ge [sflag:s6], $0x1000  }
0x5f: {  	[sflag:s6] =	ssyncset.done $0x0  }
0x60: {  	[sflag:s6] =	ssyncadd.s32 $0xFFFFF000  }
0x61: {  	_ =	swait.ge [sflag:s6], $0x1000  }
0x62: {  	[sflag:s6] =	ssyncset.done $0x0  }
0x63: {  	s0 =	rddreg [dreg:$0x4];
	[sflag:s6] =	ssyncadd.s32 $0xFFFFF000  }
0x64: {  	[hbm4b:s0+s2] =	stream.linear.scatter [tilespmem:s3], [sflag:$0x4], $0x5000, $0x38;
	[tilespmem:$0x10900] =	vst v63  }
0x65: {  	s1 =	rddreg [dreg:$0x16]  }
0x66: {  	[tilespmem:s12], [sflag:$0x3] =	stream.indirect.gather [hbm4b:s4+s5], $0x20, s1, s5, $0xb8;
	[tilespmem:$0x10900] =	vst v63  }
0x67: {  	s0 =	rddreg [dreg:$0x17]  }
0x68: {  	[tilespmem:s21], [sflag:$0x3] =	stream.indirect.gather [hbm4b:s4+s5], $0x20, s0, s5, $0xb8;
	[tilespmem:$0x10900] =	vst v63  }
0x69: {  	s1 =	rddreg [dreg:$0x18]  }
0x6a: {  	[tilespmem:s22], [sflag:$0x3] =	stream.indirect.gather [hbm4b:s4+s5], $0x20, s1, s5, $0xb8;
	[tilespmem:$0x10900] =	vst v63  }
0x6b: {  	s0 =	rddreg [dreg:$0x19]  }
0x6c: {  	[tilespmem:s23], [sflag:$0x3] =	stream.indirect.gather [hbm4b:s4+s5], $0x20, s0, s5, $0xb8;
	[tilespmem:$0x10900] =	vst v63  }
0x6d: {  	s1 =	rddreg [dreg:$0x1a]  }
0x6e: {  	[tilespmem:s24], [sflag:$0x3] =	stream.indirect.gather [hbm4b:s4+s5], $0x20, s1, s5, $0xb8;
	[tilespmem:$0x10900] =	vst v63  }
0x6f: {  	_ =	swait.ge [sflag:s15], $0x1000  }
0x70: {  	[sflag:s15] =	ssyncset.done $0x0  }
0x71: {  	[sflag:s15] =	ssyncadd.s32 $0xFFFFF000  }
0x72: {  	_ =	swait.ge [sflag:s15], $0x1000  }
0x73: {  	[sflag:s15] =	ssyncset.done $0x0  }
0x74: {  	[sflag:s15] =	ssyncadd.s32 $0xFFFFF000  }
0x75: {  	_ =	swait.ge [sflag:s15], $0x1000  }
0x76: {  	[sflag:s15] =	ssyncset.done $0x0  }
0x77: {  	[sflag:s15] =	ssyncadd.s32 $0xFFFFF000  }
0x78: {  	_ =	swait.ge [sflag:s15], $0x1000  }
0x79: {  	[sflag:s15] =	ssyncset.done $0x0  }
0x7a: {  	[sflag:s15] =	ssyncadd.s32 $0xFFFFF000  }
0x7b: {  	_ =	swait.ge [sflag:s15], $0x1000  }
0x7c: {  	[sflag:s15] =	ssyncset.done $0x0  }
0x7d: {  	s1 =	rddreg [dreg:$0x5];
	[sflag:s15] =	ssyncadd.s32 $0xFFFFF000  }
0x7e: {  	[hbm4b:s1+s2] =	stream.linear.scatter [tilespmem:s13], [sflag:$0x4], $0x5000, $0x38;
	[tilespmem:$0x10900] =	vst v63  }
0x7f: {  	_ =	swait.ge [sflag:s10], $0x5000  }
0x80: {  	[sflag:s10] =	ssyncset.done $0x0  }
0x81: {  	s0 =	rddreg [dreg:$0x1b];
	[sflag:s10] =	ssyncadd.s32 $0xFFFFB000  }
0x82: {  	[tilespmem:s3], [sflag:$0x1] =	stream.indirect.gather [hbm4b:s4+s5], $0x20, s0, s5, $0xb8;
	[tilespmem:$0x10900] =	vst v63  }
0x83: {  	s1 =	rddreg [dreg:$0x1c]  }
0x84: {  	[tilespmem:s7], [sflag:$0x1] =	stream.indirect.gather [hbm4b:s4+s5], $0x20, s1, s5, $0xb8;
	[tilespmem:$0x10900] =	vst v63  }
0x85: {  	s0 =	rddreg [dreg:$0x1d]  }
0x86: {  	[tilespmem:s8], [sflag:$0x1] =	stream.indirect.gather [hbm4b:s4+s5], $0x20, s0, s5, $0xb8;
	[tilespmem:$0x10900] =	vst v63  }
0x87: {  	s1 =	rddreg [dreg:$0x1e]  }
0x88: {  	[tilespmem:s9], [sflag:$0x1] =	stream.indirect.gather [hbm4b:s4+s5], $0x20, s1, s5, $0xb8;
	[tilespmem:$0x10900] =	vst v63  }
0x89: {  	s0 =	rddreg [dreg:$0x1f]  }
0x8a: {  	[tilespmem:s11], [sflag:$0x1] =	stream.indirect.gather [hbm4b:s4+s5], $0x20, s0, s5, $0xb8;
	[tilespmem:$0x10900] =	vst v63  }
0x8b: {  	_ =	swait.ge [sflag:s14], $0x1000  }
0x8c: {  	[sflag:s14] =	ssyncset.done $0x0  }
0x8d: {  	[sflag:s14] =	ssyncadd.s32 $0xFFFFF000  }
0x8e: {  	_ =	swait.ge [sflag:s14], $0x1000  }
0x8f: {  	[sflag:s14] =	ssyncset.done $0x0  }
0x90: {  	[sflag:s14] =	ssyncadd.s32 $0xFFFFF000  }
0x91: {  	_ =	swait.ge [sflag:s14], $0x1000  }
0x92: {  	[sflag:s14] =	ssyncset.done $0x0  }
0x93: {  	[sflag:s14] =	ssyncadd.s32 $0xFFFFF000  }
0x94: {  	_ =	swait.ge [sflag:s14], $0x1000  }
0x95: {  	[sflag:s14] =	ssyncset.done $0x0  }
0x96: {  	[sflag:s14] =	ssyncadd.s32 $0xFFFFF000  }
0x97: {  	_ =	swait.ge [sflag:s14], $0x1000  }
0x98: {  	[sflag:s14] =	ssyncset.done $0x0  }
0x99: {  	s1 =	rddreg [dreg:$0x6];
	[sflag:s14] =	ssyncadd.s32 $0xFFFFF000  }
0x9a: {  	[hbm4b:s1+s2] =	stream.linear.scatter [tilespmem:s12], [sflag:$0x4], $0x5000, $0x38;
	[tilespmem:$0x10900] =	vst v63  }
0x9b: {  	_ =	swait.ge [sflag:s10], $0x5000  }
0x9c: {  	s0 =	sld [smem:$0x7E6]  }
0x9d: {  	[sflag:s10] =	ssyncset.done $0x0  }
0x9e: {  	s1 =	sld [smem:$0x7E7];
	[sflag:s10] =	ssyncadd.s32 $0xFFFFB000  }
0x9f: {  	[tilespmem:s13], [sflag:$0x2] =	stream.indirect.gather [hbm4b:s4+s5], $0x20, s0, s5, $0xb8;
	[tilespmem:$0x10900] =	vst v63  }
0xa0: {  	s0 =	sld [smem:$0x7E8]  }
0xa1: {  	[tilespmem:s25], [sflag:$0x2] =	stream.indirect.gather [hbm4b:s4+s5], $0x20, s1, s5, $0xb8;
	[tilespmem:$0x10900] =	vst v63  }
0xa2: {  	s1 =	sld [smem:$0x7E9]  }
0xa3: {  	[tilespmem:s26], [sflag:$0x2] =	stream.indirect.gather [hbm4b:s4+s5], $0x20, s0, s5, $0xb8;
	[tilespmem:$0x10900] =	vst v63  }
0xa4: {  	s0 =	sld [smem:$0x7EA]  }
0xa5: {  	[tilespmem:s28], [sflag:$0x2] =	stream.indirect.gather [hbm4b:s4+s5], $0x20, s1, s5, $0xb8;
	[tilespmem:$0x10900] =	vst v63  }
0xa6: {  	_ = 	snop  }
0xa7: {  	[tilespmem:s29], [sflag:$0x2] =	stream.indirect.gather [hbm4b:s4+s5], $0x20, s0, s5, $0xb8;
	[tilespmem:$0x10900] =	vst v63  }
0xa8: {  	_ =	swait.ge [sflag:s6], $0x1000  }
0xa9: {  	[sflag:s6] =	ssyncset.done $0x0  }
0xaa: {  	[sflag:s6] =	ssyncadd.s32 $0xFFFFF000  }
0xab: {  	_ =	swait.ge [sflag:s6], $0x1000  }
0xac: {  	[sflag:s6] =	ssyncset.done $0x0  }
0xad: {  	[sflag:s6] =	ssyncadd.s32 $0xFFFFF000  }
0xae: {  	_ =	swait.ge [sflag:s6], $0x1000  }
0xaf: {  	[sflag:s6] =	ssyncset.done $0x0  }
0xb0: {  	[sflag:s6] =	ssyncadd.s32 $0xFFFFF000  }
0xb1: {  	_ =	swait.ge [sflag:s6], $0x1000  }
0xb2: {  	[sflag:s6] =	ssyncset.done $0x0  }
0xb3: {  	[sflag:s6] =	ssyncadd.s32 $0xFFFFF000  }
0xb4: {  	_ =	swait.ge [sflag:s6], $0x1000  }
0xb5: {  	[sflag:s6] =	ssyncset.done $0x0  }
0xb6: {  	s1 =	rddreg [dreg:$0x7];
	[sflag:s6] =	ssyncadd.s32 $0xFFFFF000  }
0xb7: {  	[hbm4b:s1+s2] =	stream.linear.scatter [tilespmem:s3], [sflag:$0x4], $0x5000, $0x38;
	[tilespmem:$0x10900] =	vst v63  }
0xb8: {  	_ =	swait.ge [sflag:s10], $0x5000  }
0xb9: {  	s0 =	sld [smem:$0x7EB]  }
0xba: {  	[sflag:s10] =	ssyncset.done $0x0  }
0xbb: {  	s1 =	sld [smem:$0x7EC];
	[sflag:s10] =	ssyncadd.s32 $0xFFFFB000  }
0xbc: {  	[tilespmem:s12], [sflag:$0x3] =	stream.indirect.gather [hbm4b:s4+s5], $0x20, s0, s5, $0xb8;
	[tilespmem:$0x10900] =	vst v63  }
0xbd: {  	s0 =	sld [smem:$0x7ED]  }
0xbe: {  	[tilespmem:s21], [sflag:$0x3] =	stream.indirect.gather [hbm4b:s4+s5], $0x20, s1, s5, $0xb8;
	[tilespmem:$0x10900] =	vst v63  }
0xbf: {  	s1 =	sld [smem:$0x7EE]  }
0xc0: {  	[tilespmem:s22], [sflag:$0x3] =	stream.indirect.gather [hbm4b:s4+s5], $0x20, s0, s5, $0xb8;
	[tilespmem:$0x10900] =	vst v63  }
0xc1: {  	s0 =	sld [smem:$0x7EF]  }
0xc2: {  	[tilespmem:s23], [sflag:$0x3] =	stream.indirect.gather [hbm4b:s4+s5], $0x20, s1, s5, $0xb8;
	[tilespmem:$0x10900] =	vst v63  }
0xc3: {  	_ = 	snop  }
0xc4: {  	[tilespmem:s24], [sflag:$0x3] =	stream.indirect.gather [hbm4b:s4+s5], $0x20, s0, s5, $0xb8;
	[tilespmem:$0x10900] =	vst v63  }
0xc5: {  	_ =	swait.ge [sflag:s15], $0x1000  }
0xc6: {  	[sflag:s15] =	ssyncset.done $0x0  }
0xc7: {  	[sflag:s15] =	ssyncadd.s32 $0xFFFFF000  }
0xc8: {  	_ =	swait.ge [sflag:s15], $0x1000  }
0xc9: {  	[sflag:s15] =	ssyncset.done $0x0  }
0xca: {  	[sflag:s15] =	ssyncadd.s32 $0xFFFFF000  }
0xcb: {  	_ =	swait.ge [sflag:s15], $0x1000  }
0xcc: {  	[sflag:s15] =	ssyncset.done $0x0  }
0xcd: {  	[sflag:s15] =	ssyncadd.s32 $0xFFFFF000  }
0xce: {  	_ =	swait.ge [sflag:s15], $0x1000  }
0xcf: {  	[sflag:s15] =	ssyncset.done $0x0  }
0xd0: {  	[sflag:s15] =	ssyncadd.s32 $0xFFFFF000  }
0xd1: {  	_ =	swait.ge [sflag:s15], $0x1000  }
0xd2: {  	[sflag:s15] =	ssyncset.done $0x0  }
0xd3: {  	s1 =	rddreg [dreg:$0x8];
	[sflag:s15] =	ssyncadd.s32 $0xFFFFF000  }
0xd4: {  	[hbm4b:s1+s2] =	stream.linear.scatter [tilespmem:s13], [sflag:$0x4], $0x5000, $0x38;
	[tilespmem:$0x10900] =	vst v63  }
0xd5: {  	_ =	swait.ge [sflag:s10], $0x5000  }
0xd6: {  	s0 =	sld [smem:$0x7F0]  }
0xd7: {  	[sflag:s10] =	ssyncset.done $0x0  }
0xd8: {  	s1 =	sld [smem:$0x7F1];
	[sflag:s10] =	ssyncadd.s32 $0xFFFFB000  }
0xd9: {  	[tilespmem:s3], [sflag:$0x1] =	stream.indirect.gather [hbm4b:s4+s5], $0x20, s0, s5, $0xb8;
	[tilespmem:$0x10900] =	vst v63  }
0xda: {  	s0 =	sld [smem:$0x7F2]  }
0xdb: {  	[tilespmem:s7], [sflag:$0x1] =	stream.indirect.gather [hbm4b:s4+s5], $0x20, s1, s5, $0xb8;
	[tilespmem:$0x10900] =	vst v63  }
0xdc: {  	s1 =	sld [smem:$0x7F3]  }
0xdd: {  	[tilespmem:s8], [sflag:$0x1] =	stream.indirect.gather [hbm4b:s4+s5], $0x20, s0, s5, $0xb8;
	[tilespmem:$0x10900] =	vst v63  }
0xde: {  	s0 =	sld [smem:$0x7F4]  }
0xdf: {  	[tilespmem:s9], [sflag:$0x1] =	stream.indirect.gather [hbm4b:s4+s5], $0x20, s1, s5, $0xb8;
	[tilespmem:$0x10900] =	vst v63  }
0xe0: {  	_ = 	snop  }
0xe1: {  	[tilespmem:s11], [sflag:$0x1] =	stream.indirect.gather [hbm4b:s4+s5], $0x20, s0, s5, $0xb8;
	[tilespmem:$0x10900] =	vst v63  }
0xe2: {  	_ =	swait.ge [sflag:s14], $0x1000  }
0xe3: {  	[sflag:s14] =	ssyncset.done $0x0  }
0xe4: {  	[sflag:s14] =	ssyncadd.s32 $0xFFFFF000  }
0xe5: {  	_ =	swait.ge [sflag:s14], $0x1000  }
0xe6: {  	[sflag:s14] =	ssyncset.done $0x0  }
0xe7: {  	[sflag:s14] =	ssyncadd.s32 $0xFFFFF000  }
0xe8: {  	_ =	swait.ge [sflag:s14], $0x1000  }
0xe9: {  	[sflag:s14] =	ssyncset.done $0x0  }
0xea: {  	[sflag:s14] =	ssyncadd.s32 $0xFFFFF000  }
0xeb: {  	_ =	swait.ge [sflag:s14], $0x1000  }
0xec: {  	[sflag:s14] =	ssyncset.done $0x0  }
0xed: {  	[sflag:s14] =	ssyncadd.s32 $0xFFFFF000  }
0xee: {  	_ =	swait.ge [sflag:s14], $0x1000  }
0xef: {  	[sflag:s14] =	ssyncset.done $0x0  }
0xf0: {  	s1 =	rddreg [dreg:$0x9];
	[sflag:s14] =	ssyncadd.s32 $0xFFFFF000  }
0xf1: {  	[hbm4b:s1+s2] =	stream.linear.scatter [tilespmem:s12], [sflag:$0x4], $0x5000, $0x38;
	[tilespmem:$0x10900] =	vst v63  }
0xf2: {  	_ =	swait.ge [sflag:s10], $0x5000  }
0xf3: {  	s0 =	sld [smem:$0x7F5]  }
0xf4: {  	[sflag:s10] =	ssyncset.done $0x0  }
0xf5: {  	s1 =	sld [smem:$0x7F6];
	[sflag:s10] =	ssyncadd.s32 $0xFFFFB000  }
0xf6: {  	[tilespmem:s13], [sflag:$0x2] =	stream.indirect.gather [hbm4b:s4+s5], $0x20, s0, s5, $0xb8;
	[tilespmem:$0x10900] =	vst v63  }
0xf7: {  	s0 =	sld [smem:$0x7F7]  }
0xf8: {  	[tilespmem:s25], [sflag:$0x2] =	stream.indirect.gather [hbm4b:s4+s5], $0x20, s1, s5, $0xb8;
	[tilespmem:$0x10900] =	vst v63  }
0xf9: {  	s1 =	sld [smem:$0x7F8]  }
0xfa: {  	[tilespmem:s26], [sflag:$0x2] =	stream.indirect.gather [hbm4b:s4+s5], $0x20, s0, s5, $0xb8;
	[tilespmem:$0x10900] =	vst v63  }
0xfb: {  	s0 =	sld [smem:$0x7F9]  }
0xfc: {  	[tilespmem:s28], [sflag:$0x2] =	stream.indirect.gather [hbm4b:s4+s5], $0x20, s1, s5, $0xb8;
	[tilespmem:$0x10900] =	vst v63  }
0xfd: {  	_ = 	snop  }
0xfe: {  	[tilespmem:s29], [sflag:$0x2] =	stream.indirect.gather [hbm4b:s4+s5], $0x20, s0, s5, $0xb8;
	[tilespmem:$0x10900] =	vst v63  }
0xff: {  	_ =	swait.ge [sflag:s6], $0x1000  }
0x100: {  	[sflag:s6] =	ssyncset.done $0x0  }
0x101: {  	[sflag:s6] =	ssyncadd.s32 $0xFFFFF000  }
0x102: {  	_ =	swait.ge [sflag:s6], $0x1000  }
0x103: {  	[sflag:s6] =	ssyncset.done $0x0  }
0x104: {  	[sflag:s6] =	ssyncadd.s32 $0xFFFFF000  }
0x105: {  	_ =	swait.ge [sflag:s6], $0x1000  }
0x106: {  	[sflag:s6] =	ssyncset.done $0x0  }
0x107: {  	[sflag:s6] =	ssyncadd.s32 $0xFFFFF000  }
0x108: {  	_ =	swait.ge [sflag:s6], $0x1000  }
0x109: {  	[sflag:s6] =	ssyncset.done $0x0  }
0x10a: {  	[sflag:s6] =	ssyncadd.s32 $0xFFFFF000  }
0x10b: {  	_ =	swait.ge [sflag:s6], $0x1000  }
0x10c: {  	[sflag:s6] =	ssyncset.done $0x0  }
0x10d: {  	s1 =	rddreg [dreg:$0xa];
	[sflag:s6] =	ssyncadd.s32 $0xFFFFF000  }
0x10e: {  	[hbm4b:s1+s2] =	stream.linear.scatter [tilespmem:s3], [sflag:$0x4], $0x5000, $0x38;
	[tilespmem:$0x10900] =	vst v63  }
0x10f: {  	_ =	swait.ge [sflag:s10], $0x5000  }
0x110: {  	s0 =	sld [smem:$0x7FA]  }
0x111: {  	[sflag:s10] =	ssyncset.done $0x0  }
0x112: {  	s1 =	sld [smem:$0x7FB];
	[sflag:s10] =	ssyncadd.s32 $0xFFFFB000  }
0x113: {  	[tilespmem:s12], [sflag:$0x3] =	stream.indirect.gather [hbm4b:s4+s5], $0x20, s0, s5, $0xb8;
	[tilespmem:$0x10900] =	vst v63  }
0x114: {  	s0 =	sld [smem:$0x7FC]  }
0x115: {  	[tilespmem:s21], [sflag:$0x3] =	stream.indirect.gather [hbm4b:s4+s5], $0x20, s1, s5, $0xb8;
	[tilespmem:$0x10900] =	vst v63  }
0x116: {  	s1 =	sld [smem:$0x7FD]  }
0x117: {  	[tilespmem:s22], [sflag:$0x3] =	stream.indirect.gather [hbm4b:s4+s5], $0x20, s0, s5, $0xb8;
	[tilespmem:$0x10900] =	vst v63  }
0x118: {  	_ = 	snop  }
0x119: {  	[tilespmem:s23], [sflag:$0x3] =	stream.indirect.gather [hbm4b:s4+s5], $0x20, s1, s5, $0xb8;
	[tilespmem:$0x10900] =	vst v63  }
0x11a: {  	_ = 	snop  }
0x11b: {  	[tilespmem:s24], [sflag:$0x3] =	stream.indirect.gather [hbm4b:s4+s5], $0x20, s17, s5, $0xb8;
	[tilespmem:$0x10900] =	vst v63  }
0x11c: {  	_ =	swait.ge [sflag:s15], $0x1000  }
0x11d: {  	[sflag:s15] =	ssyncset.done $0x0  }
0x11e: {  	[sflag:s15] =	ssyncadd.s32 $0xFFFFF000  }
0x11f: {  	_ =	swait.ge [sflag:s15], $0x1000  }
0x120: {  	[sflag:s15] =	ssyncset.done $0x0  }
0x121: {  	[sflag:s15] =	ssyncadd.s32 $0xFFFFF000  }
0x122: {  	_ =	swait.ge [sflag:s15], $0x1000  }
0x123: {  	[sflag:s15] =	ssyncset.done $0x0  }
0x124: {  	[sflag:s15] =	ssyncadd.s32 $0xFFFFF000  }
0x125: {  	_ =	swait.ge [sflag:s15], $0x1000  }
0x126: {  	[sflag:s15] =	ssyncset.done $0x0  }
0x127: {  	[sflag:s15] =	ssyncadd.s32 $0xFFFFF000  }
0x128: {  	_ =	swait.ge [sflag:s15], $0x1000  }
0x129: {  	[sflag:s15] =	ssyncset.done $0x0  }
0x12a: {  	s1 =	rddreg [dreg:$0xb];
	[sflag:s15] =	ssyncadd.s32 $0xFFFFF000  }
0x12b: {  	[hbm4b:s1+s2] =	stream.linear.scatter [tilespmem:s13], [sflag:$0x4], $0x5000, $0x38;
	[tilespmem:$0x10900] =	vst v63  }
0x12c: {  	_ =	swait.ge [sflag:s10], $0x5000  }
0x12d: {  	[sflag:s10] =	ssyncset.done $0x0  }
0x12e: {  	s1 =	simm.s32 $0x1680;
	[sflag:s10] =	ssyncadd.s32 $0xFFFFB000  }
0x12f: {  	[tilespmem:s3], [sflag:$0x1] =	stream.indirect.gather [hbm4b:s4+s5], $0x20, s1, s5, $0xb8;
	[tilespmem:$0x10900] =	vst v63  }
0x130: {  	_ = 	snop  }
0x131: {  	[tilespmem:s7], [sflag:$0x1] =	stream.indirect.gather [hbm4b:s4+s5], $0x20, s18, s5, $0xb8;
	[tilespmem:$0x10900] =	vst v63  }
0x132: {  	_ = 	snop  }
0x133: {  	[tilespmem:s8], [sflag:$0x1] =	stream.indirect.gather [hbm4b:s4+s5], $0x20, s19, s5, $0xb8;
	[tilespmem:$0x10900] =	vst v63  }
0x134: {  	_ = 	snop  }
0x135: {  	[tilespmem:s9], [sflag:$0x1] =	stream.indirect.gather [hbm4b:s4+s5], $0x20, s20, s5, $0xb8;
	[tilespmem:$0x10900] =	vst v63  }
0x136: {  	_ = 	snop  }
0x137: {  	[tilespmem:s11], [sflag:$0x1] =	stream.indirect.gather [hbm4b:s4+s5], $0x20, s30, s5, $0xb8;
	[tilespmem:$0x10900] =	vst v63  }
0x138: {  	_ =	swait.ge [sflag:s14], $0x1000  }
0x139: {  	[sflag:s14] =	ssyncset.done $0x0  }
0x13a: {  	[sflag:s14] =	ssyncadd.s32 $0xFFFFF000  }
0x13b: {  	_ =	swait.ge [sflag:s14], $0x1000  }
0x13c: {  	[sflag:s14] =	ssyncset.done $0x0  }
0x13d: {  	[sflag:s14] =	ssyncadd.s32 $0xFFFFF000  }
0x13e: {  	_ =	swait.ge [sflag:s14], $0x1000  }
0x13f: {  	[sflag:s14] =	ssyncset.done $0x0  }
0x140: {  	[sflag:s14] =	ssyncadd.s32 $0xFFFFF000  }
0x141: {  	_ =	swait.ge [sflag:s14], $0x1000  }
0x142: {  	[sflag:s14] =	ssyncset.done $0x0  }
0x143: {  	[sflag:s14] =	ssyncadd.s32 $0xFFFFF000  }
0x144: {  	_ =	swait.ge [sflag:s14], $0x1000  }
0x145: {  	[sflag:s14] =	ssyncset.done $0x0  }
0x146: {  	s1 =	rddreg [dreg:$0xc];
	[sflag:s14] =	ssyncadd.s32 $0xFFFFF000  }
0x147: {  	[hbm4b:s1+s2] =	stream.linear.scatter [tilespmem:s12], [sflag:$0x4], $0x5000, $0x38;
	[tilespmem:$0x10900] =	vst v63  }
0x148: {  	_ =	swait.ge [sflag:s6], $0x1000  }
0x149: {  	[sflag:s6] =	ssyncset.done $0x0  }
0x14a: {  	[sflag:s6] =	ssyncadd.s32 $0xFFFFF000  }
0x14b: {  	_ =	swait.ge [sflag:s6], $0x1000  }
0x14c: {  	[sflag:s6] =	ssyncset.done $0x0  }
0x14d: {  	[sflag:s6] =	ssyncadd.s32 $0xFFFFF000  }
0x14e: {  	_ =	swait.ge [sflag:s6], $0x1000  }
0x14f: {  	[sflag:s6] =	ssyncset.done $0x0  }
0x150: {  	[sflag:s6] =	ssyncadd.s32 $0xFFFFF000  }
0x151: {  	_ =	swait.ge [sflag:s6], $0x1000  }
0x152: {  	[sflag:s6] =	ssyncset.done $0x0  }
0x153: {  	[sflag:s6] =	ssyncadd.s32 $0xFFFFF000  }
0x154: {  	_ =	swait.ge [sflag:s6], $0x1000  }
0x155: {  	[sflag:s6] =	ssyncset.done $0x0  }
0x156: {  	p1 =	sne.s32 s16, $0x1;
	s1 =	rddreg [dreg:$0xd];
	[sflag:s6] =	ssyncadd.s32 $0xFFFFF000  }
0x157: {  	[hbm4b:s1+s2] =	stream.linear.scatter [tilespmem:s3], [sflag:$0x4], $0x5000, $0x38;
	[tilespmem:$0x10900] =	vst v63  }
.Ltmp1:
0x158: {  	_ =	swait.ge [sflag:s10], $0x5000;
	(pc) =	sbr.rel @!p1 .LBB2_3-.Ltmp1, $4  }
0x159: {  	[sflag:s10] =	ssyncset.done $0x0  }
0x15a: {  	[sflag:s10] =	ssyncadd.s32 $0xFFFFB000  }
0x15b: {  	p0 =	por $0x1, $0x1;
	_ =	swait.ge [sflag:s10], $0x5000  }
0x15c: {  	s1 =	sadd.s32 $0xFFFFFFFF, s16;
	s0 =	rddreg [dreg:$0x3];
	[sflag:s10] =	ssyncset.done $0x0  }
.LBB2_4:
0x15d: {  	[sflag:s10] =	ssyncadd.s32 $0xFFFFB000  }
0x15e: {  	[tilespmem:s2], [sflag:$0x5] =	stream.linear.gather [hbm4b:s0+s2], $0x1900, $0x38;
	[tilespmem:$0x10900] =	vst v63  }
0x15f: {  	_ =	swait.ge [sflag:s31], $0x1900  }
0x160: {  	[sflag:s31] =	ssyncset.done $0x0  }
0x161: {  	[sflag:s31] =	ssyncadd.s32 $0xFFFFE700  }
0x162: {  	[tilespmem:s3], [sflag:$0x1] =	stream.indirect.gather [hbm4b:s4+s5], $0x20, s2, s5, $0xb8;
	[tilespmem:$0x10900] =	vst v63  }
0x163: {  	_ = 	snop  }
0x164: {  	[tilespmem:s7], [sflag:$0x1] =	stream.indirect.gather [hbm4b:s4+s5], $0x20, s5, s5, $0xb8;
	[tilespmem:$0x10900] =	vst v63  }
0x165: {  	s0 =	rddreg [dreg:$0xe]  }
0x166: {  	[tilespmem:s8], [sflag:$0x1] =	stream.indirect.gather [hbm4b:s4+s5], $0x20, s0, s5, $0xb8;
	[tilespmem:$0x10900] =	vst v63  }
0x167: {  	s16 =	rddreg [dreg:$0xf]  }
0x168: {  	[tilespmem:s9], [sflag:$0x1] =	stream.indirect.gather [hbm4b:s4+s5], $0x20, s16, s5, $0xb8;
	[tilespmem:$0x10900] =	vst v63  }
0x169: {  	s0 =	rddreg [dreg:$0x10]  }
0x16a: {  	[tilespmem:s11], [sflag:$0x1] =	stream.indirect.gather [hbm4b:s4+s5], $0x20, s0, s5, $0xb8;
	[tilespmem:$0x10900] =	vst v63  }
0x16b: {  	s16 =	rddreg [dreg:$0x11]  }
0x16c: {  	[tilespmem:s13], [sflag:$0x2] =	stream.indirect.gather [hbm4b:s4+s5], $0x20, s16, s5, $0xb8;
	[tilespmem:$0x10900] =	vst v63  }
0x16d: {  	s0 =	rddreg [dreg:$0x12]  }
0x16e: {  	[tilespmem:s25], [sflag:$0x2] =	stream.indirect.gather [hbm4b:s4+s5], $0x20, s0, s5, $0xb8;
	[tilespmem:$0x10900] =	vst v63  }
0x16f: {  	s16 =	rddreg [dreg:$0x13]  }
0x170: {  	[tilespmem:s26], [sflag:$0x2] =	stream.indirect.gather [hbm4b:s4+s5], $0x20, s16, s5, $0xb8;
	[tilespmem:$0x10900] =	vst v63  }
0x171: {  	s0 =	rddreg [dreg:$0x14]  }
0x172: {  	[tilespmem:s28], [sflag:$0x2] =	stream.indirect.gather [hbm4b:s4+s5], $0x20, s0, s5, $0xb8;
	[tilespmem:$0x10900] =	vst v63  }
0x173: {  	s16 =	rddreg [dreg:$0x15]  }
0x174: {  	[tilespmem:s29], [sflag:$0x2] =	stream.indirect.gather [hbm4b:s4+s5], $0x20, s16, s5, $0xb8;
	[tilespmem:$0x10900] =	vst v63  }
0x175: {  	_ =	swait.ge [sflag:s6], $0x1000  }
0x176: {  	[sflag:s6] =	ssyncset.done $0x0  }
0x177: {  	[sflag:s6] =	ssyncadd.s32 $0xFFFFF000  }
0x178: {  	_ =	swait.ge [sflag:s6], $0x1000  }
0x179: {  	[sflag:s6] =	ssyncset.done $0x0  }
0x17a: {  	[sflag:s6] =	ssyncadd.s32 $0xFFFFF000  }
0x17b: {  	_ =	swait.ge [sflag:s6], $0x1000  }
0x17c: {  	[sflag:s6] =	ssyncset.done $0x0  }
0x17d: {  	[sflag:s6] =	ssyncadd.s32 $0xFFFFF000  }
0x17e: {  	_ =	swait.ge [sflag:s6], $0x1000  }
0x17f: {  	[sflag:s6] =	ssyncset.done $0x0  }
0x180: {  	[sflag:s6] =	ssyncadd.s32 $0xFFFFF000  }
0x181: {  	_ =	swait.ge [sflag:s6], $0x1000  }
0x182: {  	[sflag:s6] =	ssyncset.done $0x0  }
0x183: {  	s0 =	rddreg [dreg:$0x4];
	[sflag:s6] =	ssyncadd.s32 $0xFFFFF000  }
0x184: {  	[hbm4b:s0+s2] =	stream.linear.scatter [tilespmem:s3], [sflag:$0x4], $0x5000, $0x38;
	[tilespmem:$0x10900] =	vst v63  }
0x185: {  	s16 =	rddreg [dreg:$0x16]  }
0x186: {  	[tilespmem:s12], [sflag:$0x3] =	stream.indirect.gather [hbm4b:s4+s5], $0x20, s16, s5, $0xb8;
	[tilespmem:$0x10900] =	vst v63  }
0x187: {  	s0 =	rddreg [dreg:$0x17]  }
0x188: {  	[tilespmem:s21], [sflag:$0x3] =	stream.indirect.gather [hbm4b:s4+s5], $0x20, s0, s5, $0xb8;
	[tilespmem:$0x10900] =	vst v63  }
0x189: {  	s16 =	rddreg [dreg:$0x18]  }
0x18a: {  	[tilespmem:s22], [sflag:$0x3] =	stream.indirect.gather [hbm4b:s4+s5], $0x20, s16, s5, $0xb8;
	[tilespmem:$0x10900] =	vst v63  }
0x18b: {  	s0 =	rddreg [dreg:$0x19]  }
0x18c: {  	[tilespmem:s23], [sflag:$0x3] =	stream.indirect.gather [hbm4b:s4+s5], $0x20, s0, s5, $0xb8;
	[tilespmem:$0x10900] =	vst v63  }
0x18d: {  	s16 =	rddreg [dreg:$0x1a]  }
0x18e: {  	[tilespmem:s24], [sflag:$0x3] =	stream.indirect.gather [hbm4b:s4+s5], $0x20, s16, s5, $0xb8;
	[tilespmem:$0x10900] =	vst v63  }
0x18f: {  	_ =	swait.ge [sflag:s15], $0x1000  }
0x190: {  	[sflag:s15] =	ssyncset.done $0x0  }
0x191: {  	[sflag:s15] =	ssyncadd.s32 $0xFFFFF000  }
0x192: {  	_ =	swait.ge [sflag:s15], $0x1000  }
0x193: {  	[sflag:s15] =	ssyncset.done $0x0  }
0x194: {  	[sflag:s15] =	ssyncadd.s32 $0xFFFFF000  }
0x195: {  	_ =	swait.ge [sflag:s15], $0x1000  }
0x196: {  	[sflag:s15] =	ssyncset.done $0x0  }
0x197: {  	[sflag:s15] =	ssyncadd.s32 $0xFFFFF000  }
0x198: {  	_ =	swait.ge [sflag:s15], $0x1000  }
0x199: {  	[sflag:s15] =	ssyncset.done $0x0  }
0x19a: {  	[sflag:s15] =	ssyncadd.s32 $0xFFFFF000  }
0x19b: {  	_ =	swait.ge [sflag:s15], $0x1000  }
0x19c: {  	[sflag:s15] =	ssyncset.done $0x0  }
0x19d: {  	s16 =	rddreg [dreg:$0x5];
	[sflag:s15] =	ssyncadd.s32 $0xFFFFF000  }
0x19e: {  	[hbm4b:s16+s2] =	stream.linear.scatter [tilespmem:s13], [sflag:$0x4], $0x5000, $0x38;
	[tilespmem:$0x10900] =	vst v63  }
0x19f: {  	_ =	swait.ge [sflag:s10], $0x5000  }
0x1a0: {  	[sflag:s10] =	ssyncset.done $0x0  }
0x1a1: {  	s0 =	rddreg [dreg:$0x1b];
	[sflag:s10] =	ssyncadd.s32 $0xFFFFB000  }
0x1a2: {  	[tilespmem:s3], [sflag:$0x1] =	stream.indirect.gather [hbm4b:s4+s5], $0x20, s0, s5, $0xb8;
	[tilespmem:$0x10900] =	vst v63  }
0x1a3: {  	s16 =	rddreg [dreg:$0x1c]  }
0x1a4: {  	[tilespmem:s7], [sflag:$0x1] =	stream.indirect.gather [hbm4b:s4+s5], $0x20, s16, s5, $0xb8;
	[tilespmem:$0x10900] =	vst v63  }
0x1a5: {  	s0 =	rddreg [dreg:$0x1d]  }
0x1a6: {  	[tilespmem:s8], [sflag:$0x1] =	stream.indirect.gather [hbm4b:s4+s5], $0x20, s0, s5, $0xb8;
	[tilespmem:$0x10900] =	vst v63  }
0x1a7: {  	s16 =	rddreg [dreg:$0x1e]  }
0x1a8: {  	[tilespmem:s9], [sflag:$0x1] =	stream.indirect.gather [hbm4b:s4+s5], $0x20, s16, s5, $0xb8;
	[tilespmem:$0x10900] =	vst v63  }
0x1a9: {  	s0 =	rddreg [dreg:$0x1f]  }
0x1aa: {  	[tilespmem:s11], [sflag:$0x1] =	stream.indirect.gather [hbm4b:s4+s5], $0x20, s0, s5, $0xb8;
	[tilespmem:$0x10900] =	vst v63  }
0x1ab: {  	_ =	swait.ge [sflag:s14], $0x1000  }
0x1ac: {  	[sflag:s14] =	ssyncset.done $0x0  }
0x1ad: {  	[sflag:s14] =	ssyncadd.s32 $0xFFFFF000  }
0x1ae: {  	_ =	swait.ge [sflag:s14], $0x1000  }
0x1af: {  	[sflag:s14] =	ssyncset.done $0x0  }
0x1b0: {  	[sflag:s14] =	ssyncadd.s32 $0xFFFFF000  }
0x1b1: {  	_ =	swait.ge [sflag:s14], $0x1000  }
0x1b2: {  	[sflag:s14] =	ssyncset.done $0x0  }
0x1b3: {  	[sflag:s14] =	ssyncadd.s32 $0xFFFFF000  }
0x1b4: {  	_ =	swait.ge [sflag:s14], $0x1000  }
0x1b5: {  	[sflag:s14] =	ssyncset.done $0x0  }
0x1b6: {  	[sflag:s14] =	ssyncadd.s32 $0xFFFFF000  }
0x1b7: {  	_ =	swait.ge [sflag:s14], $0x1000  }
0x1b8: {  	[sflag:s14] =	ssyncset.done $0x0  }
0x1b9: {  	s16 =	rddreg [dreg:$0x6];
	[sflag:s14] =	ssyncadd.s32 $0xFFFFF000  }
0x1ba: {  	[hbm4b:s16+s2] =	stream.linear.scatter [tilespmem:s12], [sflag:$0x4], $0x5000, $0x38;
	[tilespmem:$0x10900] =	vst v63  }
0x1bb: {  	_ =	swait.ge [sflag:s10], $0x5000  }
0x1bc: {  	s0 =	sld [smem:$0x7E6]  }
0x1bd: {  	[sflag:s10] =	ssyncset.done $0x0  }
0x1be: {  	s16 =	sld [smem:$0x7E7];
	[sflag:s10] =	ssyncadd.s32 $0xFFFFB000  }
0x1bf: {  	[tilespmem:s13], [sflag:$0x2] =	stream.indirect.gather [hbm4b:s4+s5], $0x20, s0, s5, $0xb8;
	[tilespmem:$0x10900] =	vst v63  }
0x1c0: {  	s0 =	sld [smem:$0x7E8]  }
0x1c1: {  	[tilespmem:s25], [sflag:$0x2] =	stream.indirect.gather [hbm4b:s4+s5], $0x20, s16, s5, $0xb8;
	[tilespmem:$0x10900] =	vst v63  }
0x1c2: {  	s16 =	sld [smem:$0x7E9]  }
0x1c3: {  	[tilespmem:s26], [sflag:$0x2] =	stream.indirect.gather [hbm4b:s4+s5], $0x20, s0, s5, $0xb8;
	[tilespmem:$0x10900] =	vst v63  }
0x1c4: {  	s0 =	sld [smem:$0x7EA]  }
0x1c5: {  	[tilespmem:s28], [sflag:$0x2] =	stream.indirect.gather [hbm4b:s4+s5], $0x20, s16, s5, $0xb8;
	[tilespmem:$0x10900] =	vst v63  }
0x1c6: {  	_ = 	snop  }
0x1c7: {  	[tilespmem:s29], [sflag:$0x2] =	stream.indirect.gather [hbm4b:s4+s5], $0x20, s0, s5, $0xb8;
	[tilespmem:$0x10900] =	vst v63  }
0x1c8: {  	_ =	swait.ge [sflag:s6], $0x1000  }
0x1c9: {  	[sflag:s6] =	ssyncset.done $0x0  }
0x1ca: {  	[sflag:s6] =	ssyncadd.s32 $0xFFFFF000  }
0x1cb: {  	_ =	swait.ge [sflag:s6], $0x1000  }
0x1cc: {  	[sflag:s6] =	ssyncset.done $0x0  }
0x1cd: {  	[sflag:s6] =	ssyncadd.s32 $0xFFFFF000  }
0x1ce: {  	_ =	swait.ge [sflag:s6], $0x1000  }
0x1cf: {  	[sflag:s6] =	ssyncset.done $0x0  }
0x1d0: {  	[sflag:s6] =	ssyncadd.s32 $0xFFFFF000  }
0x1d1: {  	_ =	swait.ge [sflag:s6], $0x1000  }
0x1d2: {  	[sflag:s6] =	ssyncset.done $0x0  }
0x1d3: {  	[sflag:s6] =	ssyncadd.s32 $0xFFFFF000  }
0x1d4: {  	_ =	swait.ge [sflag:s6], $0x1000  }
0x1d5: {  	[sflag:s6] =	ssyncset.done $0x0  }
0x1d6: {  	s16 =	rddreg [dreg:$0x7];
	[sflag:s6] =	ssyncadd.s32 $0xFFFFF000  }
0x1d7: {  	[hbm4b:s16+s2] =	stream.linear.scatter [tilespmem:s3], [sflag:$0x4], $0x5000, $0x38;
	[tilespmem:$0x10900] =	vst v63  }
0x1d8: {  	_ =	swait.ge [sflag:s10], $0x5000  }
0x1d9: {  	s0 =	sld [smem:$0x7EB]  }
0x1da: {  	[sflag:s10] =	ssyncset.done $0x0  }
0x1db: {  	s16 =	sld [smem:$0x7EC];
	[sflag:s10] =	ssyncadd.s32 $0xFFFFB000  }
0x1dc: {  	[tilespmem:s12], [sflag:$0x3] =	stream.indirect.gather [hbm4b:s4+s5], $0x20, s0, s5, $0xb8;
	[tilespmem:$0x10900] =	vst v63  }
0x1dd: {  	s0 =	sld [smem:$0x7ED]  }
0x1de: {  	[tilespmem:s21], [sflag:$0x3] =	stream.indirect.gather [hbm4b:s4+s5], $0x20, s16, s5, $0xb8;
	[tilespmem:$0x10900] =	vst v63  }
0x1df: {  	s16 =	sld [smem:$0x7EE]  }
0x1e0: {  	[tilespmem:s22], [sflag:$0x3] =	stream.indirect.gather [hbm4b:s4+s5], $0x20, s0, s5, $0xb8;
	[tilespmem:$0x10900] =	vst v63  }
0x1e1: {  	s0 =	sld [smem:$0x7EF]  }
0x1e2: {  	[tilespmem:s23], [sflag:$0x3] =	stream.indirect.gather [hbm4b:s4+s5], $0x20, s16, s5, $0xb8;
	[tilespmem:$0x10900] =	vst v63  }
0x1e3: {  	_ = 	snop  }
0x1e4: {  	[tilespmem:s24], [sflag:$0x3] =	stream.indirect.gather [hbm4b:s4+s5], $0x20, s0, s5, $0xb8;
	[tilespmem:$0x10900] =	vst v63  }
0x1e5: {  	_ =	swait.ge [sflag:s15], $0x1000  }
0x1e6: {  	[sflag:s15] =	ssyncset.done $0x0  }
0x1e7: {  	[sflag:s15] =	ssyncadd.s32 $0xFFFFF000  }
0x1e8: {  	_ =	swait.ge [sflag:s15], $0x1000  }
0x1e9: {  	[sflag:s15] =	ssyncset.done $0x0  }
0x1ea: {  	[sflag:s15] =	ssyncadd.s32 $0xFFFFF000  }
0x1eb: {  	_ =	swait.ge [sflag:s15], $0x1000  }
0x1ec: {  	[sflag:s15] =	ssyncset.done $0x0  }
0x1ed: {  	[sflag:s15] =	ssyncadd.s32 $0xFFFFF000  }
0x1ee: {  	_ =	swait.ge [sflag:s15], $0x1000  }
0x1ef: {  	[sflag:s15] =	ssyncset.done $0x0  }
0x1f0: {  	[sflag:s15] =	ssyncadd.s32 $0xFFFFF000  }
0x1f1: {  	_ =	swait.ge [sflag:s15], $0x1000  }
0x1f2: {  	[sflag:s15] =	ssyncset.done $0x0  }
0x1f3: {  	s16 =	rddreg [dreg:$0x8];
	[sflag:s15] =	ssyncadd.s32 $0xFFFFF000  }
0x1f4: {  	[hbm4b:s16+s2] =	stream.linear.scatter [tilespmem:s13], [sflag:$0x4], $0x5000, $0x38;
	[tilespmem:$0x10900] =	vst v63  }
0x1f5: {  	_ =	swait.ge [sflag:s10], $0x5000  }
0x1f6: {  	s0 =	sld [smem:$0x7F0]  }
0x1f7: {  	[sflag:s10] =	ssyncset.done $0x0  }
0x1f8: {  	s16 =	sld [smem:$0x7F1];
	[sflag:s10] =	ssyncadd.s32 $0xFFFFB000  }
0x1f9: {  	[tilespmem:s3], [sflag:$0x1] =	stream.indirect.gather [hbm4b:s4+s5], $0x20, s0, s5, $0xb8;
	[tilespmem:$0x10900] =	vst v63  }
0x1fa: {  	s0 =	sld [smem:$0x7F2]  }
0x1fb: {  	[tilespmem:s7], [sflag:$0x1] =	stream.indirect.gather [hbm4b:s4+s5], $0x20, s16, s5, $0xb8;
	[tilespmem:$0x10900] =	vst v63  }
0x1fc: {  	s16 =	sld [smem:$0x7F3]  }
0x1fd: {  	[tilespmem:s8], [sflag:$0x1] =	stream.indirect.gather [hbm4b:s4+s5], $0x20, s0, s5, $0xb8;
	[tilespmem:$0x10900] =	vst v63  }
0x1fe: {  	s0 =	sld [smem:$0x7F4]  }
0x1ff: {  	[tilespmem:s9], [sflag:$0x1] =	stream.indirect.gather [hbm4b:s4+s5], $0x20, s16, s5, $0xb8;
	[tilespmem:$0x10900] =	vst v63  }
0x200: {  	_ = 	snop  }
0x201: {  	[tilespmem:s11], [sflag:$0x1] =	stream.indirect.gather [hbm4b:s4+s5], $0x20, s0, s5, $0xb8;
	[tilespmem:$0x10900] =	vst v63  }
0x202: {  	_ =	swait.ge [sflag:s14], $0x1000  }
0x203: {  	[sflag:s14] =	ssyncset.done $0x0  }
0x204: {  	[sflag:s14] =	ssyncadd.s32 $0xFFFFF000  }
0x205: {  	_ =	swait.ge [sflag:s14], $0x1000  }
0x206: {  	[sflag:s14] =	ssyncset.done $0x0  }
0x207: {  	[sflag:s14] =	ssyncadd.s32 $0xFFFFF000  }
0x208: {  	_ =	swait.ge [sflag:s14], $0x1000  }
0x209: {  	[sflag:s14] =	ssyncset.done $0x0  }
0x20a: {  	[sflag:s14] =	ssyncadd.s32 $0xFFFFF000  }
0x20b: {  	_ =	swait.ge [sflag:s14], $0x1000  }
0x20c: {  	[sflag:s14] =	ssyncset.done $0x0  }
0x20d: {  	[sflag:s14] =	ssyncadd.s32 $0xFFFFF000  }
0x20e: {  	_ =	swait.ge [sflag:s14], $0x1000  }
0x20f: {  	[sflag:s14] =	ssyncset.done $0x0  }
0x210: {  	s16 =	rddreg [dreg:$0x9];
	[sflag:s14] =	ssyncadd.s32 $0xFFFFF000  }
0x211: {  	[hbm4b:s16+s2] =	stream.linear.scatter [tilespmem:s12], [sflag:$0x4], $0x5000, $0x38;
	[tilespmem:$0x10900] =	vst v63  }
0x212: {  	_ =	swait.ge [sflag:s10], $0x5000  }
0x213: {  	s0 =	sld [smem:$0x7F5]  }
0x214: {  	[sflag:s10] =	ssyncset.done $0x0  }
0x215: {  	s16 =	sld [smem:$0x7F6];
	[sflag:s10] =	ssyncadd.s32 $0xFFFFB000  }
0x216: {  	[tilespmem:s13], [sflag:$0x2] =	stream.indirect.gather [hbm4b:s4+s5], $0x20, s0, s5, $0xb8;
	[tilespmem:$0x10900] =	vst v63  }
0x217: {  	s0 =	sld [smem:$0x7F7]  }
0x218: {  	[tilespmem:s25], [sflag:$0x2] =	stream.indirect.gather [hbm4b:s4+s5], $0x20, s16, s5, $0xb8;
	[tilespmem:$0x10900] =	vst v63  }
0x219: {  	s16 =	sld [smem:$0x7F8]  }
0x21a: {  	[tilespmem:s26], [sflag:$0x2] =	stream.indirect.gather [hbm4b:s4+s5], $0x20, s0, s5, $0xb8;
	[tilespmem:$0x10900] =	vst v63  }
0x21b: {  	s0 =	sld [smem:$0x7F9]  }
0x21c: {  	[tilespmem:s28], [sflag:$0x2] =	stream.indirect.gather [hbm4b:s4+s5], $0x20, s16, s5, $0xb8;
	[tilespmem:$0x10900] =	vst v63  }
0x21d: {  	_ = 	snop  }
0x21e: {  	[tilespmem:s29], [sflag:$0x2] =	stream.indirect.gather [hbm4b:s4+s5], $0x20, s0, s5, $0xb8;
	[tilespmem:$0x10900] =	vst v63  }
0x21f: {  	_ =	swait.ge [sflag:s6], $0x1000  }
0x220: {  	[sflag:s6] =	ssyncset.done $0x0  }
0x221: {  	[sflag:s6] =	ssyncadd.s32 $0xFFFFF000  }
0x222: {  	_ =	swait.ge [sflag:s6], $0x1000  }
0x223: {  	[sflag:s6] =	ssyncset.done $0x0  }
0x224: {  	[sflag:s6] =	ssyncadd.s32 $0xFFFFF000  }
0x225: {  	_ =	swait.ge [sflag:s6], $0x1000  }
0x226: {  	[sflag:s6] =	ssyncset.done $0x0  }
0x227: {  	[sflag:s6] =	ssyncadd.s32 $0xFFFFF000  }
0x228: {  	_ =	swait.ge [sflag:s6], $0x1000  }
0x229: {  	[sflag:s6] =	ssyncset.done $0x0  }
0x22a: {  	[sflag:s6] =	ssyncadd.s32 $0xFFFFF000  }
0x22b: {  	_ =	swait.ge [sflag:s6], $0x1000  }
0x22c: {  	[sflag:s6] =	ssyncset.done $0x0  }
0x22d: {  	s16 =	rddreg [dreg:$0xa];
	[sflag:s6] =	ssyncadd.s32 $0xFFFFF000  }
0x22e: {  	[hbm4b:s16+s2] =	stream.linear.scatter [tilespmem:s3], [sflag:$0x4], $0x5000, $0x38;
	[tilespmem:$0x10900] =	vst v63  }
0x22f: {  	_ =	swait.ge [sflag:s10], $0x5000  }
0x230: {  	s0 =	sld [smem:$0x7FA]  }
0x231: {  	[sflag:s10] =	ssyncset.done $0x0  }
0x232: {  	s16 =	sld [smem:$0x7FB];
	[sflag:s10] =	ssyncadd.s32 $0xFFFFB000  }
0x233: {  	[tilespmem:s12], [sflag:$0x3] =	stream.indirect.gather [hbm4b:s4+s5], $0x20, s0, s5, $0xb8;
	[tilespmem:$0x10900] =	vst v63  }
0x234: {  	s0 =	sld [smem:$0x7FC]  }
0x235: {  	[tilespmem:s21], [sflag:$0x3] =	stream.indirect.gather [hbm4b:s4+s5], $0x20, s16, s5, $0xb8;
	[tilespmem:$0x10900] =	vst v63  }
0x236: {  	s16 =	sld [smem:$0x7FD]  }
0x237: {  	[tilespmem:s22], [sflag:$0x3] =	stream.indirect.gather [hbm4b:s4+s5], $0x20, s0, s5, $0xb8;
	[tilespmem:$0x10900] =	vst v63  }
0x238: {  	_ = 	snop  }
0x239: {  	[tilespmem:s23], [sflag:$0x3] =	stream.indirect.gather [hbm4b:s4+s5], $0x20, s16, s5, $0xb8;
	[tilespmem:$0x10900] =	vst v63  }
0x23a: {  	_ = 	snop  }
0x23b: {  	[tilespmem:s24], [sflag:$0x3] =	stream.indirect.gather [hbm4b:s4+s5], $0x20, s17, s5, $0xb8;
	[tilespmem:$0x10900] =	vst v63  }
0x23c: {  	_ =	swait.ge [sflag:s15], $0x1000  }
0x23d: {  	[sflag:s15] =	ssyncset.done $0x0  }
0x23e: {  	[sflag:s15] =	ssyncadd.s32 $0xFFFFF000  }
0x23f: {  	_ =	swait.ge [sflag:s15], $0x1000  }
0x240: {  	[sflag:s15] =	ssyncset.done $0x0  }
0x241: {  	[sflag:s15] =	ssyncadd.s32 $0xFFFFF000  }
0x242: {  	_ =	swait.ge [sflag:s15], $0x1000  }
0x243: {  	[sflag:s15] =	ssyncset.done $0x0  }
0x244: {  	[sflag:s15] =	ssyncadd.s32 $0xFFFFF000  }
0x245: {  	_ =	swait.ge [sflag:s15], $0x1000  }
0x246: {  	[sflag:s15] =	ssyncset.done $0x0  }
0x247: {  	[sflag:s15] =	ssyncadd.s32 $0xFFFFF000  }
0x248: {  	_ =	swait.ge [sflag:s15], $0x1000  }
0x249: {  	[sflag:s15] =	ssyncset.done $0x0  }
0x24a: {  	s16 =	rddreg [dreg:$0xb];
	[sflag:s15] =	ssyncadd.s32 $0xFFFFF000  }
0x24b: {  	[hbm4b:s16+s2] =	stream.linear.scatter [tilespmem:s13], [sflag:$0x4], $0x5000, $0x38;
	[tilespmem:$0x10900] =	vst v63  }
0x24c: {  	_ =	swait.ge [sflag:s10], $0x5000  }
0x24d: {  	[sflag:s10] =	ssyncset.done $0x0  }
0x24e: {  	s16 =	simm.s32 $0x1680;
	[sflag:s10] =	ssyncadd.s32 $0xFFFFB000  }
0x24f: {  	[tilespmem:s3], [sflag:$0x1] =	stream.indirect.gather [hbm4b:s4+s5], $0x20, s16, s5, $0xb8;
	[tilespmem:$0x10900] =	vst v63  }
0x250: {  	_ = 	snop  }
0x251: {  	[tilespmem:s7], [sflag:$0x1] =	stream.indirect.gather [hbm4b:s4+s5], $0x20, s18, s5, $0xb8;
	[tilespmem:$0x10900] =	vst v63  }
0x252: {  	_ = 	snop  }
0x253: {  	[tilespmem:s8], [sflag:$0x1] =	stream.indirect.gather [hbm4b:s4+s5], $0x20, s19, s5, $0xb8;
	[tilespmem:$0x10900] =	vst v63  }
0x254: {  	_ = 	snop  }
0x255: {  	[tilespmem:s9], [sflag:$0x1] =	stream.indirect.gather [hbm4b:s4+s5], $0x20, s20, s5, $0xb8;
	[tilespmem:$0x10900] =	vst v63  }
0x256: {  	_ = 	snop  }
0x257: {  	[tilespmem:s11], [sflag:$0x1] =	stream.indirect.gather [hbm4b:s4+s5], $0x20, s30, s5, $0xb8;
	[tilespmem:$0x10900] =	vst v63  }
0x258: {  	_ =	swait.ge [sflag:s14], $0x1000  }
0x259: {  	[sflag:s14] =	ssyncset.done $0x0  }
0x25a: {  	[sflag:s14] =	ssyncadd.s32 $0xFFFFF000  }
0x25b: {  	_ =	swait.ge [sflag:s14], $0x1000  }
0x25c: {  	[sflag:s14] =	ssyncset.done $0x0  }
0x25d: {  	[sflag:s14] =	ssyncadd.s32 $0xFFFFF000  }
0x25e: {  	_ =	swait.ge [sflag:s14], $0x1000  }
0x25f: {  	[sflag:s14] =	ssyncset.done $0x0  }
0x260: {  	[sflag:s14] =	ssyncadd.s32 $0xFFFFF000  }
0x261: {  	_ =	swait.ge [sflag:s14], $0x1000  }
0x262: {  	[sflag:s14] =	ssyncset.done $0x0  }
0x263: {  	[sflag:s14] =	ssyncadd.s32 $0xFFFFF000  }
0x264: {  	_ =	swait.ge [sflag:s14], $0x1000  }
0x265: {  	[sflag:s14] =	ssyncset.done $0x0  }
0x266: {  	s16 =	rddreg [dreg:$0xc];
	[sflag:s14] =	ssyncadd.s32 $0xFFFFF000  }
0x267: {  	[hbm4b:s16+s2] =	stream.linear.scatter [tilespmem:s12], [sflag:$0x4], $0x5000, $0x38;
	[tilespmem:$0x10900] =	vst v63  }
0x268: {  	_ =	swait.ge [sflag:s6], $0x1000  }
0x269: {  	[sflag:s6] =	ssyncset.done $0x0  }
0x26a: {  	[sflag:s6] =	ssyncadd.s32 $0xFFFFF000  }
0x26b: {  	_ =	swait.ge [sflag:s6], $0x1000  }
0x26c: {  	[sflag:s6] =	ssyncset.done $0x0  }
0x26d: {  	[sflag:s6] =	ssyncadd.s32 $0xFFFFF000  }
0x26e: {  	_ =	swait.ge [sflag:s6], $0x1000  }
0x26f: {  	[sflag:s6] =	ssyncset.done $0x0  }
0x270: {  	[sflag:s6] =	ssyncadd.s32 $0xFFFFF000  }
0x271: {  	_ =	swait.ge [sflag:s6], $0x1000  }
0x272: {  	[sflag:s6] =	ssyncset.done $0x0  }
0x273: {  	[sflag:s6] =	ssyncadd.s32 $0xFFFFF000  }
0x274: {  	_ =	swait.ge [sflag:s6], $0x1000  }
0x275: {  	[sflag:s6] =	ssyncset.done $0x0  }
0x276: {  	p1 =	sne.s32 s1, $0x1;
	s16 =	rddreg [dreg:$0xd];
	[sflag:s6] =	ssyncadd.s32 $0xFFFFF000  }
0x277: {  	[hbm4b:s16+s2] =	stream.linear.scatter [tilespmem:s3], [sflag:$0x4], $0x5000, $0x38;
	[tilespmem:$0x10900] =	vst v63  }
.Ltmp2:
0x278: {  	_ =	swait.ge [sflag:s10], $0x5000;
	(pc) =	sbr.rel @p1 .LBB2_4-.Ltmp2, $4  }
0x279: {  	[sflag:s10] =	ssyncset.done $0x0  }
0x27a: {  	[sflag:s10] =	ssyncadd.s32 $0xFFFFB000  }
0x27b: {  	_ =	swait.ge [sflag:s10], $0x5000  }
0x27c: {  	s1 =	sadd.s32 $0xFFFFFFFF, s1;
	s0 =	rddreg [dreg:$0x3];
	[sflag:s10] =	ssyncset.done $0x0  }
0x27d: {  	s30 =	simm.s32 $0x1600;
	s20 =	simm.s32 $0x1800;
	s19 =	simm.s32 $0x1780  }
0x27e: {  	s18 =	simm.s32 $0x1700;
	s17 =	simm.s32 $0x1680;
	s16 =	stileid.u32  }
.LBB2_6:
0x27f: {  	[sflag:s10] =	ssyncadd.s32 @p0 $0xFFFFB000  }
0x280: {  	[tilespmem:s2], [sflag:$0x5] =	stream.linear.gather [hbm4b:s0+s2], $0x1900, $0x38;
	[tilespmem:$0x10900] =	vst v63  }
0x281: {  	_ =	swait.ge [sflag:s31], $0x1900  }
0x282: {  	[sflag:s31] =	ssyncset.done $0x0  }
0x283: {  	[sflag:s31] =	ssyncadd.s32 $0xFFFFE700  }
0x284: {  	[tilespmem:s3], [sflag:$0x1] =	stream.indirect.gather [hbm4b:s4+s5], $0x20, s2, s5, $0xb8;
	[tilespmem:$0x10900] =	vst v63  }
0x285: {  	_ = 	snop  }
0x286: {  	[tilespmem:s7], [sflag:$0x1] =	stream.indirect.gather [hbm4b:s4+s5], $0x20, s5, s5, $0xb8;
	[tilespmem:$0x10900] =	vst v63  }
0x287: {  	s31 =	rddreg [dreg:$0xe]  }
0x288: {  	[tilespmem:s8], [sflag:$0x1] =	stream.indirect.gather [hbm4b:s4+s5], $0x20, s31, s5, $0xb8;
	[tilespmem:$0x10900] =	vst v63  }
0x289: {  	s1 =	rddreg [dreg:$0xf]  }
0x28a: {  	[tilespmem:s9], [sflag:$0x1] =	stream.indirect.gather [hbm4b:s4+s5], $0x20, s1, s5, $0xb8;
	[tilespmem:$0x10900] =	vst v63  }
0x28b: {  	s0 =	rddreg [dreg:$0x10]  }
0x28c: {  	[tilespmem:s11], [sflag:$0x1] =	stream.indirect.gather [hbm4b:s4+s5], $0x20, s0, s5, $0xb8;
	[tilespmem:$0x10900] =	vst v63  }
0x28d: {  	s31 =	rddreg [dreg:$0x11]  }
0x28e: {  	[tilespmem:s13], [sflag:$0x2] =	stream.indirect.gather [hbm4b:s4+s5], $0x20, s31, s5, $0xb8;
	[tilespmem:$0x10900] =	vst v63  }
0x28f: {  	s0 =	rddreg [dreg:$0x12]  }
0x290: {  	[tilespmem:s25], [sflag:$0x2] =	stream.indirect.gather [hbm4b:s4+s5], $0x20, s0, s5, $0xb8;
	[tilespmem:$0x10900] =	vst v63  }
0x291: {  	s31 =	rddreg [dreg:$0x13]  }
0x292: {  	[tilespmem:s26], [sflag:$0x2] =	stream.indirect.gather [hbm4b:s4+s5], $0x20, s31, s5, $0xb8;
	[tilespmem:$0x10900] =	vst v63  }
0x293: {  	s0 =	rddreg [dreg:$0x14]  }
0x294: {  	[tilespmem:s28], [sflag:$0x2] =	stream.indirect.gather [hbm4b:s4+s5], $0x20, s0, s5, $0xb8;
	[tilespmem:$0x10900] =	vst v63  }
0x295: {  	s31 =	rddreg [dreg:$0x15]  }
0x296: {  	[tilespmem:s29], [sflag:$0x2] =	stream.indirect.gather [hbm4b:s4+s5], $0x20, s31, s5, $0xb8;
	[tilespmem:$0x10900] =	vst v63  }
0x297: {  	_ =	swait.ge [sflag:s6], $0x1000  }
0x298: {  	[sflag:s6] =	ssyncset.done $0x0  }
0x299: {  	[sflag:s6] =	ssyncadd.s32 $0xFFFFF000  }
0x29a: {  	_ =	swait.ge [sflag:s6], $0x1000  }
0x29b: {  	[sflag:s6] =	ssyncset.done $0x0  }
0x29c: {  	[sflag:s6] =	ssyncadd.s32 $0xFFFFF000  }
0x29d: {  	_ =	swait.ge [sflag:s6], $0x1000  }
0x29e: {  	[sflag:s6] =	ssyncset.done $0x0  }
0x29f: {  	[sflag:s6] =	ssyncadd.s32 $0xFFFFF000  }
0x2a0: {  	_ =	swait.ge [sflag:s6], $0x1000  }
0x2a1: {  	[sflag:s6] =	ssyncset.done $0x0  }
0x2a2: {  	[sflag:s6] =	ssyncadd.s32 $0xFFFFF000  }
0x2a3: {  	_ =	swait.ge [sflag:s6], $0x1000  }
0x2a4: {  	[sflag:s6] =	ssyncset.done $0x0  }
0x2a5: {  	s1 =	rddreg [dreg:$0x4];
	[sflag:s6] =	ssyncadd.s32 $0xFFFFF000  }
0x2a6: {  	[hbm4b:s1+s2] =	stream.linear.scatter [tilespmem:s3], [sflag:$0x4], $0x5000, $0x38;
	[tilespmem:$0x10900] =	vst v63  }
0x2a7: {  	s31 =	rddreg [dreg:$0x16]  }
0x2a8: {  	[tilespmem:s12], [sflag:$0x3] =	stream.indirect.gather [hbm4b:s4+s5], $0x20, s31, s5, $0xb8;
	[tilespmem:$0x10900] =	vst v63  }
0x2a9: {  	s0 =	rddreg [dreg:$0x17]  }
0x2aa: {  	[tilespmem:s21], [sflag:$0x3] =	stream.indirect.gather [hbm4b:s4+s5], $0x20, s0, s5, $0xb8;
	[tilespmem:$0x10900] =	vst v63  }
0x2ab: {  	s31 =	rddreg [dreg:$0x18]  }
0x2ac: {  	[tilespmem:s22], [sflag:$0x3] =	stream.indirect.gather [hbm4b:s4+s5], $0x20, s31, s5, $0xb8;
	[tilespmem:$0x10900] =	vst v63  }
0x2ad: {  	s0 =	rddreg [dreg:$0x19]  }
0x2ae: {  	[tilespmem:s23], [sflag:$0x3] =	stream.indirect.gather [hbm4b:s4+s5], $0x20, s0, s5, $0xb8;
	[tilespmem:$0x10900] =	vst v63  }
0x2af: {  	s31 =	rddreg [dreg:$0x1a]  }
0x2b0: {  	[tilespmem:s24], [sflag:$0x3] =	stream.indirect.gather [hbm4b:s4+s5], $0x20, s31, s5, $0xb8;
	[tilespmem:$0x10900] =	vst v63  }
0x2b1: {  	_ =	swait.ge [sflag:s15], $0x1000  }
0x2b2: {  	[sflag:s15] =	ssyncset.done $0x0  }
0x2b3: {  	[sflag:s15] =	ssyncadd.s32 $0xFFFFF000  }
0x2b4: {  	_ =	swait.ge [sflag:s15], $0x1000  }
0x2b5: {  	[sflag:s15] =	ssyncset.done $0x0  }
0x2b6: {  	[sflag:s15] =	ssyncadd.s32 $0xFFFFF000  }
0x2b7: {  	_ =	swait.ge [sflag:s15], $0x1000  }
0x2b8: {  	[sflag:s15] =	ssyncset.done $0x0  }
0x2b9: {  	[sflag:s15] =	ssyncadd.s32 $0xFFFFF000  }
0x2ba: {  	_ =	swait.ge [sflag:s15], $0x1000  }
0x2bb: {  	[sflag:s15] =	ssyncset.done $0x0  }
0x2bc: {  	[sflag:s15] =	ssyncadd.s32 $0xFFFFF000  }
0x2bd: {  	_ =	swait.ge [sflag:s15], $0x1000  }
0x2be: {  	[sflag:s15] =	ssyncset.done $0x0  }
0x2bf: {  	s1 =	rddreg [dreg:$0x5];
	[sflag:s15] =	ssyncadd.s32 $0xFFFFF000  }
0x2c0: {  	[hbm4b:s1+s2] =	stream.linear.scatter [tilespmem:s13], [sflag:$0x4], $0x5000, $0x38;
	[tilespmem:$0x10900] =	vst v63  }
0x2c1: {  	_ =	swait.ge [sflag:s10], $0x5000  }
0x2c2: {  	[sflag:s10] =	ssyncset.done $0x0  }
0x2c3: {  	s31 =	rddreg [dreg:$0x1b];
	[sflag:s10] =	ssyncadd.s32 $0xFFFFB000  }
0x2c4: {  	[tilespmem:s3], [sflag:$0x1] =	stream.indirect.gather [hbm4b:s4+s5], $0x20, s31, s5, $0xb8;
	[tilespmem:$0x10900] =	vst v63  }
0x2c5: {  	s1 =	rddreg [dreg:$0x1c]  }
0x2c6: {  	[tilespmem:s7], [sflag:$0x1] =	stream.indirect.gather [hbm4b:s4+s5], $0x20, s1, s5, $0xb8;
	[tilespmem:$0x10900] =	vst v63  }
0x2c7: {  	s31 =	rddreg [dreg:$0x1d]  }
0x2c8: {  	[tilespmem:s8], [sflag:$0x1] =	stream.indirect.gather [hbm4b:s4+s5], $0x20, s31, s5, $0xb8;
	[tilespmem:$0x10900] =	vst v63  }
0x2c9: {  	s1 =	rddreg [dreg:$0x1e]  }
0x2ca: {  	[tilespmem:s9], [sflag:$0x1] =	stream.indirect.gather [hbm4b:s4+s5], $0x20, s1, s5, $0xb8;
	[tilespmem:$0x10900] =	vst v63  }
0x2cb: {  	s31 =	rddreg [dreg:$0x1f]  }
0x2cc: {  	[tilespmem:s11], [sflag:$0x1] =	stream.indirect.gather [hbm4b:s4+s5], $0x20, s31, s5, $0xb8;
	[tilespmem:$0x10900] =	vst v63  }
0x2cd: {  	_ =	swait.ge [sflag:s14], $0x1000  }
0x2ce: {  	[sflag:s14] =	ssyncset.done $0x0  }
0x2cf: {  	[sflag:s14] =	ssyncadd.s32 $0xFFFFF000  }
0x2d0: {  	_ =	swait.ge [sflag:s14], $0x1000  }
0x2d1: {  	[sflag:s14] =	ssyncset.done $0x0  }
0x2d2: {  	[sflag:s14] =	ssyncadd.s32 $0xFFFFF000  }
0x2d3: {  	_ =	swait.ge [sflag:s14], $0x1000  }
0x2d4: {  	[sflag:s14] =	ssyncset.done $0x0  }
0x2d5: {  	[sflag:s14] =	ssyncadd.s32 $0xFFFFF000  }
0x2d6: {  	_ =	swait.ge [sflag:s14], $0x1000  }
0x2d7: {  	[sflag:s14] =	ssyncset.done $0x0  }
0x2d8: {  	[sflag:s14] =	ssyncadd.s32 $0xFFFFF000  }
0x2d9: {  	_ =	swait.ge [sflag:s14], $0x1000  }
0x2da: {  	[sflag:s14] =	ssyncset.done $0x0  }
0x2db: {  	s1 =	rddreg [dreg:$0x6];
	[sflag:s14] =	ssyncadd.s32 $0xFFFFF000  }
0x2dc: {  	[hbm4b:s1+s2] =	stream.linear.scatter [tilespmem:s12], [sflag:$0x4], $0x5000, $0x38;
	[tilespmem:$0x10900] =	vst v63  }
0x2dd: {  	_ =	swait.ge [sflag:s10], $0x5000  }
0x2de: {  	s31 =	sld [smem:$0x7E6]  }
0x2df: {  	[sflag:s10] =	ssyncset.done $0x0  }
0x2e0: {  	s1 =	sld [smem:$0x7E7];
	[sflag:s10] =	ssyncadd.s32 $0xFFFFB000  }
0x2e1: {  	[tilespmem:s13], [sflag:$0x2] =	stream.indirect.gather [hbm4b:s4+s5], $0x20, s31, s5, $0xb8;
	[tilespmem:$0x10900] =	vst v63  }
0x2e2: {  	s31 =	sld [smem:$0x7E8]  }
0x2e3: {  	[tilespmem:s25], [sflag:$0x2] =	stream.indirect.gather [hbm4b:s4+s5], $0x20, s1, s5, $0xb8;
	[tilespmem:$0x10900] =	vst v63  }
0x2e4: {  	s1 =	sld [smem:$0x7E9]  }
0x2e5: {  	[tilespmem:s26], [sflag:$0x2] =	stream.indirect.gather [hbm4b:s4+s5], $0x20, s31, s5, $0xb8;
	[tilespmem:$0x10900] =	vst v63  }
0x2e6: {  	s31 =	sld [smem:$0x7EA]  }
0x2e7: {  	[tilespmem:s28], [sflag:$0x2] =	stream.indirect.gather [hbm4b:s4+s5], $0x20, s1, s5, $0xb8;
	[tilespmem:$0x10900] =	vst v63  }
0x2e8: {  	_ = 	snop  }
0x2e9: {  	[tilespmem:s29], [sflag:$0x2] =	stream.indirect.gather [hbm4b:s4+s5], $0x20, s31, s5, $0xb8;
	[tilespmem:$0x10900] =	vst v63  }
0x2ea: {  	_ =	swait.ge [sflag:s6], $0x1000  }
0x2eb: {  	[sflag:s6] =	ssyncset.done $0x0  }
0x2ec: {  	[sflag:s6] =	ssyncadd.s32 $0xFFFFF000  }
0x2ed: {  	_ =	swait.ge [sflag:s6], $0x1000  }
0x2ee: {  	[sflag:s6] =	ssyncset.done $0x0  }
0x2ef: {  	[sflag:s6] =	ssyncadd.s32 $0xFFFFF000  }
0x2f0: {  	_ =	swait.ge [sflag:s6], $0x1000  }
0x2f1: {  	[sflag:s6] =	ssyncset.done $0x0  }
0x2f2: {  	[sflag:s6] =	ssyncadd.s32 $0xFFFFF000  }
0x2f3: {  	_ =	swait.ge [sflag:s6], $0x1000  }
0x2f4: {  	[sflag:s6] =	ssyncset.done $0x0  }
0x2f5: {  	[sflag:s6] =	ssyncadd.s32 $0xFFFFF000  }
0x2f6: {  	_ =	swait.ge [sflag:s6], $0x1000  }
0x2f7: {  	[sflag:s6] =	ssyncset.done $0x0  }
0x2f8: {  	s1 =	rddreg [dreg:$0x7];
	[sflag:s6] =	ssyncadd.s32 $0xFFFFF000  }
0x2f9: {  	[hbm4b:s1+s2] =	stream.linear.scatter [tilespmem:s3], [sflag:$0x4], $0x5000, $0x38;
	[tilespmem:$0x10900] =	vst v63  }
0x2fa: {  	_ =	swait.ge [sflag:s10], $0x5000  }
0x2fb: {  	s31 =	sld [smem:$0x7EB]  }
0x2fc: {  	[sflag:s10] =	ssyncset.done $0x0  }
0x2fd: {  	s1 =	sld [smem:$0x7EC];
	[sflag:s10] =	ssyncadd.s32 $0xFFFFB000  }
0x2fe: {  	[tilespmem:s12], [sflag:$0x3] =	stream.indirect.gather [hbm4b:s4+s5], $0x20, s31, s5, $0xb8;
	[tilespmem:$0x10900] =	vst v63  }
0x2ff: {  	s31 =	sld [smem:$0x7ED]  }
0x300: {  	[tilespmem:s21], [sflag:$0x3] =	stream.indirect.gather [hbm4b:s4+s5], $0x20, s1, s5, $0xb8;
	[tilespmem:$0x10900] =	vst v63  }
0x301: {  	s1 =	sld [smem:$0x7EE]  }
0x302: {  	[tilespmem:s22], [sflag:$0x3] =	stream.indirect.gather [hbm4b:s4+s5], $0x20, s31, s5, $0xb8;
	[tilespmem:$0x10900] =	vst v63  }
0x303: {  	s31 =	sld [smem:$0x7EF]  }
0x304: {  	[tilespmem:s23], [sflag:$0x3] =	stream.indirect.gather [hbm4b:s4+s5], $0x20, s1, s5, $0xb8;
	[tilespmem:$0x10900] =	vst v63  }
0x305: {  	_ = 	snop  }
0x306: {  	[tilespmem:s24], [sflag:$0x3] =	stream.indirect.gather [hbm4b:s4+s5], $0x20, s31, s5, $0xb8;
	[tilespmem:$0x10900] =	vst v63  }
0x307: {  	_ =	swait.ge [sflag:s15], $0x1000  }
0x308: {  	[sflag:s15] =	ssyncset.done $0x0  }
0x309: {  	[sflag:s15] =	ssyncadd.s32 $0xFFFFF000  }
0x30a: {  	_ =	swait.ge [sflag:s15], $0x1000  }
0x30b: {  	[sflag:s15] =	ssyncset.done $0x0  }
0x30c: {  	[sflag:s15] =	ssyncadd.s32 $0xFFFFF000  }
0x30d: {  	_ =	swait.ge [sflag:s15], $0x1000  }
0x30e: {  	[sflag:s15] =	ssyncset.done $0x0  }
0x30f: {  	[sflag:s15] =	ssyncadd.s32 $0xFFFFF000  }
0x310: {  	_ =	swait.ge [sflag:s15], $0x1000  }
0x311: {  	[sflag:s15] =	ssyncset.done $0x0  }
0x312: {  	[sflag:s15] =	ssyncadd.s32 $0xFFFFF000  }
0x313: {  	_ =	swait.ge [sflag:s15], $0x1000  }
0x314: {  	[sflag:s15] =	ssyncset.done $0x0  }
0x315: {  	s1 =	rddreg [dreg:$0x8];
	[sflag:s15] =	ssyncadd.s32 $0xFFFFF000  }
0x316: {  	[hbm4b:s1+s2] =	stream.linear.scatter [tilespmem:s13], [sflag:$0x4], $0x5000, $0x38;
	[tilespmem:$0x10900] =	vst v63  }
0x317: {  	_ =	swait.ge [sflag:s10], $0x5000  }
0x318: {  	s31 =	sld [smem:$0x7F0]  }
0x319: {  	[sflag:s10] =	ssyncset.done $0x0  }
0x31a: {  	s1 =	sld [smem:$0x7F1];
	[sflag:s10] =	ssyncadd.s32 $0xFFFFB000  }
0x31b: {  	[tilespmem:s3], [sflag:$0x1] =	stream.indirect.gather [hbm4b:s4+s5], $0x20, s31, s5, $0xb8;
	[tilespmem:$0x10900] =	vst v63  }
0x31c: {  	s31 =	sld [smem:$0x7F2]  }
0x31d: {  	[tilespmem:s7], [sflag:$0x1] =	stream.indirect.gather [hbm4b:s4+s5], $0x20, s1, s5, $0xb8;
	[tilespmem:$0x10900] =	vst v63  }
0x31e: {  	s1 =	sld [smem:$0x7F3]  }
0x31f: {  	[tilespmem:s8], [sflag:$0x1] =	stream.indirect.gather [hbm4b:s4+s5], $0x20, s31, s5, $0xb8;
	[tilespmem:$0x10900] =	vst v63  }
0x320: {  	s31 =	sld [smem:$0x7F4]  }
0x321: {  	[tilespmem:s9], [sflag:$0x1] =	stream.indirect.gather [hbm4b:s4+s5], $0x20, s1, s5, $0xb8;
	[tilespmem:$0x10900] =	vst v63  }
0x322: {  	_ = 	snop  }
0x323: {  	[tilespmem:s11], [sflag:$0x1] =	stream.indirect.gather [hbm4b:s4+s5], $0x20, s31, s5, $0xb8;
	[tilespmem:$0x10900] =	vst v63  }
0x324: {  	_ =	swait.ge [sflag:s14], $0x1000  }
0x325: {  	[sflag:s14] =	ssyncset.done $0x0  }
0x326: {  	[sflag:s14] =	ssyncadd.s32 $0xFFFFF000  }
0x327: {  	_ =	swait.ge [sflag:s14], $0x1000  }
0x328: {  	[sflag:s14] =	ssyncset.done $0x0  }
0x329: {  	[sflag:s14] =	ssyncadd.s32 $0xFFFFF000  }
0x32a: {  	_ =	swait.ge [sflag:s14], $0x1000  }
0x32b: {  	[sflag:s14] =	ssyncset.done $0x0  }
0x32c: {  	[sflag:s14] =	ssyncadd.s32 $0xFFFFF000  }
0x32d: {  	_ =	swait.ge [sflag:s14], $0x1000  }
0x32e: {  	[sflag:s14] =	ssyncset.done $0x0  }
0x32f: {  	[sflag:s14] =	ssyncadd.s32 $0xFFFFF000  }
0x330: {  	_ =	swait.ge [sflag:s14], $0x1000  }
0x331: {  	[sflag:s14] =	ssyncset.done $0x0  }
0x332: {  	s1 =	rddreg [dreg:$0x9];
	[sflag:s14] =	ssyncadd.s32 $0xFFFFF000  }
0x333: {  	[hbm4b:s1+s2] =	stream.linear.scatter [tilespmem:s12], [sflag:$0x4], $0x5000, $0x38;
	[tilespmem:$0x10900] =	vst v63  }
0x334: {  	_ =	swait.ge [sflag:s10], $0x5000  }
0x335: {  	s31 =	sld [smem:$0x7F5]  }
0x336: {  	[sflag:s10] =	ssyncset.done $0x0  }
0x337: {  	s1 =	sld [smem:$0x7F6];
	[sflag:s10] =	ssyncadd.s32 $0xFFFFB000  }
0x338: {  	[tilespmem:s13], [sflag:$0x2] =	stream.indirect.gather [hbm4b:s4+s5], $0x20, s31, s5, $0xb8;
	[tilespmem:$0x10900] =	vst v63  }
0x339: {  	s31 =	sld [smem:$0x7F7]  }
0x33a: {  	[tilespmem:s25], [sflag:$0x2] =	stream.indirect.gather [hbm4b:s4+s5], $0x20, s1, s5, $0xb8;
	[tilespmem:$0x10900] =	vst v63  }
0x33b: {  	s25 =	sld [smem:$0x7F8]  }
0x33c: {  	[tilespmem:s26], [sflag:$0x2] =	stream.indirect.gather [hbm4b:s4+s5], $0x20, s31, s5, $0xb8;
	[tilespmem:$0x10900] =	vst v63  }
0x33d: {  	s26 =	sld [smem:$0x7F9]  }
0x33e: {  	[tilespmem:s28], [sflag:$0x2] =	stream.indirect.gather [hbm4b:s4+s5], $0x20, s25, s5, $0xb8;
	[tilespmem:$0x10900] =	vst v63  }
0x33f: {  	_ = 	snop  }
0x340: {  	[tilespmem:s29], [sflag:$0x2] =	stream.indirect.gather [hbm4b:s4+s5], $0x20, s26, s5, $0xb8;
	[tilespmem:$0x10900] =	vst v63  }
0x341: {  	_ =	swait.ge [sflag:s6], $0x1000  }
0x342: {  	[sflag:s6] =	ssyncset.done $0x0  }
0x343: {  	[sflag:s6] =	ssyncadd.s32 $0xFFFFF000  }
0x344: {  	_ =	swait.ge [sflag:s6], $0x1000  }
0x345: {  	[sflag:s6] =	ssyncset.done $0x0  }
0x346: {  	[sflag:s6] =	ssyncadd.s32 $0xFFFFF000  }
0x347: {  	_ =	swait.ge [sflag:s6], $0x1000  }
0x348: {  	[sflag:s6] =	ssyncset.done $0x0  }
0x349: {  	[sflag:s6] =	ssyncadd.s32 $0xFFFFF000  }
0x34a: {  	_ =	swait.ge [sflag:s6], $0x1000  }
0x34b: {  	[sflag:s6] =	ssyncset.done $0x0  }
0x34c: {  	[sflag:s6] =	ssyncadd.s32 $0xFFFFF000  }
0x34d: {  	_ =	swait.ge [sflag:s6], $0x1000  }
0x34e: {  	[sflag:s6] =	ssyncset.done $0x0  }
0x34f: {  	s28 =	rddreg [dreg:$0xa];
	[sflag:s6] =	ssyncadd.s32 $0xFFFFF000  }
0x350: {  	[hbm4b:s28+s2] =	stream.linear.scatter [tilespmem:s3], [sflag:$0x4], $0x5000, $0x38;
	[tilespmem:$0x10900] =	vst v63  }
0x351: {  	_ =	swait.ge [sflag:s10], $0x5000  }
0x352: {  	s29 =	sld [smem:$0x7FA]  }
0x353: {  	[sflag:s10] =	ssyncset.done $0x0  }
0x354: {  	s31 =	sld [smem:$0x7FB];
	[sflag:s10] =	ssyncadd.s32 $0xFFFFB000  }
0x355: {  	[tilespmem:s12], [sflag:$0x3] =	stream.indirect.gather [hbm4b:s4+s5], $0x20, s29, s5, $0xb8;
	[tilespmem:$0x10900] =	vst v63  }
0x356: {  	s25 =	sld [smem:$0x7FC]  }
0x357: {  	[tilespmem:s21], [sflag:$0x3] =	stream.indirect.gather [hbm4b:s4+s5], $0x20, s31, s5, $0xb8;
	[tilespmem:$0x10900] =	vst v63  }
0x358: {  	s26 =	sld [smem:$0x7FD]  }
0x359: {  	[tilespmem:s22], [sflag:$0x3] =	stream.indirect.gather [hbm4b:s4+s5], $0x20, s25, s5, $0xb8;
	[tilespmem:$0x10900] =	vst v63  }
0x35a: {  	_ = 	snop  }
0x35b: {  	[tilespmem:s23], [sflag:$0x3] =	stream.indirect.gather [hbm4b:s4+s5], $0x20, s26, s5, $0xb8;
	[tilespmem:$0x10900] =	vst v63  }
0x35c: {  	_ = 	snop  }
0x35d: {  	[tilespmem:s24], [sflag:$0x3] =	stream.indirect.gather [hbm4b:s4+s5], $0x20, s30, s5, $0xb8;
	[tilespmem:$0x10900] =	vst v63  }
0x35e: {  	_ =	swait.ge [sflag:s15], $0x1000  }
0x35f: {  	[sflag:s15] =	ssyncset.done $0x0  }
0x360: {  	[sflag:s15] =	ssyncadd.s32 $0xFFFFF000  }
0x361: {  	_ =	swait.ge [sflag:s15], $0x1000  }
0x362: {  	[sflag:s15] =	ssyncset.done $0x0  }
0x363: {  	[sflag:s15] =	ssyncadd.s32 $0xFFFFF000  }
0x364: {  	_ =	swait.ge [sflag:s15], $0x1000  }
0x365: {  	[sflag:s15] =	ssyncset.done $0x0  }
0x366: {  	[sflag:s15] =	ssyncadd.s32 $0xFFFFF000  }
0x367: {  	_ =	swait.ge [sflag:s15], $0x1000  }
0x368: {  	[sflag:s15] =	ssyncset.done $0x0  }
0x369: {  	[sflag:s15] =	ssyncadd.s32 $0xFFFFF000  }
0x36a: {  	_ =	swait.ge [sflag:s15], $0x1000  }
0x36b: {  	[sflag:s15] =	ssyncset.done $0x0  }
0x36c: {  	s28 =	rddreg [dreg:$0xb];
	[sflag:s15] =	ssyncadd.s32 $0xFFFFF000  }
0x36d: {  	[hbm4b:s28+s2] =	stream.linear.scatter [tilespmem:s13], [sflag:$0x4], $0x5000, $0x38;
	[tilespmem:$0x10900] =	vst v63  }
0x36e: {  	_ =	swait.ge [sflag:s10], $0x5000  }
0x36f: {  	[sflag:s10] =	ssyncset.done $0x0  }
0x370: {  	[sflag:s10] =	ssyncadd.s32 $0xFFFFB000  }
0x371: {  	[tilespmem:s3], [sflag:$0x1] =	stream.indirect.gather [hbm4b:s4+s5], $0x20, s17, s5, $0xb8;
	[tilespmem:$0x10900] =	vst v63  }
0x372: {  	_ = 	snop  }
0x373: {  	[tilespmem:s7], [sflag:$0x1] =	stream.indirect.gather [hbm4b:s4+s5], $0x20, s18, s5, $0xb8;
	[tilespmem:$0x10900] =	vst v63  }
0x374: {  	_ = 	snop  }
0x375: {  	[tilespmem:s8], [sflag:$0x1] =	stream.indirect.gather [hbm4b:s4+s5], $0x20, s19, s5, $0xb8;
	[tilespmem:$0x10900] =	vst v63  }
0x376: {  	_ = 	snop  }
0x377: {  	[tilespmem:s9], [sflag:$0x1] =	stream.indirect.gather [hbm4b:s4+s5], $0x20, s20, s5, $0xb8;
	[tilespmem:$0x10900] =	vst v63  }
0x378: {  	s29 =	simm.s32 $0x1880  }
0x379: {  	[tilespmem:s11], [sflag:$0x1] =	stream.indirect.gather [hbm4b:s4+s5], $0x20, s29, s5, $0xb8;
	[tilespmem:$0x10900] =	vst v63  }
0x37a: {  	_ =	swait.ge [sflag:s14], $0x1000  }
0x37b: {  	[sflag:s14] =	ssyncset.done $0x0  }
0x37c: {  	[sflag:s14] =	ssyncadd.s32 $0xFFFFF000  }
0x37d: {  	_ =	swait.ge [sflag:s14], $0x1000  }
0x37e: {  	[sflag:s14] =	ssyncset.done $0x0  }
0x37f: {  	[sflag:s14] =	ssyncadd.s32 $0xFFFFF000  }
0x380: {  	_ =	swait.ge [sflag:s14], $0x1000  }
0x381: {  	[sflag:s14] =	ssyncset.done $0x0  }
0x382: {  	[sflag:s14] =	ssyncadd.s32 $0xFFFFF000  }
0x383: {  	_ =	swait.ge [sflag:s14], $0x1000  }
0x384: {  	[sflag:s14] =	ssyncset.done $0x0  }
0x385: {  	[sflag:s14] =	ssyncadd.s32 $0xFFFFF000  }
0x386: {  	_ =	swait.ge [sflag:s14], $0x1000  }
0x387: {  	[sflag:s14] =	ssyncset.done $0x0  }
0x388: {  	s30 =	rddreg [dreg:$0xc];
	[sflag:s14] =	ssyncadd.s32 $0xFFFFF000  }
0x389: {  	[hbm4b:s30+s2] =	stream.linear.scatter [tilespmem:s12], [sflag:$0x4], $0x5000, $0x38;
	[tilespmem:$0x10900] =	vst v63  }
0x38a: {  	_ =	swait.ge [sflag:s6], $0x1000  }
0x38b: {  	[sflag:s6] =	ssyncset.done $0x0  }
0x38c: {  	[sflag:s6] =	ssyncadd.s32 $0xFFFFF000  }
0x38d: {  	_ =	swait.ge [sflag:s6], $0x1000  }
0x38e: {  	[sflag:s6] =	ssyncset.done $0x0  }
0x38f: {  	[sflag:s6] =	ssyncadd.s32 $0xFFFFF000  }
0x390: {  	_ =	swait.ge [sflag:s6], $0x1000  }
0x391: {  	[sflag:s6] =	ssyncset.done $0x0  }
0x392: {  	[sflag:s6] =	ssyncadd.s32 $0xFFFFF000  }
0x393: {  	_ =	swait.ge [sflag:s6], $0x1000  }
0x394: {  	[sflag:s6] =	ssyncset.done $0x0  }
0x395: {  	[sflag:s6] =	ssyncadd.s32 $0xFFFFF000  }
0x396: {  	_ =	swait.ge [sflag:s6], $0x1000  }
0x397: {  	[sflag:s6] =	ssyncset.done $0x0  }
0x398: {  	s31 =	rddreg [dreg:$0xd];
	[sflag:s6] =	ssyncadd.s32 $0xFFFFF000  }
0x399: {  	[hbm4b:s31+s2] =	stream.linear.scatter [tilespmem:s3], [sflag:$0x4], $0x5000, $0x38;
	[tilespmem:$0x10900] =	vst v63  }
0x39a: {  	_ =	swait.ge [sflag:s10], $0x5000  }
0x39b: {  	[sflag:s10] =	ssyncset.done $0x0  }
0x39c: {  	[sflag:s10] =	ssyncadd.s32 $0xFFFFB000  }
0x39d: {  	_ =	swait.ge [sflag:s10], $0x5000  }
0x39e: {  	[sflag:s10] =	ssyncset.done $0x0  }
0x39f: {  	[sflag:s10] =	ssyncadd.s32 $0xFFFFB000  }
0x3a0: {  	_ =	sfence.sel $0x180000  }
0x3a1: {  	[bflag:$0x0] =	sbarrier.arrive $0xFFFF  }
0x3a2: {  	_ =	strace $0x90000047  }
0x3a3: {  	[bflag:$0x2] =	sbarrier.arrive $0xFFFF  }
0x3a4: {  	p0 =	sne.s32 s16, $0x0;
	s0 =	rddreg [dreg:$0x2]  }
0x3a5: {  	s0 =	sadd.s32 @!p0 $0x100000, s0  }
0x3a6: {  	[sflag:s0] =	ssyncadd.tile.s32 @!p0 $0x1;
	_ =	shalt  }
.LBB2_1:
.Ltmp3:
0x3a7: {  	(pc) =	sbr.rel .LBB2_6-.Ltmp3, $3  }
0x3a8: {  	_ =	sdelay $0x1  }
0x3a9: {  	s30 =	simm.s32 $0x1600;
	s20 =	simm.s32 $0x1800  }
0x3aa: {  	s19 =	simm.s32 $0x1780;
	s18 =	simm.s32 $0x1700;
	s17 =	simm.s32 $0x1680  }
.LBB2_3:
.Ltmp4:
0x3ab: {  	(pc) =	sbr.rel .LBB2_6-.Ltmp4, $3  }
0x3ac: {  	_ =	sdelay $0x1  }
0x3ad: {  	s30 =	simm.s32 $0x1600;
	s20 =	simm.s32 $0x1800;
	s19 =	simm.s32 $0x1780  }
0x3ae: {  	s18 =	simm.s32 $0x1700;
	s17 =	simm.s32 $0x1680;
	s16 =	stileid.u32  }
.Lfunc_end2:
_tile_overlayer_lowered:
.L_overlay_start_2:
0x3af: {  	(tag) =	ssettag $0x2  }
0x3b0: {  	s0 =	rddreg [dreg:$0x0];
	s2 =	stileid.u32  }
0x3b1: {  	s1 =	rddreg [dreg:$0x1];
	p0 =	sne.s32 s2, $0x0  }
0x3b2: {  	s3 =	rddreg [dreg:$0x2];
	[bflag:$0x3] =	sbarrier.arrive $0xFFFF;
	s2 =	simm.s32 @!p0 $0x1C05  }
0x3b3: {  	[timem:s3], [sflag:s2] =	dma.local @!p0 [hbm:s0], s1  }
0x3b4: {  	s0 =	simm.s32 @!p0 $0x5  }
0x3b5: {  	_ =	swait.ge @!p0 [sflag:s0], s1  }
0x3b6: {  	s1 =	ssub.s32 @!p0 $0x0, s1;
	[sflag:s0] =	ssyncset.done @!p0 $0x0  }
0x3b7: {  	[sflag:s0] =	ssyncadd.s32 @!p0 s1  }
0x3b8: {  	[bflag:$0x3] =	sbarrier.arrive $0xFFFF  }
0x3b9: {  	_ =	shalt  }

</sc_bundles>
